<compile_context>
chip_gen: v7x
topology: tpu7x:2x2x1
jax: 0.10.2.dev20260603
libtpu: 0.0.44.dev20260713+nightly
codegen_flags: <defaults>
</compile_context>

<pallas_src>
import functools

import jax
import jax.numpy as jnp
from jax import lax
from jax.experimental import pallas as pl
from jax.experimental.pallas import tpu as pltpu
from jax.experimental.pallas import tpu_sc as plsc

_B = 1024
_NFEAT = 128
_TDIM = 32
_NCLASS = 64
_F1, _F2 = 16, 16
_BF1, _BF2 = 16, 16

_NW = 32
_RPW = _B // _NW
_IPW = _RPW * _BF1
_ICH = _IPW // 128


def _sc_body(idx_hbm, table_hbm, out_hbm, idx_v, tidx_v, sub_v, tiles_v,
             res_v, sem):
    wid = lax.axis_index("s") * 2 + lax.axis_index("c")
    pltpu.sync_copy(idx_hbm.at[wid], idx_v)
    for t in range(_RPW):
        v = idx_v[t // 8, pl.ds((t % 8) * 16, 16)]
        tidx_v[t, :] = v >> 3
        sub_v[t, :] = v & 7

    def root_body(r, carry):
        tv = tidx_v[r, :]
        sv = sub_v[r, :]
        copies = [
            pltpu.async_copy(
                table_hbm.at[pl.ds(tv[j] * 8, 8)], tiles_v.at[j], sem)
            for j in range(_BF1)
        ]
        for cp in copies:
            cp.wait()
        a0 = tiles_v[0, sv[0], pl.ds(0, 16)]
        a1 = tiles_v[0, sv[0], pl.ds(16, 16)]
        for j in range(1, _BF1):
            sj = sv[j]
            a0 = jnp.maximum(a0, tiles_v[j, sj, pl.ds(0, 16)])
            a1 = jnp.maximum(a1, tiles_v[j, sj, pl.ds(16, 16)])
        res_v[r, pl.ds(0, 16)] = a0
        res_v[r, pl.ds(16, 16)] = a1
        return carry

    lax.fori_loop(0, _RPW, root_body, 0)
    pltpu.sync_copy(res_v, out_hbm.at[pl.ds(wid * _RPW, _RPW)])


@functools.cache
def _sc_gather_max():
    return functools.partial(
        pl.kernel,
        out_type=jax.ShapeDtypeStruct((_B, _TDIM), jnp.float32),
        mesh=plsc.VectorSubcoreMesh(core_axis_name="c", subcore_axis_name="s"),
        scratch_types=[
            pltpu.VMEM((_ICH, 128), jnp.int32),
            pltpu.VMEM((_RPW, _BF1), jnp.int32),
            pltpu.VMEM((_RPW, _BF1), jnp.int32),
            pltpu.VMEM((_BF1, 8, _TDIM), jnp.float32),
            pltpu.VMEM((_RPW, _TDIM), jnp.float32),
            pltpu.SemaphoreType.DMA,
        ],
    )(_sc_body)

_RB = 32
_GRID = _B // _RB


def _tc_heavy_body(x0_ref, x1_ref, x2_ref, xbi2_ref, w_ref,
                   e0_ref, e1_ref, e2_ref, b2_ref):
    w = w_ref[...].astype(jnp.bfloat16)

    def pooled(h, groups):
        return jnp.max(h.reshape(_RB, groups, _TDIM), axis=1)

    e0_ref[...] = jnp.dot(x0_ref[...].astype(jnp.bfloat16), w,
                          preferred_element_type=jnp.float32)
    h1 = jnp.dot(x1_ref[...].astype(jnp.bfloat16), w,
                 preferred_element_type=jnp.float32)
    e1_ref[...] = pooled(h1, _F1)
    h2 = jnp.dot(x2_ref[...].astype(jnp.bfloat16), w,
                 preferred_element_type=jnp.float32)
    e2_ref[...] = pooled(h2, _F1 * _F2)
    hb2 = jnp.dot(xbi2_ref[...].astype(jnp.bfloat16), w,
                  preferred_element_type=jnp.float32)
    b2_ref[...] = pooled(hb2, _BF1 * _BF2)


def _tc_heavy(x_0, x_1, x_2, xbi_2, w):
    o = jax.ShapeDtypeStruct((_B, _TDIM), jnp.float32)
    return pl.pallas_call(
        _tc_heavy_body,
        grid=(_GRID,),
        in_specs=[
            pl.BlockSpec((_RB, _NFEAT), lambda i: (i, 0)),
            pl.BlockSpec((_RB * _F1, _NFEAT), lambda i: (i, 0)),
            pl.BlockSpec((_RB * _F1 * _F2, _NFEAT), lambda i: (i, 0)),
            pl.BlockSpec((_RB * _BF1 * _BF2, _NFEAT), lambda i: (i, 0)),
            pl.BlockSpec((_NFEAT, _TDIM), lambda i: (0, 0)),
        ],
        out_specs=[pl.BlockSpec((_RB, _TDIM), lambda i: (i, 0))] * 4,
        out_shape=[o, o, o, o],
        compiler_params=pltpu.CompilerParams(
            dimension_semantics=("arbitrary",),
        ),
    )(x_0, x_1, x_2, xbi_2, w)


def _tc_tail_body(e0_ref, e1_ref, e2_ref, b1_ref, b2_ref,
                  l1w_ref, l1b_ref, l2w_ref, l2b_ref, out_ref):
    e0, e1, e2 = e0_ref[...], e1_ref[...], e2_ref[...]
    b1, b2 = b1_ref[...], b2_ref[...]
    cross = [e0 * b1, e0 * b2, e1 * b1, e1 * b2, e2 * b1, e2 * b2, e0, e1, e2]
    l1w = l1w_ref[...]
    l1b = l1b_ref[0, 0]
    att = [jnp.sum(c * l1w, axis=1, keepdims=True) + l1b for c in cross]
    m = att[0]
    for a in att[1:]:
        m = jnp.maximum(m, a)
    ex = [jnp.exp(a - m) for a in att]
    s = ex[0]
    for e in ex[1:]:
        s = s + e
    inv = 1.0 / s
    hidden = cross[0] * (ex[0] * inv)
    for c, e in zip(cross[1:], ex[1:]):
        hidden = hidden + c * (e * inv)

    out = jnp.dot(hidden, l2w_ref[...], preferred_element_type=jnp.float32)
    out = out + l2b_ref[...]
    om = jnp.max(out, axis=1, keepdims=True)
    out = out - om
    out_ref[...] = out - jnp.log(jnp.sum(jnp.exp(out), axis=1, keepdims=True))


def _tc_tail(e0, e1, e2, b1, b2, l1w, l1b, l2w, l2b):
    full = pl.BlockSpec((_B, _TDIM), lambda: (0, 0))
    return pl.pallas_call(
        _tc_tail_body,
        in_specs=[
            full, full, full, full, full,
            pl.BlockSpec((1, _TDIM), lambda: (0, 0)),
            pl.BlockSpec((1, 1), lambda: (0, 0)),
            pl.BlockSpec((_TDIM, _NCLASS), lambda: (0, 0)),
            pl.BlockSpec((1, _NCLASS), lambda: (0, 0)),
        ],
        out_specs=pl.BlockSpec((_B, _NCLASS), lambda: (0, 0)),
        out_shape=jax.ShapeDtypeStruct((_B, _NCLASS), jnp.float32),
    )(e0, e1, e2, b1, b2, l1w, l1b, l2w, l2b)


def kernel(x_0, x_1, x_2, xbi_0, xbi_1, xbi_2, weight_trans, table,
           lin1_w, lin1_b, lin2_w, lin2_b):
    del xbi_0
    idx = xbi_1.astype(jnp.int32).reshape(_NW, _ICH, 128)
    b1 = _sc_gather_max()(idx, table)
    e0, e1, e2, b2 = _tc_heavy(x_0, x_1, x_2, xbi_2, weight_trans)
    return _tc_tail(
        e0, e1, e2, b1, b2,
        lin1_w.reshape(1, _TDIM), lin1_b.reshape(1, 1),
        lin2_w, lin2_b.reshape(1, _NCLASS),
    )

# --- scband reference (transcript-rebuilt; emitter-appended) ---
"""Pipeline reference for scband-gcrbi2-58789512348202 (READ-ONLY COPY).

The authoritative reference and input builder live on the scoring server;
editing this copy changes nothing except your own understanding.
"""

import jax, jax.numpy as jnp
import numpy as np

B = 1024
NFEAT = 128
TDIM = 32
TNUM = 1000000
NCLASS = 64
F1, F2 = 16, 16
BF1, BF2 = 16, 16


def setup_inputs(seed: int = 0) -> dict:
    key = jax.random.key(seed)
    ks = jax.random.split(key, 12)
    inp = {}
    inp["x_0"] = jax.random.normal(ks[0], (B, NFEAT), dtype=jnp.float32)
    inp["x_1"] = jax.random.normal(ks[1], (B * F1, NFEAT), dtype=jnp.float32)
    inp["x_2"] = jax.random.normal(ks[2], (B * F1 * F2, NFEAT), dtype=jnp.float32)
    inp["xbi_0"] = jax.random.normal(ks[3], (B, NFEAT), dtype=jnp.float32)
    inp["xbi_1"] = jax.random.randint(ks[4], (B * BF1,), 0, TNUM)
    inp["xbi_2"] = jax.random.normal(ks[5], (B * BF1 * BF2, NFEAT), dtype=jnp.float32)
    stdv = 1.0 / np.sqrt(TDIM)
    inp["weight_trans"] = jax.random.uniform(ks[6], (NFEAT, TDIM), minval=-stdv, maxval=stdv, dtype=jnp.float32)
    inp["table"] = jax.random.normal(ks[7], (TNUM, TDIM), dtype=jnp.float32)
    inp["lin1_w"] = jax.random.normal(ks[8], (TDIM, 1), dtype=jnp.float32) * 0.1
    inp["lin1_b"] = jnp.zeros((1,), dtype=jnp.float32)
    inp["lin2_w"] = jax.random.normal(ks[9], (TDIM, NCLASS), dtype=jnp.float32) * 0.1
    inp["lin2_b"] = jnp.zeros((NCLASS,), dtype=jnp.float32)
    return inp


def reference(x_0, x_1, x_2, xbi_0, xbi_1, xbi_2, weight_trans, table, lin1_w, lin1_b, lin2_w, lin2_b):
    # emb_transform: spmm(x, weight_trans) for each hop of the root tree
    e0 = x_0 @ weight_trans                                                   # [B, TDIM]
    e1 = jnp.max((x_1 @ weight_trans).reshape(-1, F1, TDIM), axis=1)          # [B, TDIM]
    e2 = jnp.max((x_2 @ weight_trans).reshape(-1, F1 * F2, TDIM), axis=1)     # [B, TDIM]
    x1_layer = [e0, e1, e2]
    # table_embedding on x_bi: even idx -> spmm, odd idx -> embedding lookup
    _ = xbi_0 @ weight_trans  # computed in torch, then dropped by x_bi = x_bi[1:]
    b1 = jnp.take(table, xbi_1, axis=0).reshape(-1, TDIM)                     # [B*BF1, TDIM]
    b2 = xbi_2 @ weight_trans                                                 # [B*BF1*BF2, TDIM]
    b1 = jnp.max(b1.reshape(-1, BF1, TDIM), axis=1)                           # [B, TDIM]
    b2 = jnp.max(b2.reshape(-1, BF1 * BF2, TDIM), axis=1)                     # [B, TDIM]
    x_bi = [b1, b2]
    # bi_cross_layer: all pairwise Hadamard products (3 x 2 = 6), then + x1_layer -> 9
    cross = [xi * xj for xi in x1_layer for xj in x_bi]
    cross = cross + x1_layer
    stacked = jnp.stack(cross, axis=1)                                        # [B, 9, TDIM]
    att = stacked @ lin1_w + lin1_b                                           # [B, 9, 1]
    att = jax.nn.softmax(att, axis=1)
    hidden = jnp.sum(att * stacked, axis=1)                                   # [B, TDIM]
    out = hidden @ lin2_w + lin2_b                                            # [B, NCLASS]
    return jax.nn.log_softmax(out, axis=1)

if __name__ == "__main__":
    import jax
    _d = setup_inputs()
    print(jax.jit(kernel)(*tuple(_d.values())))

</pallas_src>

<mosaic_0001>
#map = affine_map<(d0, d1) -> (0, 0, 0)>
#map1 = affine_map<(d0, d1) -> (0, 0)>
module attributes {stable_mosaic.version = 14 : i64} {
  func.func @_sc_body(%arg0: i32, %arg1: i32, %arg2: memref<32x4x128xi32, #tpu.memory_space<hbm>>, %arg3: memref<1000000x32xf32, #tpu.memory_space<hbm>>, %arg4: memref<1024x32xf32, #tpu.memory_space<hbm>>, %arg5: memref<4x128xi32, #tpu.memory_space<vmem>>, %arg6: memref<32x16xi32, #tpu.memory_space<vmem>>, %arg7: memref<32x16xi32, #tpu.memory_space<vmem>>, %arg8: memref<16x8x32xf32, #tpu.memory_space<vmem>>, %arg9: memref<32x32xf32, #tpu.memory_space<vmem>>, %arg10: memref<!tpu.dma_semaphore, #tpu.memory_space<semaphore_mem>>) attributes {dimension_semantics = [#tpu.dimension_semantics<core_parallel>, #tpu.dimension_semantics<subcore_parallel>], iteration_bounds = array<i64: 2, 16>, scalar_prefetch = 0 : i64, scratch_operands = 6 : i64, tpu.core_type = #tpu.core_type<sc_vector_subcore>, window_params = [{transform_indices = #map}, {transform_indices = #map1}, {transform_indices = #map1}]} {
    %mul3A = arith.constant 2 : i32
    %mul3A_0 = arith.muli %arg1, %mul3A : i32
    %add3A = arith.addi %mul3A_0, %arg0 : i32
    "tpu.region"() ({
      %run_scoped3A = tpu.sem_alloc : memref<!tpu.dma_semaphore, #tpu.memory_space<semaphore_mem>>
      %dma_start3A = arith.constant 0 : i32
      %dma_start3A_740 = arith.constant 0 : i32
      %dma_start3A_741 = tpu.memref_slice %arg2[%add3A, %dma_start3A, %dma_start3A_740] : memref<32x4x128xi32, #tpu.memory_space<hbm>> -> memref<1x4x128xi32, #tpu.memory_space<hbm>>
      %dma_start3A_742 = tpu.memref_squeeze %dma_start3A_741 : memref<1x4x128xi32, #tpu.memory_space<hbm>> -> memref<4x128xi32, #tpu.memory_space<hbm>>
      %dma_start3A_743 = arith.constant 0 : i32
      %dma_start3A_744 = arith.constant 0 : i32
      %dma_start3A_745 = tpu.memref_slice %arg2[%add3A, %dma_start3A_743, %dma_start3A_744] : memref<32x4x128xi32, #tpu.memory_space<hbm>> -> memref<1x4x128xi32, #tpu.memory_space<hbm>>
      %dma_start3A_746 = tpu.memref_squeeze %dma_start3A_745 : memref<1x4x128xi32, #tpu.memory_space<hbm>> -> memref<4x128xi32, #tpu.memory_space<hbm>>
      tpu.enqueue_dma source(%dma_start3A_746 : memref<4x128xi32, #tpu.memory_space<hbm>>) target(%arg5 : memref<4x128xi32, #tpu.memory_space<vmem>>) target_semaphore(%run_scoped3A : memref<!tpu.dma_semaphore, #tpu.memory_space<semaphore_mem>>)
      %dma_wait3A = arith.constant 0 : i32
      %dma_wait3A_747 = arith.constant 0 : i32
      %dma_wait3A_748 = tpu.memref_slice %arg2[%add3A, %dma_wait3A, %dma_wait3A_747] : memref<32x4x128xi32, #tpu.memory_space<hbm>> -> memref<1x4x128xi32, #tpu.memory_space<hbm>>
      %dma_wait3A_749 = tpu.memref_squeeze %dma_wait3A_748 : memref<1x4x128xi32, #tpu.memory_space<hbm>> -> memref<4x128xi32, #tpu.memory_space<hbm>>
      %dma_wait3A_750 = arith.constant 0 : i32
      %dma_wait3A_751 = arith.constant 0 : i32
      %dma_wait3A_752 = tpu.memref_slice %arg2[%add3A, %dma_wait3A_750, %dma_wait3A_751] : memref<32x4x128xi32, #tpu.memory_space<hbm>> -> memref<1x4x128xi32, #tpu.memory_space<hbm>>
      %dma_wait3A_753 = tpu.memref_squeeze %dma_wait3A_752 : memref<1x4x128xi32, #tpu.memory_space<hbm>> -> memref<4x128xi32, #tpu.memory_space<hbm>>
      tpu.wait_dma2 semaphore(%run_scoped3A : memref<!tpu.dma_semaphore, #tpu.memory_space<semaphore_mem>>) src(%dma_wait3A_753 : memref<4x128xi32, #tpu.memory_space<hbm>>) dst(%arg5 : memref<4x128xi32, #tpu.memory_space<vmem>>)
      tpu.yield
    }) : () -> ()
    %get3A = arith.constant 0 : i32
    %get3A_1 = arith.index_cast %get3A : i32 to index
    %get3A_2 = arith.constant 0 : index
    %get3A_3 = tpu.vector_load %arg5[%get3A_1, %get3A_2] {strides = array<i32>} : memref<4x128xi32, #tpu.memory_space<vmem>>, vector<1x16xi32>,
    %get3A_4 = vector.shape_cast %get3A_3 : vector<1x16xi32> to vector<16xi32>
    %shift_right_arithmetic3A = arith.constant 3 : i32
    %shift_right_arithmetic3A_5 = vector.broadcast %shift_right_arithmetic3A : i32 to vector<16xi32>
    %shift_right_arithmetic3A_6 = arith.shrsi %get3A_4, %shift_right_arithmetic3A_5 : vector<16xi32>
    %swap3A = arith.constant 0 : i32
    %swap3A_7 = arith.index_cast %swap3A : i32 to index
    %swap3A_8 = arith.constant 0 : index
    %swap3A_9 = tpu.vector_load %arg6[%swap3A_7, %swap3A_8] {strides = array<i32>} : memref<32x16xi32, #tpu.memory_space<vmem>>, vector<1x16xi32>,
    %swap3A_10 = vector.shape_cast %swap3A_9 : vector<1x16xi32> to vector<16xi32>
    %swap3A_11 = vector.shape_cast %shift_right_arithmetic3A_6 : vector<16xi32> to vector<1x16xi32>
    tpu.vector_store %arg6[%swap3A_7, %swap3A_8], %swap3A_11 {strides = array<i32>} : memref<32x16xi32, #tpu.memory_space<vmem>>, vector<1x16xi32>,
    %and3A = arith.constant 7 : i32
    %and3A_12 = vector.broadcast %and3A : i32 to vector<16xi32>
    %and3A_13 = arith.andi %get3A_4, %and3A_12 : vector<16xi32>
    %swap3A_14 = arith.constant 0 : i32
    %swap3A_15 = arith.index_cast %swap3A_14 : i32 to index
    %swap3A_16 = arith.constant 0 : index
    %swap3A_17 = tpu.vector_load %arg7[%swap3A_15, %swap3A_16] {strides = array<i32>} : memref<32x16xi32, #tpu.memory_space<vmem>>, vector<1x16xi32>,
    %swap3A_18 = vector.shape_cast %swap3A_17 : vector<1x16xi32> to vector<16xi32>
    %swap3A_19 = vector.shape_cast %and3A_13 : vector<16xi32> to vector<1x16xi32>
    tpu.vector_store %arg7[%swap3A_15, %swap3A_16], %swap3A_19 {strides = array<i32>} : memref<32x16xi32, #tpu.memory_space<vmem>>, vector<1x16xi32>,
    %get3A_20 = arith.constant 0 : i32
    %get3A_21 = arith.index_cast %get3A_20 : i32 to index
    %get3A_22 = arith.constant 16 : index
    %get3A_23 = tpu.vector_load %arg5[%get3A_21, %get3A_22] {strides = array<i32>} : memref<4x128xi32, #tpu.memory_space<vmem>>, vector<1x16xi32>,
    %get3A_24 = vector.shape_cast %get3A_23 : vector<1x16xi32> to vector<16xi32>
    %shift_right_arithmetic3A_25 = arith.constant 3 : i32
    %shift_right_arithmetic3A_26 = vector.broadcast %shift_right_arithmetic3A_25 : i32 to vector<16xi32>
    %shift_right_arithmetic3A_27 = arith.shrsi %get3A_24, %shift_right_arithmetic3A_26 : vector<16xi32>
    %swap3A_28 = arith.constant 1 : i32
    %swap3A_29 = arith.index_cast %swap3A_28 : i32 to index
    %swap3A_30 = arith.constant 0 : index
    %swap3A_31 = tpu.vector_load %arg6[%swap3A_29, %swap3A_30] {strides = array<i32>} : memref<32x16xi32, #tpu.memory_space<vmem>>, vector<1x16xi32>,
    %swap3A_32 = vector.shape_cast %swap3A_31 : vector<1x16xi32> to vector<16xi32>
    %swap3A_33 = vector.shape_cast %shift_right_arithmetic3A_27 : vector<16xi32> to vector<1x16xi32>
    tpu.vector_store %arg6[%swap3A_29, %swap3A_30], %swap3A_33 {strides = array<i32>} : memref<32x16xi32, #tpu.memory_space<vmem>>, vector<1x16xi32>,
    %and3A_34 = arith.constant 7 : i32
    %and3A_35 = vector.broadcast %and3A_34 : i32 to vector<16xi32>
    %and3A_36 = arith.andi %get3A_24, %and3A_35 : vector<16xi32>
    %swap3A_37 = arith.constant 1 : i32
    %swap3A_38 = arith.index_cast %swap3A_37 : i32 to index
    %swap3A_39 = arith.constant 0 : index
    %swap3A_40 = tpu.vector_load %arg7[%swap3A_38, %swap3A_39] {strides = array<i32>} : memref<32x16xi32, #tpu.memory_space<vmem>>, vector<1x16xi32>,
    %swap3A_41 = vector.shape_cast %swap3A_40 : vector<1x16xi32> to vector<16xi32>
    %swap3A_42 = vector.shape_cast %and3A_36 : vector<16xi32> to vector<1x16xi32>
    tpu.vector_store %arg7[%swap3A_38, %swap3A_39], %swap3A_42 {strides = array<i32>} : memref<32x16xi32, #tpu.memory_space<vmem>>, vector<1x16xi32>,
    %get3A_43 = arith.constant 0 : i32
    %get3A_44 = arith.index_cast %get3A_43 : i32 to index
    %get3A_45 = arith.constant 32 : index
    %get3A_46 = tpu.vector_load %arg5[%get3A_44, %get3A_45] {strides = array<i32>} : memref<4x128xi32, #tpu.memory_space<vmem>>, vector<1x16xi32>,
    %get3A_47 = vector.shape_cast %get3A_46 : vector<1x16xi32> to vector<16xi32>
    %shift_right_arithmetic3A_48 = arith.constant 3 : i32
    %shift_right_arithmetic3A_49 = vector.broadcast %shift_right_arithmetic3A_48 : i32 to vector<16xi32>
    %shift_right_arithmetic3A_50 = arith.shrsi %get3A_47, %shift_right_arithmetic3A_49 : vector<16xi32>
    %swap3A_51 = arith.constant 2 : i32
    %swap3A_52 = arith.index_cast %swap3A_51 : i32 to index
    %swap3A_53 = arith.constant 0 : index
    %swap3A_54 = tpu.vector_load %arg6[%swap3A_52, %swap3A_53] {strides = array<i32>} : memref<32x16xi32, #tpu.memory_space<vmem>>, vector<1x16xi32>,
    %swap3A_55 = vector.shape_cast %swap3A_54 : vector<1x16xi32> to vector<16xi32>
    %swap3A_56 = vector.shape_cast %shift_right_arithmetic3A_50 : vector<16xi32> to vector<1x16xi32>
    tpu.vector_store %arg6[%swap3A_52, %swap3A_53], %swap3A_56 {strides = array<i32>} : memref<32x16xi32, #tpu.memory_space<vmem>>, vector<1x16xi32>,
    %and3A_57 = arith.constant 7 : i32
    %and3A_58 = vector.broadcast %and3A_57 : i32 to vector<16xi32>
    %and3A_59 = arith.andi %get3A_47, %and3A_58 : vector<16xi32>
    %swap3A_60 = arith.constant 2 : i32
    %swap3A_61 = arith.index_cast %swap3A_60 : i32 to index
    %swap3A_62 = arith.constant 0 : index
    %swap3A_63 = tpu.vector_load %arg7[%swap3A_61, %swap3A_62] {strides = array<i32>} : memref<32x16xi32, #tpu.memory_space<vmem>>, vector<1x16xi32>,
    %swap3A_64 = vector.shape_cast %swap3A_63 : vector<1x16xi32> to vector<16xi32>
    %swap3A_65 = vector.shape_cast %and3A_59 : vector<16xi32> to vector<1x16xi32>
    tpu.vector_store %arg7[%swap3A_61, %swap3A_62], %swap3A_65 {strides = array<i32>} : memref<32x16xi32, #tpu.memory_space<vmem>>, vector<1x16xi32>,
    %get3A_66 = arith.constant 0 : i32
    %get3A_67 = arith.index_cast %get3A_66 : i32 to index
    %get3A_68 = arith.constant 48 : index
    %get3A_69 = tpu.vector_load %arg5[%get3A_67, %get3A_68] {strides = array<i32>} : memref<4x128xi32, #tpu.memory_space<vmem>>, vector<1x16xi32>,
    %get3A_70 = vector.shape_cast %get3A_69 : vector<1x16xi32> to vector<16xi32>
    %shift_right_arithmetic3A_71 = arith.constant 3 : i32
    %shift_right_arithmetic3A_72 = vector.broadcast %shift_right_arithmetic3A_71 : i32 to vector<16xi32>
    %shift_right_arithmetic3A_73 = arith.shrsi %get3A_70, %shift_right_arithmetic3A_72 : vector<16xi32>
    %swap3A_74 = arith.constant 3 : i32
    %swap3A_75 = arith.index_cast %swap3A_74 : i32 to index
    %swap3A_76 = arith.constant 0 : index
    %swap3A_77 = tpu.vector_load %arg6[%swap3A_75, %swap3A_76] {strides = array<i32>} : memref<32x16xi32, #tpu.memory_space<vmem>>, vector<1x16xi32>,
    %swap3A_78 = vector.shape_cast %swap3A_77 : vector<1x16xi32> to vector<16xi32>
    %swap3A_79 = vector.shape_cast %shift_right_arithmetic3A_73 : vector<16xi32> to vector<1x16xi32>
    tpu.vector_store %arg6[%swap3A_75, %swap3A_76], %swap3A_79 {strides = array<i32>} : memref<32x16xi32, #tpu.memory_space<vmem>>, vector<1x16xi32>,
    %and3A_80 = arith.constant 7 : i32
    %and3A_81 = vector.broadcast %and3A_80 : i32 to vector<16xi32>
    %and3A_82 = arith.andi %get3A_70, %and3A_81 : vector<16xi32>
    %swap3A_83 = arith.constant 3 : i32
    %swap3A_84 = arith.index_cast %swap3A_83 : i32 to index
    %swap3A_85 = arith.constant 0 : index
    %swap3A_86 = tpu.vector_load %arg7[%swap3A_84, %swap3A_85] {strides = array<i32>} : memref<32x16xi32, #tpu.memory_space<vmem>>, vector<1x16xi32>,
    %swap3A_87 = vector.shape_cast %swap3A_86 : vector<1x16xi32> to vector<16xi32>
    %swap3A_88 = vector.shape_cast %and3A_82 : vector<16xi32> to vector<1x16xi32>
    tpu.vector_store %arg7[%swap3A_84, %swap3A_85], %swap3A_88 {strides = array<i32>} : memref<32x16xi32, #tpu.memory_space<vmem>>, vector<1x16xi32>,
    %get3A_89 = arith.constant 0 : i32
    %get3A_90 = arith.index_cast %get3A_89 : i32 to index
    %get3A_91 = arith.constant 64 : index
    %get3A_92 = tpu.vector_load %arg5[%get3A_90, %get3A_91] {strides = array<i32>} : memref<4x128xi32, #tpu.memory_space<vmem>>, vector<1x16xi32>,
    %get3A_93 = vector.shape_cast %get3A_92 : vector<1x16xi32> to vector<16xi32>
    %shift_right_arithmetic3A_94 = arith.constant 3 : i32
    %shift_right_arithmetic3A_95 = vector.broadcast %shift_right_arithmetic3A_94 : i32 to vector<16xi32>
    %shift_right_arithmetic3A_96 = arith.shrsi %get3A_93, %shift_right_arithmetic3A_95 : vector<16xi32>
    %swap3A_97 = arith.constant 4 : i32
    %swap3A_98 = arith.index_cast %swap3A_97 : i32 to index
    %swap3A_99 = arith.constant 0 : index
    %swap3A_100 = tpu.vector_load %arg6[%swap3A_98, %swap3A_99] {strides = array<i32>} : memref<32x16xi32, #tpu.memory_space<vmem>>, vector<1x16xi32>,
    %swap3A_101 = vector.shape_cast %swap3A_100 : vector<1x16xi32> to vector<16xi32>
    %swap3A_102 = vector.shape_cast %shift_right_arithmetic3A_96 : vector<16xi32> to vector<1x16xi32>
    tpu.vector_store %arg6[%swap3A_98, %swap3A_99], %swap3A_102 {strides = array<i32>} : memref<32x16xi32, #tpu.memory_space<vmem>>, vector<1x16xi32>,
    %and3A_103 = arith.constant 7 : i32
    %and3A_104 = vector.broadcast %and3A_103 : i32 to vector<16xi32>
    %and3A_105 = arith.andi %get3A_93, %and3A_104 : vector<16xi32>
    %swap3A_106 = arith.constant 4 : i32
    %swap3A_107 = arith.index_cast %swap3A_106 : i32 to index
    %swap3A_108 = arith.constant 0 : index
    %swap3A_109 = tpu.vector_load %arg7[%swap3A_107, %swap3A_108] {strides = array<i32>} : memref<32x16xi32, #tpu.memory_space<vmem>>, vector<1x16xi32>,
    %swap3A_110 = vector.shape_cast %swap3A_109 : vector<1x16xi32> to vector<16xi32>
    %swap3A_111 = vector.shape_cast %and3A_105 : vector<16xi32> to vector<1x16xi32>
    tpu.vector_store %arg7[%swap3A_107, %swap3A_108], %swap3A_111 {strides = array<i32>} : memref<32x16xi32, #tpu.memory_space<vmem>>, vector<1x16xi32>,
    %get3A_112 = arith.constant 0 : i32
    %get3A_113 = arith.index_cast %get3A_112 : i32 to index
    %get3A_114 = arith.constant 80 : index
    %get3A_115 = tpu.vector_load %arg5[%get3A_113, %get3A_114] {strides = array<i32>} : memref<4x128xi32, #tpu.memory_space<vmem>>, vector<1x16xi32>,
    %get3A_116 = vector.shape_cast %get3A_115 : vector<1x16xi32> to vector<16xi32>
    %shift_right_arithmetic3A_117 = arith.constant 3 : i32
    %shift_right_arithmetic3A_118 = vector.broadcast %shift_right_arithmetic3A_117 : i32 to vector<16xi32>
    %shift_right_arithmetic3A_119 = arith.shrsi %get3A_116, %shift_right_arithmetic3A_118 : vector<16xi32>
    %swap3A_120 = arith.constant 5 : i32
    %swap3A_121 = arith.index_cast %swap3A_120 : i32 to index
    %swap3A_122 = arith.constant 0 : index
    %swap3A_123 = tpu.vector_load %arg6[%swap3A_121, %swap3A_122] {strides = array<i32>} : memref<32x16xi32, #tpu.memory_space<vmem>>, vector<1x16xi32>,
    %swap3A_124 = vector.shape_cast %swap3A_123 : vector<1x16xi32> to vector<16xi32>
    %swap3A_125 = vector.shape_cast %shift_right_arithmetic3A_119 : vector<16xi32> to vector<1x16xi32>
    tpu.vector_store %arg6[%swap3A_121, %swap3A_122], %swap3A_125 {strides = array<i32>} : memref<32x16xi32, #tpu.memory_space<vmem>>, vector<1x16xi32>,
    %and3A_126 = arith.constant 7 : i32
    %and3A_127 = vector.broadcast %and3A_126 : i32 to vector<16xi32>
    %and3A_128 = arith.andi %get3A_116, %and3A_127 : vector<16xi32>
    %swap3A_129 = arith.constant 5 : i32
    %swap3A_130 = arith.index_cast %swap3A_129 : i32 to index
    %swap3A_131 = arith.constant 0 : index
    %swap3A_132 = tpu.vector_load %arg7[%swap3A_130, %swap3A_131] {strides = array<i32>} : memref<32x16xi32, #tpu.memory_space<vmem>>, vector<1x16xi32>,
    %swap3A_133 = vector.shape_cast %swap3A_132 : vector<1x16xi32> to vector<16xi32>
    %swap3A_134 = vector.shape_cast %and3A_128 : vector<16xi32> to vector<1x16xi32>
    tpu.vector_store %arg7[%swap3A_130, %swap3A_131], %swap3A_134 {strides = array<i32>} : memref<32x16xi32, #tpu.memory_space<vmem>>, vector<1x16xi32>,
    %get3A_135 = arith.constant 0 : i32
    %get3A_136 = arith.index_cast %get3A_135 : i32 to index
    %get3A_137 = arith.constant 96 : index
    %get3A_138 = tpu.vector_load %arg5[%get3A_136, %get3A_137] {strides = array<i32>} : memref<4x128xi32, #tpu.memory_space<vmem>>, vector<1x16xi32>,
    %get3A_139 = vector.shape_cast %get3A_138 : vector<1x16xi32> to vector<16xi32>
    %shift_right_arithmetic3A_140 = arith.constant 3 : i32
    %shift_right_arithmetic3A_141 = vector.broadcast %shift_right_arithmetic3A_140 : i32 to vector<16xi32>
    %shift_right_arithmetic3A_142 = arith.shrsi %get3A_139, %shift_right_arithmetic3A_141 : vector<16xi32>
    %swap3A_143 = arith.constant 6 : i32
    %swap3A_144 = arith.index_cast %swap3A_143 : i32 to index
    %swap3A_145 = arith.constant 0 : index
    %swap3A_146 = tpu.vector_load %arg6[%swap3A_144, %swap3A_145] {strides = array<i32>} : memref<32x16xi32, #tpu.memory_space<vmem>>, vector<1x16xi32>,
    %swap3A_147 = vector.shape_cast %swap3A_146 : vector<1x16xi32> to vector<16xi32>
    %swap3A_148 = vector.shape_cast %shift_right_arithmetic3A_142 : vector<16xi32> to vector<1x16xi32>
    tpu.vector_store %arg6[%swap3A_144, %swap3A_145], %swap3A_148 {strides = array<i32>} : memref<32x16xi32, #tpu.memory_space<vmem>>, vector<1x16xi32>,
    %and3A_149 = arith.constant 7 : i32
    %and3A_150 = vector.broadcast %and3A_149 : i32 to vector<16xi32>
    %and3A_151 = arith.andi %get3A_139, %and3A_150 : vector<16xi32>
    %swap3A_152 = arith.constant 6 : i32
    %swap3A_153 = arith.index_cast %swap3A_152 : i32 to index
    %swap3A_154 = arith.constant 0 : index
    %swap3A_155 = tpu.vector_load %arg7[%swap3A_153, %swap3A_154] {strides = array<i32>} : memref<32x16xi32, #tpu.memory_space<vmem>>, vector<1x16xi32>,
    %swap3A_156 = vector.shape_cast %swap3A_155 : vector<1x16xi32> to vector<16xi32>
    %swap3A_157 = vector.shape_cast %and3A_151 : vector<16xi32> to vector<1x16xi32>
    tpu.vector_store %arg7[%swap3A_153, %swap3A_154], %swap3A_157 {strides = array<i32>} : memref<32x16xi32, #tpu.memory_space<vmem>>, vector<1x16xi32>,
    %get3A_158 = arith.constant 0 : i32
    %get3A_159 = arith.index_cast %get3A_158 : i32 to index
    %get3A_160 = arith.constant 112 : index
    %get3A_161 = tpu.vector_load %arg5[%get3A_159, %get3A_160] {strides = array<i32>} : memref<4x128xi32, #tpu.memory_space<vmem>>, vector<1x16xi32>,
    %get3A_162 = vector.shape_cast %get3A_161 : vector<1x16xi32> to vector<16xi32>
    %shift_right_arithmetic3A_163 = arith.constant 3 : i32
    %shift_right_arithmetic3A_164 = vector.broadcast %shift_right_arithmetic3A_163 : i32 to vector<16xi32>
    %shift_right_arithmetic3A_165 = arith.shrsi %get3A_162, %shift_right_arithmetic3A_164 : vector<16xi32>
    %swap3A_166 = arith.constant 7 : i32
    %swap3A_167 = arith.index_cast %swap3A_166 : i32 to index
    %swap3A_168 = arith.constant 0 : index
    %swap3A_169 = tpu.vector_load %arg6[%swap3A_167, %swap3A_168] {strides = array<i32>} : memref<32x16xi32, #tpu.memory_space<vmem>>, vector<1x16xi32>,
    %swap3A_170 = vector.shape_cast %swap3A_169 : vector<1x16xi32> to vector<16xi32>
    %swap3A_171 = vector.shape_cast %shift_right_arithmetic3A_165 : vector<16xi32> to vector<1x16xi32>
    tpu.vector_store %arg6[%swap3A_167, %swap3A_168], %swap3A_171 {strides = array<i32>} : memref<32x16xi32, #tpu.memory_space<vmem>>, vector<1x16xi32>,
    %and3A_172 = arith.constant 7 : i32
    %and3A_173 = vector.broadcast %and3A_172 : i32 to vector<16xi32>
    %and3A_174 = arith.andi %get3A_162, %and3A_173 : vector<16xi32>
    %swap3A_175 = arith.constant 7 : i32
    %swap3A_176 = arith.index_cast %swap3A_175 : i32 to index
    %swap3A_177 = arith.constant 0 : index
    %swap3A_178 = tpu.vector_load %arg7[%swap3A_176, %swap3A_177] {strides = array<i32>} : memref<32x16xi32, #tpu.memory_space<vmem>>, vector<1x16xi32>,
    %swap3A_179 = vector.shape_cast %swap3A_178 : vector<1x16xi32> to vector<16xi32>
    %swap3A_180 = vector.shape_cast %and3A_174 : vector<16xi32> to vector<1x16xi32>
    tpu.vector_store %arg7[%swap3A_176, %swap3A_177], %swap3A_180 {strides = array<i32>} : memref<32x16xi32, #tpu.memory_space<vmem>>, vector<1x16xi32>,
    %get3A_181 = arith.constant 1 : i32
    %get3A_182 = arith.index_cast %get3A_181 : i32 to index
    %get3A_183 = arith.constant 0 : index
    %get3A_184 = tpu.vector_load %arg5[%get3A_182, %get3A_183] {strides = array<i32>} : memref<4x128xi32, #tpu.memory_space<vmem>>, vector<1x16xi32>,
    %get3A_185 = vector.shape_cast %get3A_184 : vector<1x16xi32> to vector<16xi32>
    %shift_right_arithmetic3A_186 = arith.constant 3 : i32
    %shift_right_arithmetic3A_187 = vector.broadcast %shift_right_arithmetic3A_186 : i32 to vector<16xi32>
    %shift_right_arithmetic3A_188 = arith.shrsi %get3A_185, %shift_right_arithmetic3A_187 : vector<16xi32>
    %swap3A_189 = arith.constant 8 : i32
    %swap3A_190 = arith.index_cast %swap3A_189 : i32 to index
    %swap3A_191 = arith.constant 0 : index
    %swap3A_192 = tpu.vector_load %arg6[%swap3A_190, %swap3A_191] {strides = array<i32>} : memref<32x16xi32, #tpu.memory_space<vmem>>, vector<1x16xi32>,
    %swap3A_193 = vector.shape_cast %swap3A_192 : vector<1x16xi32> to vector<16xi32>
    %swap3A_194 = vector.shape_cast %shift_right_arithmetic3A_188 : vector<16xi32> to vector<1x16xi32>
    tpu.vector_store %arg6[%swap3A_190, %swap3A_191], %swap3A_194 {strides = array<i32>} : memref<32x16xi32, #tpu.memory_space<vmem>>, vector<1x16xi32>,
    %and3A_195 = arith.constant 7 : i32
    %and3A_196 = vector.broadcast %and3A_195 : i32 to vector<16xi32>
    %and3A_197 = arith.andi %get3A_185, %and3A_196 : vector<16xi32>
    %swap3A_198 = arith.constant 8 : i32
    %swap3A_199 = arith.index_cast %swap3A_198 : i32 to index
    %swap3A_200 = arith.constant 0 : index
    %swap3A_201 = tpu.vector_load %arg7[%swap3A_199, %swap3A_200] {strides = array<i32>} : memref<32x16xi32, #tpu.memory_space<vmem>>, vector<1x16xi32>,
    %swap3A_202 = vector.shape_cast %swap3A_201 : vector<1x16xi32> to vector<16xi32>
    %swap3A_203 = vector.shape_cast %and3A_197 : vector<16xi32> to vector<1x16xi32>
    tpu.vector_store %arg7[%swap3A_199, %swap3A_200], %swap3A_203 {strides = array<i32>} : memref<32x16xi32, #tpu.memory_space<vmem>>, vector<1x16xi32>,
    %get3A_204 = arith.constant 1 : i32
    %get3A_205 = arith.index_cast %get3A_204 : i32 to index
    %get3A_206 = arith.constant 16 : index
    %get3A_207 = tpu.vector_load %arg5[%get3A_205, %get3A_206] {strides = array<i32>} : memref<4x128xi32, #tpu.memory_space<vmem>>, vector<1x16xi32>,
    %get3A_208 = vector.shape_cast %get3A_207 : vector<1x16xi32> to vector<16xi32>
    %shift_right_arithmetic3A_209 = arith.constant 3 : i32
    %shift_right_arithmetic3A_210 = vector.broadcast %shift_right_arithmetic3A_209 : i32 to vector<16xi32>
    %shift_right_arithmetic3A_211 = arith.shrsi %get3A_208, %shift_right_arithmetic3A_210 : vector<16xi32>
    %swap3A_212 = arith.constant 9 : i32
    %swap3A_213 = arith.index_cast %swap3A_212 : i32 to index
    %swap3A_214 = arith.constant 0 : index
    %swap3A_215 = tpu.vector_load %arg6[%swap3A_213, %swap3A_214] {strides = array<i32>} : memref<32x16xi32, #tpu.memory_space<vmem>>, vector<1x16xi32>,
    %swap3A_216 = vector.shape_cast %swap3A_215 : vector<1x16xi32> to vector<16xi32>
    %swap3A_217 = vector.shape_cast %shift_right_arithmetic3A_211 : vector<16xi32> to vector<1x16xi32>
    tpu.vector_store %arg6[%swap3A_213, %swap3A_214], %swap3A_217 {strides = array<i32>} : memref<32x16xi32, #tpu.memory_space<vmem>>, vector<1x16xi32>,
    %and3A_218 = arith.constant 7 : i32
    %and3A_219 = vector.broadcast %and3A_218 : i32 to vector<16xi32>
    %and3A_220 = arith.andi %get3A_208, %and3A_219 : vector<16xi32>
    %swap3A_221 = arith.constant 9 : i32
    %swap3A_222 = arith.index_cast %swap3A_221 : i32 to index
    %swap3A_223 = arith.constant 0 : index
    %swap3A_224 = tpu.vector_load %arg7[%swap3A_222, %swap3A_223] {strides = array<i32>} : memref<32x16xi32, #tpu.memory_space<vmem>>, vector<1x16xi32>,
    %swap3A_225 = vector.shape_cast %swap3A_224 : vector<1x16xi32> to vector<16xi32>
    %swap3A_226 = vector.shape_cast %and3A_220 : vector<16xi32> to vector<1x16xi32>
    tpu.vector_store %arg7[%swap3A_222, %swap3A_223], %swap3A_226 {strides = array<i32>} : memref<32x16xi32, #tpu.memory_space<vmem>>, vector<1x16xi32>,
    %get3A_227 = arith.constant 1 : i32
    %get3A_228 = arith.index_cast %get3A_227 : i32 to index
    %get3A_229 = arith.constant 32 : index
    %get3A_230 = tpu.vector_load %arg5[%get3A_228, %get3A_229] {strides = array<i32>} : memref<4x128xi32, #tpu.memory_space<vmem>>, vector<1x16xi32>,
    %get3A_231 = vector.shape_cast %get3A_230 : vector<1x16xi32> to vector<16xi32>
    %shift_right_arithmetic3A_232 = arith.constant 3 : i32
    %shift_right_arithmetic3A_233 = vector.broadcast %shift_right_arithmetic3A_232 : i32 to vector<16xi32>
    %shift_right_arithmetic3A_234 = arith.shrsi %get3A_231, %shift_right_arithmetic3A_233 : vector<16xi32>
    %swap3A_235 = arith.constant 10 : i32
    %swap3A_236 = arith.index_cast %swap3A_235 : i32 to index
    %swap3A_237 = arith.constant 0 : index
    %swap3A_238 = tpu.vector_load %arg6[%swap3A_236, %swap3A_237] {strides = array<i32>} : memref<32x16xi32, #tpu.memory_space<vmem>>, vector<1x16xi32>,
    %swap3A_239 = vector.shape_cast %swap3A_238 : vector<1x16xi32> to vector<16xi32>
    %swap3A_240 = vector.shape_cast %shift_right_arithmetic3A_234 : vector<16xi32> to vector<1x16xi32>
    tpu.vector_store %arg6[%swap3A_236, %swap3A_237], %swap3A_240 {strides = array<i32>} : memref<32x16xi32, #tpu.memory_space<vmem>>, vector<1x16xi32>,
    %and3A_241 = arith.constant 7 : i32
    %and3A_242 = vector.broadcast %and3A_241 : i32 to vector<16xi32>
    %and3A_243 = arith.andi %get3A_231, %and3A_242 : vector<16xi32>
    %swap3A_244 = arith.constant 10 : i32
    %swap3A_245 = arith.index_cast %swap3A_244 : i32 to index
    %swap3A_246 = arith.constant 0 : index
    %swap3A_247 = tpu.vector_load %arg7[%swap3A_245, %swap3A_246] {strides = array<i32>} : memref<32x16xi32, #tpu.memory_space<vmem>>, vector<1x16xi32>,
    %swap3A_248 = vector.shape_cast %swap3A_247 : vector<1x16xi32> to vector<16xi32>
    %swap3A_249 = vector.shape_cast %and3A_243 : vector<16xi32> to vector<1x16xi32>
    tpu.vector_store %arg7[%swap3A_245, %swap3A_246], %swap3A_249 {strides = array<i32>} : memref<32x16xi32, #tpu.memory_space<vmem>>, vector<1x16xi32>,
    %get3A_250 = arith.constant 1 : i32
    %get3A_251 = arith.index_cast %get3A_250 : i32 to index
    %get3A_252 = arith.constant 48 : index
    %get3A_253 = tpu.vector_load %arg5[%get3A_251, %get3A_252] {strides = array<i32>} : memref<4x128xi32, #tpu.memory_space<vmem>>, vector<1x16xi32>,
    %get3A_254 = vector.shape_cast %get3A_253 : vector<1x16xi32> to vector<16xi32>
    %shift_right_arithmetic3A_255 = arith.constant 3 : i32
    %shift_right_arithmetic3A_256 = vector.broadcast %shift_right_arithmetic3A_255 : i32 to vector<16xi32>
    %shift_right_arithmetic3A_257 = arith.shrsi %get3A_254, %shift_right_arithmetic3A_256 : vector<16xi32>
    %swap3A_258 = arith.constant 11 : i32
    %swap3A_259 = arith.index_cast %swap3A_258 : i32 to index
    %swap3A_260 = arith.constant 0 : index
    %swap3A_261 = tpu.vector_load %arg6[%swap3A_259, %swap3A_260] {strides = array<i32>} : memref<32x16xi32, #tpu.memory_space<vmem>>, vector<1x16xi32>,
    %swap3A_262 = vector.shape_cast %swap3A_261 : vector<1x16xi32> to vector<16xi32>
    %swap3A_263 = vector.shape_cast %shift_right_arithmetic3A_257 : vector<16xi32> to vector<1x16xi32>
    tpu.vector_store %arg6[%swap3A_259, %swap3A_260], %swap3A_263 {strides = array<i32>} : memref<32x16xi32, #tpu.memory_space<vmem>>, vector<1x16xi32>,
    %and3A_264 = arith.constant 7 : i32
    %and3A_265 = vector.broadcast %and3A_264 : i32 to vector<16xi32>
    %and3A_266 = arith.andi %get3A_254, %and3A_265 : vector<16xi32>
    %swap3A_267 = arith.constant 11 : i32
    %swap3A_268 = arith.index_cast %swap3A_267 : i32 to index
    %swap3A_269 = arith.constant 0 : index
    %swap3A_270 = tpu.vector_load %arg7[%swap3A_268, %swap3A_269] {strides = array<i32>} : memref<32x16xi32, #tpu.memory_space<vmem>>, vector<1x16xi32>,
    %swap3A_271 = vector.shape_cast %swap3A_270 : vector<1x16xi32> to vector<16xi32>
    %swap3A_272 = vector.shape_cast %and3A_266 : vector<16xi32> to vector<1x16xi32>
    tpu.vector_store %arg7[%swap3A_268, %swap3A_269], %swap3A_272 {strides = array<i32>} : memref<32x16xi32, #tpu.memory_space<vmem>>, vector<1x16xi32>,
    %get3A_273 = arith.constant 1 : i32
    %get3A_274 = arith.index_cast %get3A_273 : i32 to index
    %get3A_275 = arith.constant 64 : index
    %get3A_276 = tpu.vector_load %arg5[%get3A_274, %get3A_275] {strides = array<i32>} : memref<4x128xi32, #tpu.memory_space<vmem>>, vector<1x16xi32>,
    %get3A_277 = vector.shape_cast %get3A_276 : vector<1x16xi32> to vector<16xi32>
    %shift_right_arithmetic3A_278 = arith.constant 3 : i32
    %shift_right_arithmetic3A_279 = vector.broadcast %shift_right_arithmetic3A_278 : i32 to vector<16xi32>
    %shift_right_arithmetic3A_280 = arith.shrsi %get3A_277, %shift_right_arithmetic3A_279 : vector<16xi32>
    %swap3A_281 = arith.constant 12 : i32
    %swap3A_282 = arith.index_cast %swap3A_281 : i32 to index
    %swap3A_283 = arith.constant 0 : index
    %swap3A_284 = tpu.vector_load %arg6[%swap3A_282, %swap3A_283] {strides = array<i32>} : memref<32x16xi32, #tpu.memory_space<vmem>>, vector<1x16xi32>,
    %swap3A_285 = vector.shape_cast %swap3A_284 : vector<1x16xi32> to vector<16xi32>
    %swap3A_286 = vector.shape_cast %shift_right_arithmetic3A_280 : vector<16xi32> to vector<1x16xi32>
    tpu.vector_store %arg6[%swap3A_282, %swap3A_283], %swap3A_286 {strides = array<i32>} : memref<32x16xi32, #tpu.memory_space<vmem>>, vector<1x16xi32>,
    %and3A_287 = arith.constant 7 : i32
    %and3A_288 = vector.broadcast %and3A_287 : i32 to vector<16xi32>
    %and3A_289 = arith.andi %get3A_277, %and3A_288 : vector<16xi32>
    %swap3A_290 = arith.constant 12 : i32
    %swap3A_291 = arith.index_cast %swap3A_290 : i32 to index
    %swap3A_292 = arith.constant 0 : index
    %swap3A_293 = tpu.vector_load %arg7[%swap3A_291, %swap3A_292] {strides = array<i32>} : memref<32x16xi32, #tpu.memory_space<vmem>>, vector<1x16xi32>,
    %swap3A_294 = vector.shape_cast %swap3A_293 : vector<1x16xi32> to vector<16xi32>
    %swap3A_295 = vector.shape_cast %and3A_289 : vector<16xi32> to vector<1x16xi32>
    tpu.vector_store %arg7[%swap3A_291, %swap3A_292], %swap3A_295 {strides = array<i32>} : memref<32x16xi32, #tpu.memory_space<vmem>>, vector<1x16xi32>,
    %get3A_296 = arith.constant 1 : i32
    %get3A_297 = arith.index_cast %get3A_296 : i32 to index
    %get3A_298 = arith.constant 80 : index
    %get3A_299 = tpu.vector_load %arg5[%get3A_297, %get3A_298] {strides = array<i32>} : memref<4x128xi32, #tpu.memory_space<vmem>>, vector<1x16xi32>,
    %get3A_300 = vector.shape_cast %get3A_299 : vector<1x16xi32> to vector<16xi32>
    %shift_right_arithmetic3A_301 = arith.constant 3 : i32
    %shift_right_arithmetic3A_302 = vector.broadcast %shift_right_arithmetic3A_301 : i32 to vector<16xi32>
    %shift_right_arithmetic3A_303 = arith.shrsi %get3A_300, %shift_right_arithmetic3A_302 : vector<16xi32>
    %swap3A_304 = arith.constant 13 : i32
    %swap3A_305 = arith.index_cast %swap3A_304 : i32 to index
    %swap3A_306 = arith.constant 0 : index
    %swap3A_307 = tpu.vector_load %arg6[%swap3A_305, %swap3A_306] {strides = array<i32>} : memref<32x16xi32, #tpu.memory_space<vmem>>, vector<1x16xi32>,
    %swap3A_308 = vector.shape_cast %swap3A_307 : vector<1x16xi32> to vector<16xi32>
    %swap3A_309 = vector.shape_cast %shift_right_arithmetic3A_303 : vector<16xi32> to vector<1x16xi32>
    tpu.vector_store %arg6[%swap3A_305, %swap3A_306], %swap3A_309 {strides = array<i32>} : memref<32x16xi32, #tpu.memory_space<vmem>>, vector<1x16xi32>,
    %and3A_310 = arith.constant 7 : i32
    %and3A_311 = vector.broadcast %and3A_310 : i32 to vector<16xi32>
    %and3A_312 = arith.andi %get3A_300, %and3A_311 : vector<16xi32>
    %swap3A_313 = arith.constant 13 : i32
    %swap3A_314 = arith.index_cast %swap3A_313 : i32 to index
    %swap3A_315 = arith.constant 0 : index
    %swap3A_316 = tpu.vector_load %arg7[%swap3A_314, %swap3A_315] {strides = array<i32>} : memref<32x16xi32, #tpu.memory_space<vmem>>, vector<1x16xi32>,
    %swap3A_317 = vector.shape_cast %swap3A_316 : vector<1x16xi32> to vector<16xi32>
    %swap3A_318 = vector.shape_cast %and3A_312 : vector<16xi32> to vector<1x16xi32>
    tpu.vector_store %arg7[%swap3A_314, %swap3A_315], %swap3A_318 {strides = array<i32>} : memref<32x16xi32, #tpu.memory_space<vmem>>, vector<1x16xi32>,
    %get3A_319 = arith.constant 1 : i32
    %get3A_320 = arith.index_cast %get3A_319 : i32 to index
    %get3A_321 = arith.constant 96 : index
    %get3A_322 = tpu.vector_load %arg5[%get3A_320, %get3A_321] {strides = array<i32>} : memref<4x128xi32, #tpu.memory_space<vmem>>, vector<1x16xi32>,
    %get3A_323 = vector.shape_cast %get3A_322 : vector<1x16xi32> to vector<16xi32>
    %shift_right_arithmetic3A_324 = arith.constant 3 : i32
    %shift_right_arithmetic3A_325 = vector.broadcast %shift_right_arithmetic3A_324 : i32 to vector<16xi32>
    %shift_right_arithmetic3A_326 = arith.shrsi %get3A_323, %shift_right_arithmetic3A_325 : vector<16xi32>
    %swap3A_327 = arith.constant 14 : i32
    %swap3A_328 = arith.index_cast %swap3A_327 : i32 to index
    %swap3A_329 = arith.constant 0 : index
    %swap3A_330 = tpu.vector_load %arg6[%swap3A_328, %swap3A_329] {strides = array<i32>} : memref<32x16xi32, #tpu.memory_space<vmem>>, vector<1x16xi32>,
    %swap3A_331 = vector.shape_cast %swap3A_330 : vector<1x16xi32> to vector<16xi32>
    %swap3A_332 = vector.shape_cast %shift_right_arithmetic3A_326 : vector<16xi32> to vector<1x16xi32>
    tpu.vector_store %arg6[%swap3A_328, %swap3A_329], %swap3A_332 {strides = array<i32>} : memref<32x16xi32, #tpu.memory_space<vmem>>, vector<1x16xi32>,
    %and3A_333 = arith.constant 7 : i32
    %and3A_334 = vector.broadcast %and3A_333 : i32 to vector<16xi32>
    %and3A_335 = arith.andi %get3A_323, %and3A_334 : vector<16xi32>
    %swap3A_336 = arith.constant 14 : i32
    %swap3A_337 = arith.index_cast %swap3A_336 : i32 to index
    %swap3A_338 = arith.constant 0 : index
    %swap3A_339 = tpu.vector_load %arg7[%swap3A_337, %swap3A_338] {strides = array<i32>} : memref<32x16xi32, #tpu.memory_space<vmem>>, vector<1x16xi32>,
    %swap3A_340 = vector.shape_cast %swap3A_339 : vector<1x16xi32> to vector<16xi32>
    %swap3A_341 = vector.shape_cast %and3A_335 : vector<16xi32> to vector<1x16xi32>
    tpu.vector_store %arg7[%swap3A_337, %swap3A_338], %swap3A_341 {strides = array<i32>} : memref<32x16xi32, #tpu.memory_space<vmem>>, vector<1x16xi32>,
    %get3A_342 = arith.constant 1 : i32
    %get3A_343 = arith.index_cast %get3A_342 : i32 to index
    %get3A_344 = arith.constant 112 : index
    %get3A_345 = tpu.vector_load %arg5[%get3A_343, %get3A_344] {strides = array<i32>} : memref<4x128xi32, #tpu.memory_space<vmem>>, vector<1x16xi32>,
    %get3A_346 = vector.shape_cast %get3A_345 : vector<1x16xi32> to vector<16xi32>
    %shift_right_arithmetic3A_347 = arith.constant 3 : i32
    %shift_right_arithmetic3A_348 = vector.broadcast %shift_right_arithmetic3A_347 : i32 to vector<16xi32>
    %shift_right_arithmetic3A_349 = arith.shrsi %get3A_346, %shift_right_arithmetic3A_348 : vector<16xi32>
    %swap3A_350 = arith.constant 15 : i32
    %swap3A_351 = arith.index_cast %swap3A_350 : i32 to index
    %swap3A_352 = arith.constant 0 : index
    %swap3A_353 = tpu.vector_load %arg6[%swap3A_351, %swap3A_352] {strides = array<i32>} : memref<32x16xi32, #tpu.memory_space<vmem>>, vector<1x16xi32>,
    %swap3A_354 = vector.shape_cast %swap3A_353 : vector<1x16xi32> to vector<16xi32>
    %swap3A_355 = vector.shape_cast %shift_right_arithmetic3A_349 : vector<16xi32> to vector<1x16xi32>
    tpu.vector_store %arg6[%swap3A_351, %swap3A_352], %swap3A_355 {strides = array<i32>} : memref<32x16xi32, #tpu.memory_space<vmem>>, vector<1x16xi32>,
    %and3A_356 = arith.constant 7 : i32
    %and3A_357 = vector.broadcast %and3A_356 : i32 to vector<16xi32>
    %and3A_358 = arith.andi %get3A_346, %and3A_357 : vector<16xi32>
    %swap3A_359 = arith.constant 15 : i32
    %swap3A_360 = arith.index_cast %swap3A_359 : i32 to index
    %swap3A_361 = arith.constant 0 : index
    %swap3A_362 = tpu.vector_load %arg7[%swap3A_360, %swap3A_361] {strides = array<i32>} : memref<32x16xi32, #tpu.memory_space<vmem>>, vector<1x16xi32>,
    %swap3A_363 = vector.shape_cast %swap3A_362 : vector<1x16xi32> to vector<16xi32>
    %swap3A_364 = vector.shape_cast %and3A_358 : vector<16xi32> to vector<1x16xi32>
    tpu.vector_store %arg7[%swap3A_360, %swap3A_361], %swap3A_364 {strides = array<i32>} : memref<32x16xi32, #tpu.memory_space<vmem>>, vector<1x16xi32>,
    %get3A_365 = arith.constant 2 : i32
    %get3A_366 = arith.index_cast %get3A_365 : i32 to index
    %get3A_367 = arith.constant 0 : index
    %get3A_368 = tpu.vector_load %arg5[%get3A_366, %get3A_367] {strides = array<i32>} : memref<4x128xi32, #tpu.memory_space<vmem>>, vector<1x16xi32>,
    %get3A_369 = vector.shape_cast %get3A_368 : vector<1x16xi32> to vector<16xi32>
    %shift_right_arithmetic3A_370 = arith.constant 3 : i32
    %shift_right_arithmetic3A_371 = vector.broadcast %shift_right_arithmetic3A_370 : i32 to vector<16xi32>
    %shift_right_arithmetic3A_372 = arith.shrsi %get3A_369, %shift_right_arithmetic3A_371 : vector<16xi32>
    %swap3A_373 = arith.constant 16 : i32
    %swap3A_374 = arith.index_cast %swap3A_373 : i32 to index
    %swap3A_375 = arith.constant 0 : index
    %swap3A_376 = tpu.vector_load %arg6[%swap3A_374, %swap3A_375] {strides = array<i32>} : memref<32x16xi32, #tpu.memory_space<vmem>>, vector<1x16xi32>,
    %swap3A_377 = vector.shape_cast %swap3A_376 : vector<1x16xi32> to vector<16xi32>
    %swap3A_378 = vector.shape_cast %shift_right_arithmetic3A_372 : vector<16xi32> to vector<1x16xi32>
    tpu.vector_store %arg6[%swap3A_374, %swap3A_375], %swap3A_378 {strides = array<i32>} : memref<32x16xi32, #tpu.memory_space<vmem>>, vector<1x16xi32>,
    %and3A_379 = arith.constant 7 : i32
    %and3A_380 = vector.broadcast %and3A_379 : i32 to vector<16xi32>
    %and3A_381 = arith.andi %get3A_369, %and3A_380 : vector<16xi32>
    %swap3A_382 = arith.constant 16 : i32
    %swap3A_383 = arith.index_cast %swap3A_382 : i32 to index
    %swap3A_384 = arith.constant 0 : index
    %swap3A_385 = tpu.vector_load %arg7[%swap3A_383, %swap3A_384] {strides = array<i32>} : memref<32x16xi32, #tpu.memory_space<vmem>>, vector<1x16xi32>,
    %swap3A_386 = vector.shape_cast %swap3A_385 : vector<1x16xi32> to vector<16xi32>
    %swap3A_387 = vector.shape_cast %and3A_381 : vector<16xi32> to vector<1x16xi32>
    tpu.vector_store %arg7[%swap3A_383, %swap3A_384], %swap3A_387 {strides = array<i32>} : memref<32x16xi32, #tpu.memory_space<vmem>>, vector<1x16xi32>,
    %get3A_388 = arith.constant 2 : i32
    %get3A_389 = arith.index_cast %get3A_388 : i32 to index
    %get3A_390 = arith.constant 16 : index
    %get3A_391 = tpu.vector_load %arg5[%get3A_389, %get3A_390] {strides = array<i32>} : memref<4x128xi32, #tpu.memory_space<vmem>>, vector<1x16xi32>,
    %get3A_392 = vector.shape_cast %get3A_391 : vector<1x16xi32> to vector<16xi32>
    %shift_right_arithmetic3A_393 = arith.constant 3 : i32
    %shift_right_arithmetic3A_394 = vector.broadcast %shift_right_arithmetic3A_393 : i32 to vector<16xi32>
    %shift_right_arithmetic3A_395 = arith.shrsi %get3A_392, %shift_right_arithmetic3A_394 : vector<16xi32>
    %swap3A_396 = arith.constant 17 : i32
    %swap3A_397 = arith.index_cast %swap3A_396 : i32 to index
    %swap3A_398 = arith.constant 0 : index
    %swap3A_399 = tpu.vector_load %arg6[%swap3A_397, %swap3A_398] {strides = array<i32>} : memref<32x16xi32, #tpu.memory_space<vmem>>, vector<1x16xi32>,
    %swap3A_400 = vector.shape_cast %swap3A_399 : vector<1x16xi32> to vector<16xi32>
    %swap3A_401 = vector.shape_cast %shift_right_arithmetic3A_395 : vector<16xi32> to vector<1x16xi32>
    tpu.vector_store %arg6[%swap3A_397, %swap3A_398], %swap3A_401 {strides = array<i32>} : memref<32x16xi32, #tpu.memory_space<vmem>>, vector<1x16xi32>,
    %and3A_402 = arith.constant 7 : i32
    %and3A_403 = vector.broadcast %and3A_402 : i32 to vector<16xi32>
    %and3A_404 = arith.andi %get3A_392, %and3A_403 : vector<16xi32>
    %swap3A_405 = arith.constant 17 : i32
    %swap3A_406 = arith.index_cast %swap3A_405 : i32 to index
    %swap3A_407 = arith.constant 0 : index
    %swap3A_408 = tpu.vector_load %arg7[%swap3A_406, %swap3A_407] {strides = array<i32>} : memref<32x16xi32, #tpu.memory_space<vmem>>, vector<1x16xi32>,
    %swap3A_409 = vector.shape_cast %swap3A_408 : vector<1x16xi32> to vector<16xi32>
    %swap3A_410 = vector.shape_cast %and3A_404 : vector<16xi32> to vector<1x16xi32>
    tpu.vector_store %arg7[%swap3A_406, %swap3A_407], %swap3A_410 {strides = array<i32>} : memref<32x16xi32, #tpu.memory_space<vmem>>, vector<1x16xi32>,
    %get3A_411 = arith.constant 2 : i32
    %get3A_412 = arith.index_cast %get3A_411 : i32 to index
    %get3A_413 = arith.constant 32 : index
    %get3A_414 = tpu.vector_load %arg5[%get3A_412, %get3A_413] {strides = array<i32>} : memref<4x128xi32, #tpu.memory_space<vmem>>, vector<1x16xi32>,
    %get3A_415 = vector.shape_cast %get3A_414 : vector<1x16xi32> to vector<16xi32>
    %shift_right_arithmetic3A_416 = arith.constant 3 : i32
    %shift_right_arithmetic3A_417 = vector.broadcast %shift_right_arithmetic3A_416 : i32 to vector<16xi32>
    %shift_right_arithmetic3A_418 = arith.shrsi %get3A_415, %shift_right_arithmetic3A_417 : vector<16xi32>
    %swap3A_419 = arith.constant 18 : i32
    %swap3A_420 = arith.index_cast %swap3A_419 : i32 to index
    %swap3A_421 = arith.constant 0 : index
    %swap3A_422 = tpu.vector_load %arg6[%swap3A_420, %swap3A_421] {strides = array<i32>} : memref<32x16xi32, #tpu.memory_space<vmem>>, vector<1x16xi32>,
    %swap3A_423 = vector.shape_cast %swap3A_422 : vector<1x16xi32> to vector<16xi32>
    %swap3A_424 = vector.shape_cast %shift_right_arithmetic3A_418 : vector<16xi32> to vector<1x16xi32>
    tpu.vector_store %arg6[%swap3A_420, %swap3A_421], %swap3A_424 {strides = array<i32>} : memref<32x16xi32, #tpu.memory_space<vmem>>, vector<1x16xi32>,
    %and3A_425 = arith.constant 7 : i32
    %and3A_426 = vector.broadcast %and3A_425 : i32 to vector<16xi32>
    %and3A_427 = arith.andi %get3A_415, %and3A_426 : vector<16xi32>
    %swap3A_428 = arith.constant 18 : i32
    %swap3A_429 = arith.index_cast %swap3A_428 : i32 to index
    %swap3A_430 = arith.constant 0 : index
    %swap3A_431 = tpu.vector_load %arg7[%swap3A_429, %swap3A_430] {strides = array<i32>} : memref<32x16xi32, #tpu.memory_space<vmem>>, vector<1x16xi32>,
    %swap3A_432 = vector.shape_cast %swap3A_431 : vector<1x16xi32> to vector<16xi32>
    %swap3A_433 = vector.shape_cast %and3A_427 : vector<16xi32> to vector<1x16xi32>
    tpu.vector_store %arg7[%swap3A_429, %swap3A_430], %swap3A_433 {strides = array<i32>} : memref<32x16xi32, #tpu.memory_space<vmem>>, vector<1x16xi32>,
    %get3A_434 = arith.constant 2 : i32
    %get3A_435 = arith.index_cast %get3A_434 : i32 to index
    %get3A_436 = arith.constant 48 : index
    %get3A_437 = tpu.vector_load %arg5[%get3A_435, %get3A_436] {strides = array<i32>} : memref<4x128xi32, #tpu.memory_space<vmem>>, vector<1x16xi32>,
    %get3A_438 = vector.shape_cast %get3A_437 : vector<1x16xi32> to vector<16xi32>
    %shift_right_arithmetic3A_439 = arith.constant 3 : i32
    %shift_right_arithmetic3A_440 = vector.broadcast %shift_right_arithmetic3A_439 : i32 to vector<16xi32>
    %shift_right_arithmetic3A_441 = arith.shrsi %get3A_438, %shift_right_arithmetic3A_440 : vector<16xi32>
    %swap3A_442 = arith.constant 19 : i32
    %swap3A_443 = arith.index_cast %swap3A_442 : i32 to index
    %swap3A_444 = arith.constant 0 : index
    %swap3A_445 = tpu.vector_load %arg6[%swap3A_443, %swap3A_444] {strides = array<i32>} : memref<32x16xi32, #tpu.memory_space<vmem>>, vector<1x16xi32>,
    %swap3A_446 = vector.shape_cast %swap3A_445 : vector<1x16xi32> to vector<16xi32>
    %swap3A_447 = vector.shape_cast %shift_right_arithmetic3A_441 : vector<16xi32> to vector<1x16xi32>
    tpu.vector_store %arg6[%swap3A_443, %swap3A_444], %swap3A_447 {strides = array<i32>} : memref<32x16xi32, #tpu.memory_space<vmem>>, vector<1x16xi32>,
    %and3A_448 = arith.constant 7 : i32
    %and3A_449 = vector.broadcast %and3A_448 : i32 to vector<16xi32>
    %and3A_450 = arith.andi %get3A_438, %and3A_449 : vector<16xi32>
    %swap3A_451 = arith.constant 19 : i32
    %swap3A_452 = arith.index_cast %swap3A_451 : i32 to index
    %swap3A_453 = arith.constant 0 : index
    %swap3A_454 = tpu.vector_load %arg7[%swap3A_452, %swap3A_453] {strides = array<i32>} : memref<32x16xi32, #tpu.memory_space<vmem>>, vector<1x16xi32>,
    %swap3A_455 = vector.shape_cast %swap3A_454 : vector<1x16xi32> to vector<16xi32>
    %swap3A_456 = vector.shape_cast %and3A_450 : vector<16xi32> to vector<1x16xi32>
    tpu.vector_store %arg7[%swap3A_452, %swap3A_453], %swap3A_456 {strides = array<i32>} : memref<32x16xi32, #tpu.memory_space<vmem>>, vector<1x16xi32>,
    %get3A_457 = arith.constant 2 : i32
    %get3A_458 = arith.index_cast %get3A_457 : i32 to index
    %get3A_459 = arith.constant 64 : index
    %get3A_460 = tpu.vector_load %arg5[%get3A_458, %get3A_459] {strides = array<i32>} : memref<4x128xi32, #tpu.memory_space<vmem>>, vector<1x16xi32>,
    %get3A_461 = vector.shape_cast %get3A_460 : vector<1x16xi32> to vector<16xi32>
    %shift_right_arithmetic3A_462 = arith.constant 3 : i32
    %shift_right_arithmetic3A_463 = vector.broadcast %shift_right_arithmetic3A_462 : i32 to vector<16xi32>
    %shift_right_arithmetic3A_464 = arith.shrsi %get3A_461, %shift_right_arithmetic3A_463 : vector<16xi32>
    %swap3A_465 = arith.constant 20 : i32
    %swap3A_466 = arith.index_cast %swap3A_465 : i32 to index
    %swap3A_467 = arith.constant 0 : index
    %swap3A_468 = tpu.vector_load %arg6[%swap3A_466, %swap3A_467] {strides = array<i32>} : memref<32x16xi32, #tpu.memory_space<vmem>>, vector<1x16xi32>,
    %swap3A_469 = vector.shape_cast %swap3A_468 : vector<1x16xi32> to vector<16xi32>
    %swap3A_470 = vector.shape_cast %shift_right_arithmetic3A_464 : vector<16xi32> to vector<1x16xi32>
    tpu.vector_store %arg6[%swap3A_466, %swap3A_467], %swap3A_470 {strides = array<i32>} : memref<32x16xi32, #tpu.memory_space<vmem>>, vector<1x16xi32>,
    %and3A_471 = arith.constant 7 : i32
    %and3A_472 = vector.broadcast %and3A_471 : i32 to vector<16xi32>
    %and3A_473 = arith.andi %get3A_461, %and3A_472 : vector<16xi32>
    %swap3A_474 = arith.constant 20 : i32
    %swap3A_475 = arith.index_cast %swap3A_474 : i32 to index
    %swap3A_476 = arith.constant 0 : index
    %swap3A_477 = tpu.vector_load %arg7[%swap3A_475, %swap3A_476] {strides = array<i32>} : memref<32x16xi32, #tpu.memory_space<vmem>>, vector<1x16xi32>,
    %swap3A_478 = vector.shape_cast %swap3A_477 : vector<1x16xi32> to vector<16xi32>
    %swap3A_479 = vector.shape_cast %and3A_473 : vector<16xi32> to vector<1x16xi32>
    tpu.vector_store %arg7[%swap3A_475, %swap3A_476], %swap3A_479 {strides = array<i32>} : memref<32x16xi32, #tpu.memory_space<vmem>>, vector<1x16xi32>,
    %get3A_480 = arith.constant 2 : i32
    %get3A_481 = arith.index_cast %get3A_480 : i32 to index
    %get3A_482 = arith.constant 80 : index
    %get3A_483 = tpu.vector_load %arg5[%get3A_481, %get3A_482] {strides = array<i32>} : memref<4x128xi32, #tpu.memory_space<vmem>>, vector<1x16xi32>,
    %get3A_484 = vector.shape_cast %get3A_483 : vector<1x16xi32> to vector<16xi32>
    %shift_right_arithmetic3A_485 = arith.constant 3 : i32
    %shift_right_arithmetic3A_486 = vector.broadcast %shift_right_arithmetic3A_485 : i32 to vector<16xi32>
    %shift_right_arithmetic3A_487 = arith.shrsi %get3A_484, %shift_right_arithmetic3A_486 : vector<16xi32>
    %swap3A_488 = arith.constant 21 : i32
    %swap3A_489 = arith.index_cast %swap3A_488 : i32 to index
    %swap3A_490 = arith.constant 0 : index
    %swap3A_491 = tpu.vector_load %arg6[%swap3A_489, %swap3A_490] {strides = array<i32>} : memref<32x16xi32, #tpu.memory_space<vmem>>, vector<1x16xi32>,
    %swap3A_492 = vector.shape_cast %swap3A_491 : vector<1x16xi32> to vector<16xi32>
    %swap3A_493 = vector.shape_cast %shift_right_arithmetic3A_487 : vector<16xi32> to vector<1x16xi32>
    tpu.vector_store %arg6[%swap3A_489, %swap3A_490], %swap3A_493 {strides = array<i32>} : memref<32x16xi32, #tpu.memory_space<vmem>>, vector<1x16xi32>,
    %and3A_494 = arith.constant 7 : i32
    %and3A_495 = vector.broadcast %and3A_494 : i32 to vector<16xi32>
    %and3A_496 = arith.andi %get3A_484, %and3A_495 : vector<16xi32>
    %swap3A_497 = arith.constant 21 : i32
    %swap3A_498 = arith.index_cast %swap3A_497 : i32 to index
    %swap3A_499 = arith.constant 0 : index
    %swap3A_500 = tpu.vector_load %arg7[%swap3A_498, %swap3A_499] {strides = array<i32>} : memref<32x16xi32, #tpu.memory_space<vmem>>, vector<1x16xi32>,
    %swap3A_501 = vector.shape_cast %swap3A_500 : vector<1x16xi32> to vector<16xi32>
    %swap3A_502 = vector.shape_cast %and3A_496 : vector<16xi32> to vector<1x16xi32>
    tpu.vector_store %arg7[%swap3A_498, %swap3A_499], %swap3A_502 {strides = array<i32>} : memref<32x16xi32, #tpu.memory_space<vmem>>, vector<1x16xi32>,
    %get3A_503 = arith.constant 2 : i32
    %get3A_504 = arith.index_cast %get3A_503 : i32 to index
    %get3A_505 = arith.constant 96 : index
    %get3A_506 = tpu.vector_load %arg5[%get3A_504, %get3A_505] {strides = array<i32>} : memref<4x128xi32, #tpu.memory_space<vmem>>, vector<1x16xi32>,
    %get3A_507 = vector.shape_cast %get3A_506 : vector<1x16xi32> to vector<16xi32>
    %shift_right_arithmetic3A_508 = arith.constant 3 : i32
    %shift_right_arithmetic3A_509 = vector.broadcast %shift_right_arithmetic3A_508 : i32 to vector<16xi32>
    %shift_right_arithmetic3A_510 = arith.shrsi %get3A_507, %shift_right_arithmetic3A_509 : vector<16xi32>
    %swap3A_511 = arith.constant 22 : i32
    %swap3A_512 = arith.index_cast %swap3A_511 : i32 to index
    %swap3A_513 = arith.constant 0 : index
    %swap3A_514 = tpu.vector_load %arg6[%swap3A_512, %swap3A_513] {strides = array<i32>} : memref<32x16xi32, #tpu.memory_space<vmem>>, vector<1x16xi32>,
    %swap3A_515 = vector.shape_cast %swap3A_514 : vector<1x16xi32> to vector<16xi32>
    %swap3A_516 = vector.shape_cast %shift_right_arithmetic3A_510 : vector<16xi32> to vector<1x16xi32>
    tpu.vector_store %arg6[%swap3A_512, %swap3A_513], %swap3A_516 {strides = array<i32>} : memref<32x16xi32, #tpu.memory_space<vmem>>, vector<1x16xi32>,
    %and3A_517 = arith.constant 7 : i32
    %and3A_518 = vector.broadcast %and3A_517 : i32 to vector<16xi32>
    %and3A_519 = arith.andi %get3A_507, %and3A_518 : vector<16xi32>
    %swap3A_520 = arith.constant 22 : i32
    %swap3A_521 = arith.index_cast %swap3A_520 : i32 to index
    %swap3A_522 = arith.constant 0 : index
    %swap3A_523 = tpu.vector_load %arg7[%swap3A_521, %swap3A_522] {strides = array<i32>} : memref<32x16xi32, #tpu.memory_space<vmem>>, vector<1x16xi32>,
    %swap3A_524 = vector.shape_cast %swap3A_523 : vector<1x16xi32> to vector<16xi32>
    %swap3A_525 = vector.shape_cast %and3A_519 : vector<16xi32> to vector<1x16xi32>
    tpu.vector_store %arg7[%swap3A_521, %swap3A_522], %swap3A_525 {strides = array<i32>} : memref<32x16xi32, #tpu.memory_space<vmem>>, vector<1x16xi32>,
    %get3A_526 = arith.constant 2 : i32
    %get3A_527 = arith.index_cast %get3A_526 : i32 to index
    %get3A_528 = arith.constant 112 : index
    %get3A_529 = tpu.vector_load %arg5[%get3A_527, %get3A_528] {strides = array<i32>} : memref<4x128xi32, #tpu.memory_space<vmem>>, vector<1x16xi32>,
    %get3A_530 = vector.shape_cast %get3A_529 : vector<1x16xi32> to vector<16xi32>
    %shift_right_arithmetic3A_531 = arith.constant 3 : i32
    %shift_right_arithmetic3A_532 = vector.broadcast %shift_right_arithmetic3A_531 : i32 to vector<16xi32>
    %shift_right_arithmetic3A_533 = arith.shrsi %get3A_530, %shift_right_arithmetic3A_532 : vector<16xi32>
    %swap3A_534 = arith.constant 23 : i32
    %swap3A_535 = arith.index_cast %swap3A_534 : i32 to index
    %swap3A_536 = arith.constant 0 : index
    %swap3A_537 = tpu.vector_load %arg6[%swap3A_535, %swap3A_536] {strides = array<i32>} : memref<32x16xi32, #tpu.memory_space<vmem>>, vector<1x16xi32>,
    %swap3A_538 = vector.shape_cast %swap3A_537 : vector<1x16xi32> to vector<16xi32>
    %swap3A_539 = vector.shape_cast %shift_right_arithmetic3A_533 : vector<16xi32> to vector<1x16xi32>
    tpu.vector_store %arg6[%swap3A_535, %swap3A_536], %swap3A_539 {strides = array<i32>} : memref<32x16xi32, #tpu.memory_space<vmem>>, vector<1x16xi32>,
    %and3A_540 = arith.constant 7 : i32
    %and3A_541 = vector.broadcast %and3A_540 : i32 to vector<16xi32>
    %and3A_542 = arith.andi %get3A_530, %and3A_541 : vector<16xi32>
    %swap3A_543 = arith.constant 23 : i32
    %swap3A_544 = arith.index_cast %swap3A_543 : i32 to index
    %swap3A_545 = arith.constant 0 : index
    %swap3A_546 = tpu.vector_load %arg7[%swap3A_544, %swap3A_545] {strides = array<i32>} : memref<32x16xi32, #tpu.memory_space<vmem>>, vector<1x16xi32>,
    %swap3A_547 = vector.shape_cast %swap3A_546 : vector<1x16xi32> to vector<16xi32>
    %swap3A_548 = vector.shape_cast %and3A_542 : vector<16xi32> to vector<1x16xi32>
    tpu.vector_store %arg7[%swap3A_544, %swap3A_545], %swap3A_548 {strides = array<i32>} : memref<32x16xi32, #tpu.memory_space<vmem>>, vector<1x16xi32>,
    %get3A_549 = arith.constant 3 : i32
    %get3A_550 = arith.index_cast %get3A_549 : i32 to index
    %get3A_551 = arith.constant 0 : index
    %get3A_552 = tpu.vector_load %arg5[%get3A_550, %get3A_551] {strides = array<i32>} : memref<4x128xi32, #tpu.memory_space<vmem>>, vector<1x16xi32>,
    %get3A_553 = vector.shape_cast %get3A_552 : vector<1x16xi32> to vector<16xi32>
    %shift_right_arithmetic3A_554 = arith.constant 3 : i32
    %shift_right_arithmetic3A_555 = vector.broadcast %shift_right_arithmetic3A_554 : i32 to vector<16xi32>
    %shift_right_arithmetic3A_556 = arith.shrsi %get3A_553, %shift_right_arithmetic3A_555 : vector<16xi32>
    %swap3A_557 = arith.constant 24 : i32
    %swap3A_558 = arith.index_cast %swap3A_557 : i32 to index
    %swap3A_559 = arith.constant 0 : index
    %swap3A_560 = tpu.vector_load %arg6[%swap3A_558, %swap3A_559] {strides = array<i32>} : memref<32x16xi32, #tpu.memory_space<vmem>>, vector<1x16xi32>,
    %swap3A_561 = vector.shape_cast %swap3A_560 : vector<1x16xi32> to vector<16xi32>
    %swap3A_562 = vector.shape_cast %shift_right_arithmetic3A_556 : vector<16xi32> to vector<1x16xi32>
    tpu.vector_store %arg6[%swap3A_558, %swap3A_559], %swap3A_562 {strides = array<i32>} : memref<32x16xi32, #tpu.memory_space<vmem>>, vector<1x16xi32>,
    %and3A_563 = arith.constant 7 : i32
    %and3A_564 = vector.broadcast %and3A_563 : i32 to vector<16xi32>
    %and3A_565 = arith.andi %get3A_553, %and3A_564 : vector<16xi32>
    %swap3A_566 = arith.constant 24 : i32
    %swap3A_567 = arith.index_cast %swap3A_566 : i32 to index
    %swap3A_568 = arith.constant 0 : index
    %swap3A_569 = tpu.vector_load %arg7[%swap3A_567, %swap3A_568] {strides = array<i32>} : memref<32x16xi32, #tpu.memory_space<vmem>>, vector<1x16xi32>,
    %swap3A_570 = vector.shape_cast %swap3A_569 : vector<1x16xi32> to vector<16xi32>
    %swap3A_571 = vector.shape_cast %and3A_565 : vector<16xi32> to vector<1x16xi32>
    tpu.vector_store %arg7[%swap3A_567, %swap3A_568], %swap3A_571 {strides = array<i32>} : memref<32x16xi32, #tpu.memory_space<vmem>>, vector<1x16xi32>,
    %get3A_572 = arith.constant 3 : i32
    %get3A_573 = arith.index_cast %get3A_572 : i32 to index
    %get3A_574 = arith.constant 16 : index
    %get3A_575 = tpu.vector_load %arg5[%get3A_573, %get3A_574] {strides = array<i32>} : memref<4x128xi32, #tpu.memory_space<vmem>>, vector<1x16xi32>,
    %get3A_576 = vector.shape_cast %get3A_575 : vector<1x16xi32> to vector<16xi32>
    %shift_right_arithmetic3A_577 = arith.constant 3 : i32
    %shift_right_arithmetic3A_578 = vector.broadcast %shift_right_arithmetic3A_577 : i32 to vector<16xi32>
    %shift_right_arithmetic3A_579 = arith.shrsi %get3A_576, %shift_right_arithmetic3A_578 : vector<16xi32>
    %swap3A_580 = arith.constant 25 : i32
    %swap3A_581 = arith.index_cast %swap3A_580 : i32 to index
    %swap3A_582 = arith.constant 0 : index
    %swap3A_583 = tpu.vector_load %arg6[%swap3A_581, %swap3A_582] {strides = array<i32>} : memref<32x16xi32, #tpu.memory_space<vmem>>, vector<1x16xi32>,
    %swap3A_584 = vector.shape_cast %swap3A_583 : vector<1x16xi32> to vector<16xi32>
    %swap3A_585 = vector.shape_cast %shift_right_arithmetic3A_579 : vector<16xi32> to vector<1x16xi32>
    tpu.vector_store %arg6[%swap3A_581, %swap3A_582], %swap3A_585 {strides = array<i32>} : memref<32x16xi32, #tpu.memory_space<vmem>>, vector<1x16xi32>,
    %and3A_586 = arith.constant 7 : i32
    %and3A_587 = vector.broadcast %and3A_586 : i32 to vector<16xi32>
    %and3A_588 = arith.andi %get3A_576, %and3A_587 : vector<16xi32>
    %swap3A_589 = arith.constant 25 : i32
    %swap3A_590 = arith.index_cast %swap3A_589 : i32 to index
    %swap3A_591 = arith.constant 0 : index
    %swap3A_592 = tpu.vector_load %arg7[%swap3A_590, %swap3A_591] {strides = array<i32>} : memref<32x16xi32, #tpu.memory_space<vmem>>, vector<1x16xi32>,
    %swap3A_593 = vector.shape_cast %swap3A_592 : vector<1x16xi32> to vector<16xi32>
    %swap3A_594 = vector.shape_cast %and3A_588 : vector<16xi32> to vector<1x16xi32>
    tpu.vector_store %arg7[%swap3A_590, %swap3A_591], %swap3A_594 {strides = array<i32>} : memref<32x16xi32, #tpu.memory_space<vmem>>, vector<1x16xi32>,
    %get3A_595 = arith.constant 3 : i32
    %get3A_596 = arith.index_cast %get3A_595 : i32 to index
    %get3A_597 = arith.constant 32 : index
    %get3A_598 = tpu.vector_load %arg5[%get3A_596, %get3A_597] {strides = array<i32>} : memref<4x128xi32, #tpu.memory_space<vmem>>, vector<1x16xi32>,
    %get3A_599 = vector.shape_cast %get3A_598 : vector<1x16xi32> to vector<16xi32>
    %shift_right_arithmetic3A_600 = arith.constant 3 : i32
    %shift_right_arithmetic3A_601 = vector.broadcast %shift_right_arithmetic3A_600 : i32 to vector<16xi32>
    %shift_right_arithmetic3A_602 = arith.shrsi %get3A_599, %shift_right_arithmetic3A_601 : vector<16xi32>
    %swap3A_603 = arith.constant 26 : i32
    %swap3A_604 = arith.index_cast %swap3A_603 : i32 to index
    %swap3A_605 = arith.constant 0 : index
    %swap3A_606 = tpu.vector_load %arg6[%swap3A_604, %swap3A_605] {strides = array<i32>} : memref<32x16xi32, #tpu.memory_space<vmem>>, vector<1x16xi32>,
    %swap3A_607 = vector.shape_cast %swap3A_606 : vector<1x16xi32> to vector<16xi32>
    %swap3A_608 = vector.shape_cast %shift_right_arithmetic3A_602 : vector<16xi32> to vector<1x16xi32>
    tpu.vector_store %arg6[%swap3A_604, %swap3A_605], %swap3A_608 {strides = array<i32>} : memref<32x16xi32, #tpu.memory_space<vmem>>, vector<1x16xi32>,
    %and3A_609 = arith.constant 7 : i32
    %and3A_610 = vector.broadcast %and3A_609 : i32 to vector<16xi32>
    %and3A_611 = arith.andi %get3A_599, %and3A_610 : vector<16xi32>
    %swap3A_612 = arith.constant 26 : i32
    %swap3A_613 = arith.index_cast %swap3A_612 : i32 to index
    %swap3A_614 = arith.constant 0 : index
    %swap3A_615 = tpu.vector_load %arg7[%swap3A_613, %swap3A_614] {strides = array<i32>} : memref<32x16xi32, #tpu.memory_space<vmem>>, vector<1x16xi32>,
    %swap3A_616 = vector.shape_cast %swap3A_615 : vector<1x16xi32> to vector<16xi32>
    %swap3A_617 = vector.shape_cast %and3A_611 : vector<16xi32> to vector<1x16xi32>
    tpu.vector_store %arg7[%swap3A_613, %swap3A_614], %swap3A_617 {strides = array<i32>} : memref<32x16xi32, #tpu.memory_space<vmem>>, vector<1x16xi32>,
    %get3A_618 = arith.constant 3 : i32
    %get3A_619 = arith.index_cast %get3A_618 : i32 to index
    %get3A_620 = arith.constant 48 : index
    %get3A_621 = tpu.vector_load %arg5[%get3A_619, %get3A_620] {strides = array<i32>} : memref<4x128xi32, #tpu.memory_space<vmem>>, vector<1x16xi32>,
    %get3A_622 = vector.shape_cast %get3A_621 : vector<1x16xi32> to vector<16xi32>
    %shift_right_arithmetic3A_623 = arith.constant 3 : i32
    %shift_right_arithmetic3A_624 = vector.broadcast %shift_right_arithmetic3A_623 : i32 to vector<16xi32>
    %shift_right_arithmetic3A_625 = arith.shrsi %get3A_622, %shift_right_arithmetic3A_624 : vector<16xi32>
    %swap3A_626 = arith.constant 27 : i32
    %swap3A_627 = arith.index_cast %swap3A_626 : i32 to index
    %swap3A_628 = arith.constant 0 : index
    %swap3A_629 = tpu.vector_load %arg6[%swap3A_627, %swap3A_628] {strides = array<i32>} : memref<32x16xi32, #tpu.memory_space<vmem>>, vector<1x16xi32>,
    %swap3A_630 = vector.shape_cast %swap3A_629 : vector<1x16xi32> to vector<16xi32>
    %swap3A_631 = vector.shape_cast %shift_right_arithmetic3A_625 : vector<16xi32> to vector<1x16xi32>
    tpu.vector_store %arg6[%swap3A_627, %swap3A_628], %swap3A_631 {strides = array<i32>} : memref<32x16xi32, #tpu.memory_space<vmem>>, vector<1x16xi32>,
    %and3A_632 = arith.constant 7 : i32
    %and3A_633 = vector.broadcast %and3A_632 : i32 to vector<16xi32>
    %and3A_634 = arith.andi %get3A_622, %and3A_633 : vector<16xi32>
    %swap3A_635 = arith.constant 27 : i32
    %swap3A_636 = arith.index_cast %swap3A_635 : i32 to index
    %swap3A_637 = arith.constant 0 : index
    %swap3A_638 = tpu.vector_load %arg7[%swap3A_636, %swap3A_637] {strides = array<i32>} : memref<32x16xi32, #tpu.memory_space<vmem>>, vector<1x16xi32>,
    %swap3A_639 = vector.shape_cast %swap3A_638 : vector<1x16xi32> to vector<16xi32>
    %swap3A_640 = vector.shape_cast %and3A_634 : vector<16xi32> to vector<1x16xi32>
    tpu.vector_store %arg7[%swap3A_636, %swap3A_637], %swap3A_640 {strides = array<i32>} : memref<32x16xi32, #tpu.memory_space<vmem>>, vector<1x16xi32>,
    %get3A_641 = arith.constant 3 : i32
    %get3A_642 = arith.index_cast %get3A_641 : i32 to index
    %get3A_643 = arith.constant 64 : index
    %get3A_644 = tpu.vector_load %arg5[%get3A_642, %get3A_643] {strides = array<i32>} : memref<4x128xi32, #tpu.memory_space<vmem>>, vector<1x16xi32>,
    %get3A_645 = vector.shape_cast %get3A_644 : vector<1x16xi32> to vector<16xi32>
    %shift_right_arithmetic3A_646 = arith.constant 3 : i32
    %shift_right_arithmetic3A_647 = vector.broadcast %shift_right_arithmetic3A_646 : i32 to vector<16xi32>
    %shift_right_arithmetic3A_648 = arith.shrsi %get3A_645, %shift_right_arithmetic3A_647 : vector<16xi32>
    %swap3A_649 = arith.constant 28 : i32
    %swap3A_650 = arith.index_cast %swap3A_649 : i32 to index
    %swap3A_651 = arith.constant 0 : index
    %swap3A_652 = tpu.vector_load %arg6[%swap3A_650, %swap3A_651] {strides = array<i32>} : memref<32x16xi32, #tpu.memory_space<vmem>>, vector<1x16xi32>,
    %swap3A_653 = vector.shape_cast %swap3A_652 : vector<1x16xi32> to vector<16xi32>
    %swap3A_654 = vector.shape_cast %shift_right_arithmetic3A_648 : vector<16xi32> to vector<1x16xi32>
    tpu.vector_store %arg6[%swap3A_650, %swap3A_651], %swap3A_654 {strides = array<i32>} : memref<32x16xi32, #tpu.memory_space<vmem>>, vector<1x16xi32>,
    %and3A_655 = arith.constant 7 : i32
    %and3A_656 = vector.broadcast %and3A_655 : i32 to vector<16xi32>
    %and3A_657 = arith.andi %get3A_645, %and3A_656 : vector<16xi32>
    %swap3A_658 = arith.constant 28 : i32
    %swap3A_659 = arith.index_cast %swap3A_658 : i32 to index
    %swap3A_660 = arith.constant 0 : index
    %swap3A_661 = tpu.vector_load %arg7[%swap3A_659, %swap3A_660] {strides = array<i32>} : memref<32x16xi32, #tpu.memory_space<vmem>>, vector<1x16xi32>,
    %swap3A_662 = vector.shape_cast %swap3A_661 : vector<1x16xi32> to vector<16xi32>
    %swap3A_663 = vector.shape_cast %and3A_657 : vector<16xi32> to vector<1x16xi32>
    tpu.vector_store %arg7[%swap3A_659, %swap3A_660], %swap3A_663 {strides = array<i32>} : memref<32x16xi32, #tpu.memory_space<vmem>>, vector<1x16xi32>,
    %get3A_664 = arith.constant 3 : i32
    %get3A_665 = arith.index_cast %get3A_664 : i32 to index
    %get3A_666 = arith.constant 80 : index
    %get3A_667 = tpu.vector_load %arg5[%get3A_665, %get3A_666] {strides = array<i32>} : memref<4x128xi32, #tpu.memory_space<vmem>>, vector<1x16xi32>,
    %get3A_668 = vector.shape_cast %get3A_667 : vector<1x16xi32> to vector<16xi32>
    %shift_right_arithmetic3A_669 = arith.constant 3 : i32
    %shift_right_arithmetic3A_670 = vector.broadcast %shift_right_arithmetic3A_669 : i32 to vector<16xi32>
    %shift_right_arithmetic3A_671 = arith.shrsi %get3A_668, %shift_right_arithmetic3A_670 : vector<16xi32>
    %swap3A_672 = arith.constant 29 : i32
    %swap3A_673 = arith.index_cast %swap3A_672 : i32 to index
    %swap3A_674 = arith.constant 0 : index
    %swap3A_675 = tpu.vector_load %arg6[%swap3A_673, %swap3A_674] {strides = array<i32>} : memref<32x16xi32, #tpu.memory_space<vmem>>, vector<1x16xi32>,
    %swap3A_676 = vector.shape_cast %swap3A_675 : vector<1x16xi32> to vector<16xi32>
    %swap3A_677 = vector.shape_cast %shift_right_arithmetic3A_671 : vector<16xi32> to vector<1x16xi32>
    tpu.vector_store %arg6[%swap3A_673, %swap3A_674], %swap3A_677 {strides = array<i32>} : memref<32x16xi32, #tpu.memory_space<vmem>>, vector<1x16xi32>,
    %and3A_678 = arith.constant 7 : i32
    %and3A_679 = vector.broadcast %and3A_678 : i32 to vector<16xi32>
    %and3A_680 = arith.andi %get3A_668, %and3A_679 : vector<16xi32>
    %swap3A_681 = arith.constant 29 : i32
    %swap3A_682 = arith.index_cast %swap3A_681 : i32 to index
    %swap3A_683 = arith.constant 0 : index
    %swap3A_684 = tpu.vector_load %arg7[%swap3A_682, %swap3A_683] {strides = array<i32>} : memref<32x16xi32, #tpu.memory_space<vmem>>, vector<1x16xi32>,
    %swap3A_685 = vector.shape_cast %swap3A_684 : vector<1x16xi32> to vector<16xi32>
    %swap3A_686 = vector.shape_cast %and3A_680 : vector<16xi32> to vector<1x16xi32>
    tpu.vector_store %arg7[%swap3A_682, %swap3A_683], %swap3A_686 {strides = array<i32>} : memref<32x16xi32, #tpu.memory_space<vmem>>, vector<1x16xi32>,
    %get3A_687 = arith.constant 3 : i32
    %get3A_688 = arith.index_cast %get3A_687 : i32 to index
    %get3A_689 = arith.constant 96 : index
    %get3A_690 = tpu.vector_load %arg5[%get3A_688, %get3A_689] {strides = array<i32>} : memref<4x128xi32, #tpu.memory_space<vmem>>, vector<1x16xi32>,
    %get3A_691 = vector.shape_cast %get3A_690 : vector<1x16xi32> to vector<16xi32>
    %shift_right_arithmetic3A_692 = arith.constant 3 : i32
    %shift_right_arithmetic3A_693 = vector.broadcast %shift_right_arithmetic3A_692 : i32 to vector<16xi32>
    %shift_right_arithmetic3A_694 = arith.shrsi %get3A_691, %shift_right_arithmetic3A_693 : vector<16xi32>
    %swap3A_695 = arith.constant 30 : i32
    %swap3A_696 = arith.index_cast %swap3A_695 : i32 to index
    %swap3A_697 = arith.constant 0 : index
    %swap3A_698 = tpu.vector_load %arg6[%swap3A_696, %swap3A_697] {strides = array<i32>} : memref<32x16xi32, #tpu.memory_space<vmem>>, vector<1x16xi32>,
    %swap3A_699 = vector.shape_cast %swap3A_698 : vector<1x16xi32> to vector<16xi32>
    %swap3A_700 = vector.shape_cast %shift_right_arithmetic3A_694 : vector<16xi32> to vector<1x16xi32>
    tpu.vector_store %arg6[%swap3A_696, %swap3A_697], %swap3A_700 {strides = array<i32>} : memref<32x16xi32, #tpu.memory_space<vmem>>, vector<1x16xi32>,
    %and3A_701 = arith.constant 7 : i32
    %and3A_702 = vector.broadcast %and3A_701 : i32 to vector<16xi32>
    %and3A_703 = arith.andi %get3A_691, %and3A_702 : vector<16xi32>
    %swap3A_704 = arith.constant 30 : i32
    %swap3A_705 = arith.index_cast %swap3A_704 : i32 to index
    %swap3A_706 = arith.constant 0 : index
    %swap3A_707 = tpu.vector_load %arg7[%swap3A_705, %swap3A_706] {strides = array<i32>} : memref<32x16xi32, #tpu.memory_space<vmem>>, vector<1x16xi32>,
    %swap3A_708 = vector.shape_cast %swap3A_707 : vector<1x16xi32> to vector<16xi32>
    %swap3A_709 = vector.shape_cast %and3A_703 : vector<16xi32> to vector<1x16xi32>
    tpu.vector_store %arg7[%swap3A_705, %swap3A_706], %swap3A_709 {strides = array<i32>} : memref<32x16xi32, #tpu.memory_space<vmem>>, vector<1x16xi32>,
    %get3A_710 = arith.constant 3 : i32
    %get3A_711 = arith.index_cast %get3A_710 : i32 to index
    %get3A_712 = arith.constant 112 : index
    %get3A_713 = tpu.vector_load %arg5[%get3A_711, %get3A_712] {strides = array<i32>} : memref<4x128xi32, #tpu.memory_space<vmem>>, vector<1x16xi32>,
    %get3A_714 = vector.shape_cast %get3A_713 : vector<1x16xi32> to vector<16xi32>
    %shift_right_arithmetic3A_715 = arith.constant 3 : i32
    %shift_right_arithmetic3A_716 = vector.broadcast %shift_right_arithmetic3A_715 : i32 to vector<16xi32>
    %shift_right_arithmetic3A_717 = arith.shrsi %get3A_714, %shift_right_arithmetic3A_716 : vector<16xi32>
    %swap3A_718 = arith.constant 31 : i32
    %swap3A_719 = arith.index_cast %swap3A_718 : i32 to index
    %swap3A_720 = arith.constant 0 : index
    %swap3A_721 = tpu.vector_load %arg6[%swap3A_719, %swap3A_720] {strides = array<i32>} : memref<32x16xi32, #tpu.memory_space<vmem>>, vector<1x16xi32>,
    %swap3A_722 = vector.shape_cast %swap3A_721 : vector<1x16xi32> to vector<16xi32>
    %swap3A_723 = vector.shape_cast %shift_right_arithmetic3A_717 : vector<16xi32> to vector<1x16xi32>
    tpu.vector_store %arg6[%swap3A_719, %swap3A_720], %swap3A_723 {strides = array<i32>} : memref<32x16xi32, #tpu.memory_space<vmem>>, vector<1x16xi32>,
    %and3A_724 = arith.constant 7 : i32
    %and3A_725 = vector.broadcast %and3A_724 : i32 to vector<16xi32>
    %and3A_726 = arith.andi %get3A_714, %and3A_725 : vector<16xi32>
    %swap3A_727 = arith.constant 31 : i32
    %swap3A_728 = arith.index_cast %swap3A_727 : i32 to index
    %swap3A_729 = arith.constant 0 : index
    %swap3A_730 = tpu.vector_load %arg7[%swap3A_728, %swap3A_729] {strides = array<i32>} : memref<32x16xi32, #tpu.memory_space<vmem>>, vector<1x16xi32>,
    %swap3A_731 = vector.shape_cast %swap3A_730 : vector<1x16xi32> to vector<16xi32>
    %swap3A_732 = vector.shape_cast %and3A_726 : vector<16xi32> to vector<1x16xi32>
    tpu.vector_store %arg7[%swap3A_728, %swap3A_729], %swap3A_732 {strides = array<i32>} : memref<32x16xi32, #tpu.memory_space<vmem>>, vector<1x16xi32>,
    %scan3A = arith.constant 0 : i32
    %scan3A_733 = arith.constant 0 : i32
    %scan3A_734 = arith.constant 32 : i32
    %scan3A_735 = arith.addi %scan3A_733, %scan3A_734 : i32
    %scan3A_736 = arith.constant 1 : i32
    scf.for %scan3A_740 = %scan3A_733 to %scan3A_735 step %scan3A_736  : i32 {
      %get3A_741 = arith.index_cast %scan3A_740 : i32 to index
      %get3A_742 = arith.constant 0 : index
      %get3A_743 = tpu.vector_load %arg6[%get3A_741, %get3A_742] {strides = array<i32>} : memref<32x16xi32, #tpu.memory_space<vmem>>, vector<1x16xi32>,
      %get3A_744 = vector.shape_cast %get3A_743 : vector<1x16xi32> to vector<16xi32>
      %get3A_745 = arith.index_cast %scan3A_740 : i32 to index
      %get3A_746 = arith.constant 0 : index
      %get3A_747 = tpu.vector_load %arg7[%get3A_745, %get3A_746] {strides = array<i32>} : memref<32x16xi32, #tpu.memory_space<vmem>>, vector<1x16xi32>,
      %get3A_748 = vector.shape_cast %get3A_747 : vector<1x16xi32> to vector<16xi32>
      %slice3A = vector.extract_strided_slice %get3A_744 {offsets = [0], sizes = [1], strides = [1]} : vector<16xi32> to vector<1xi32>
      %squeeze3A = vector.extract %slice3A[0] : i32 from vector<1xi32>
      %mul3A_749 = arith.constant 8 : i32
      %mul3A_750 = arith.muli %squeeze3A, %mul3A_749 : i32
      %dma_start3A = arith.constant 0 : i32
      %dma_start3A_751 = arith.constant 0 : i32
      %dma_start3A_752 = arith.constant 0 : i32
      %dma_start3A_753 = tpu.memref_slice %arg8[%dma_start3A, %dma_start3A_751, %dma_start3A_752] : memref<16x8x32xf32, #tpu.memory_space<vmem>> -> memref<1x8x32xf32, #tpu.memory_space<vmem>>
      %dma_start3A_754 = tpu.memref_squeeze %dma_start3A_753 : memref<1x8x32xf32, #tpu.memory_space<vmem>> -> memref<8x32xf32, #tpu.memory_space<vmem>>
      %dma_start3A_755 = arith.constant 0 : i32
      %dma_start3A_756 = tpu.memref_slice %arg3[%mul3A_750, %dma_start3A_755] : memref<1000000x32xf32, #tpu.memory_space<hbm>> -> memref<8x32xf32, #tpu.memory_space<hbm>>
      %dma_start3A_757 = arith.constant 0 : i32
      %dma_start3A_758 = arith.constant 0 : i32
      %dma_start3A_759 = tpu.memref_slice %arg8[%dma_start3A, %dma_start3A_757, %dma_start3A_758] : memref<16x8x32xf32, #tpu.memory_space<vmem>> -> memref<1x8x32xf32, #tpu.memory_space<vmem>>
      %dma_start3A_760 = tpu.memref_squeeze %dma_start3A_759 : memref<1x8x32xf32, #tpu.memory_space<vmem>> -> memref<8x32xf32, #tpu.memory_space<vmem>>
      %dma_start3A_761 = arith.constant 0 : i32
      %dma_start3A_762 = tpu.memref_slice %arg3[%mul3A_750, %dma_start3A_761] : memref<1000000x32xf32, #tpu.memory_space<hbm>> -> memref<8x32xf32, #tpu.memory_space<hbm>>
      tpu.enqueue_dma source(%dma_start3A_762 : memref<8x32xf32, #tpu.memory_space<hbm>>) target(%dma_start3A_760 : memref<8x32xf32, #tpu.memory_space<vmem>>) target_semaphore(%arg10 : memref<!tpu.dma_semaphore, #tpu.memory_space<semaphore_mem>>)
      %slice3A_763 = vector.extract_strided_slice %get3A_744 {offsets = [1], sizes = [1], strides = [1]} : vector<16xi32> to vector<1xi32>
      %squeeze3A_764 = vector.extract %slice3A_763[0] : i32 from vector<1xi32>
      %mul3A_765 = arith.constant 8 : i32
      %mul3A_766 = arith.muli %squeeze3A_764, %mul3A_765 : i32
      %dma_start3A_767 = arith.constant 1 : i32
      %dma_start3A_768 = arith.constant 0 : i32
      %dma_start3A_769 = arith.constant 0 : i32
      %dma_start3A_770 = tpu.memref_slice %arg8[%dma_start3A_767, %dma_start3A_768, %dma_start3A_769] : memref<16x8x32xf32, #tpu.memory_space<vmem>> -> memref<1x8x32xf32, #tpu.memory_space<vmem>>
      %dma_start3A_771 = tpu.memref_squeeze %dma_start3A_770 : memref<1x8x32xf32, #tpu.memory_space<vmem>> -> memref<8x32xf32, #tpu.memory_space<vmem>>
      %dma_start3A_772 = arith.constant 0 : i32
      %dma_start3A_773 = tpu.memref_slice %arg3[%mul3A_766, %dma_start3A_772] : memref<1000000x32xf32, #tpu.memory_space<hbm>> -> memref<8x32xf32, #tpu.memory_space<hbm>>
      %dma_start3A_774 = arith.constant 0 : i32
      %dma_start3A_775 = arith.constant 0 : i32
      %dma_start3A_776 = tpu.memref_slice %arg8[%dma_start3A_767, %dma_start3A_774, %dma_start3A_775] : memref<16x8x32xf32, #tpu.memory_space<vmem>> -> memref<1x8x32xf32, #tpu.memory_space<vmem>>
      %dma_start3A_777 = tpu.memref_squeeze %dma_start3A_776 : memref<1x8x32xf32, #tpu.memory_space<vmem>> -> memref<8x32xf32, #tpu.memory_space<vmem>>
      %dma_start3A_778 = arith.constant 0 : i32
      %dma_start3A_779 = tpu.memref_slice %arg3[%mul3A_766, %dma_start3A_778] : memref<1000000x32xf32, #tpu.memory_space<hbm>> -> memref<8x32xf32, #tpu.memory_space<hbm>>
      tpu.enqueue_dma source(%dma_start3A_779 : memref<8x32xf32, #tpu.memory_space<hbm>>) target(%dma_start3A_777 : memref<8x32xf32, #tpu.memory_space<vmem>>) target_semaphore(%arg10 : memref<!tpu.dma_semaphore, #tpu.memory_space<semaphore_mem>>)
      %slice3A_780 = vector.extract_strided_slice %get3A_744 {offsets = [2], sizes = [1], strides = [1]} : vector<16xi32> to vector<1xi32>
      %squeeze3A_781 = vector.extract %slice3A_780[0] : i32 from vector<1xi32>
      %mul3A_782 = arith.constant 8 : i32
      %mul3A_783 = arith.muli %squeeze3A_781, %mul3A_782 : i32
      %dma_start3A_784 = arith.constant 2 : i32
      %dma_start3A_785 = arith.constant 0 : i32
      %dma_start3A_786 = arith.constant 0 : i32
      %dma_start3A_787 = tpu.memref_slice %arg8[%dma_start3A_784, %dma_start3A_785, %dma_start3A_786] : memref<16x8x32xf32, #tpu.memory_space<vmem>> -> memref<1x8x32xf32, #tpu.memory_space<vmem>>
      %dma_start3A_788 = tpu.memref_squeeze %dma_start3A_787 : memref<1x8x32xf32, #tpu.memory_space<vmem>> -> memref<8x32xf32, #tpu.memory_space<vmem>>
      %dma_start3A_789 = arith.constant 0 : i32
      %dma_start3A_790 = tpu.memref_slice %arg3[%mul3A_783, %dma_start3A_789] : memref<1000000x32xf32, #tpu.memory_space<hbm>> -> memref<8x32xf32, #tpu.memory_space<hbm>>
      %dma_start3A_791 = arith.constant 0 : i32
      %dma_start3A_792 = arith.constant 0 : i32
      %dma_start3A_793 = tpu.memref_slice %arg8[%dma_start3A_784, %dma_start3A_791, %dma_start3A_792] : memref<16x8x32xf32, #tpu.memory_space<vmem>> -> memref<1x8x32xf32, #tpu.memory_space<vmem>>
      %dma_start3A_794 = tpu.memref_squeeze %dma_start3A_793 : memref<1x8x32xf32, #tpu.memory_space<vmem>> -> memref<8x32xf32, #tpu.memory_space<vmem>>
      %dma_start3A_795 = arith.constant 0 : i32
      %dma_start3A_796 = tpu.memref_slice %arg3[%mul3A_783, %dma_start3A_795] : memref<1000000x32xf32, #tpu.memory_space<hbm>> -> memref<8x32xf32, #tpu.memory_space<hbm>>
      tpu.enqueue_dma source(%dma_start3A_796 : memref<8x32xf32, #tpu.memory_space<hbm>>) target(%dma_start3A_794 : memref<8x32xf32, #tpu.memory_space<vmem>>) target_semaphore(%arg10 : memref<!tpu.dma_semaphore, #tpu.memory_space<semaphore_mem>>)
      %slice3A_797 = vector.extract_strided_slice %get3A_744 {offsets = [3], sizes = [1], strides = [1]} : vector<16xi32> to vector<1xi32>
      %squeeze3A_798 = vector.extract %slice3A_797[0] : i32 from vector<1xi32>
      %mul3A_799 = arith.constant 8 : i32
      %mul3A_800 = arith.muli %squeeze3A_798, %mul3A_799 : i32
      %dma_start3A_801 = arith.constant 3 : i32
      %dma_start3A_802 = arith.constant 0 : i32
      %dma_start3A_803 = arith.constant 0 : i32
      %dma_start3A_804 = tpu.memref_slice %arg8[%dma_start3A_801, %dma_start3A_802, %dma_start3A_803] : memref<16x8x32xf32, #tpu.memory_space<vmem>> -> memref<1x8x32xf32, #tpu.memory_space<vmem>>
      %dma_start3A_805 = tpu.memref_squeeze %dma_start3A_804 : memref<1x8x32xf32, #tpu.memory_space<vmem>> -> memref<8x32xf32, #tpu.memory_space<vmem>>
      %dma_start3A_806 = arith.constant 0 : i32
      %dma_start3A_807 = tpu.memref_slice %arg3[%mul3A_800, %dma_start3A_806] : memref<1000000x32xf32, #tpu.memory_space<hbm>> -> memref<8x32xf32, #tpu.memory_space<hbm>>
      %dma_start3A_808 = arith.constant 0 : i32
      %dma_start3A_809 = arith.constant 0 : i32
      %dma_start3A_810 = tpu.memref_slice %arg8[%dma_start3A_801, %dma_start3A_808, %dma_start3A_809] : memref<16x8x32xf32, #tpu.memory_space<vmem>> -> memref<1x8x32xf32, #tpu.memory_space<vmem>>
      %dma_start3A_811 = tpu.memref_squeeze %dma_start3A_810 : memref<1x8x32xf32, #tpu.memory_space<vmem>> -> memref<8x32xf32, #tpu.memory_space<vmem>>
      %dma_start3A_812 = arith.constant 0 : i32
      %dma_start3A_813 = tpu.memref_slice %arg3[%mul3A_800, %dma_start3A_812] : memref<1000000x32xf32, #tpu.memory_space<hbm>> -> memref<8x32xf32, #tpu.memory_space<hbm>>
      tpu.enqueue_dma source(%dma_start3A_813 : memref<8x32xf32, #tpu.memory_space<hbm>>) target(%dma_start3A_811 : memref<8x32xf32, #tpu.memory_space<vmem>>) target_semaphore(%arg10 : memref<!tpu.dma_semaphore, #tpu.memory_space<semaphore_mem>>)
      %slice3A_814 = vector.extract_strided_slice %get3A_744 {offsets = [4], sizes = [1], strides = [1]} : vector<16xi32> to vector<1xi32>
      %squeeze3A_815 = vector.extract %slice3A_814[0] : i32 from vector<1xi32>
      %mul3A_816 = arith.constant 8 : i32
      %mul3A_817 = arith.muli %squeeze3A_815, %mul3A_816 : i32
      %dma_start3A_818 = arith.constant 4 : i32
      %dma_start3A_819 = arith.constant 0 : i32
      %dma_start3A_820 = arith.constant 0 : i32
      %dma_start3A_821 = tpu.memref_slice %arg8[%dma_start3A_818, %dma_start3A_819, %dma_start3A_820] : memref<16x8x32xf32, #tpu.memory_space<vmem>> -> memref<1x8x32xf32, #tpu.memory_space<vmem>>
      %dma_start3A_822 = tpu.memref_squeeze %dma_start3A_821 : memref<1x8x32xf32, #tpu.memory_space<vmem>> -> memref<8x32xf32, #tpu.memory_space<vmem>>
      %dma_start3A_823 = arith.constant 0 : i32
      %dma_start3A_824 = tpu.memref_slice %arg3[%mul3A_817, %dma_start3A_823] : memref<1000000x32xf32, #tpu.memory_space<hbm>> -> memref<8x32xf32, #tpu.memory_space<hbm>>
      %dma_start3A_825 = arith.constant 0 : i32
      %dma_start3A_826 = arith.constant 0 : i32
      %dma_start3A_827 = tpu.memref_slice %arg8[%dma_start3A_818, %dma_start3A_825, %dma_start3A_826] : memref<16x8x32xf32, #tpu.memory_space<vmem>> -> memref<1x8x32xf32, #tpu.memory_space<vmem>>
      %dma_start3A_828 = tpu.memref_squeeze %dma_start3A_827 : memref<1x8x32xf32, #tpu.memory_space<vmem>> -> memref<8x32xf32, #tpu.memory_space<vmem>>
      %dma_start3A_829 = arith.constant 0 : i32
      %dma_start3A_830 = tpu.memref_slice %arg3[%mul3A_817, %dma_start3A_829] : memref<1000000x32xf32, #tpu.memory_space<hbm>> -> memref<8x32xf32, #tpu.memory_space<hbm>>
      tpu.enqueue_dma source(%dma_start3A_830 : memref<8x32xf32, #tpu.memory_space<hbm>>) target(%dma_start3A_828 : memref<8x32xf32, #tpu.memory_space<vmem>>) target_semaphore(%arg10 : memref<!tpu.dma_semaphore, #tpu.memory_space<semaphore_mem>>)
      %slice3A_831 = vector.extract_strided_slice %get3A_744 {offsets = [5], sizes = [1], strides = [1]} : vector<16xi32> to vector<1xi32>
      %squeeze3A_832 = vector.extract %slice3A_831[0] : i32 from vector<1xi32>
      %mul3A_833 = arith.constant 8 : i32
      %mul3A_834 = arith.muli %squeeze3A_832, %mul3A_833 : i32
      %dma_start3A_835 = arith.constant 5 : i32
      %dma_start3A_836 = arith.constant 0 : i32
      %dma_start3A_837 = arith.constant 0 : i32
      %dma_start3A_838 = tpu.memref_slice %arg8[%dma_start3A_835, %dma_start3A_836, %dma_start3A_837] : memref<16x8x32xf32, #tpu.memory_space<vmem>> -> memref<1x8x32xf32, #tpu.memory_space<vmem>>
      %dma_start3A_839 = tpu.memref_squeeze %dma_start3A_838 : memref<1x8x32xf32, #tpu.memory_space<vmem>> -> memref<8x32xf32, #tpu.memory_space<vmem>>
      %dma_start3A_840 = arith.constant 0 : i32
      %dma_start3A_841 = tpu.memref_slice %arg3[%mul3A_834, %dma_start3A_840] : memref<1000000x32xf32, #tpu.memory_space<hbm>> -> memref<8x32xf32, #tpu.memory_space<hbm>>
      %dma_start3A_842 = arith.constant 0 : i32
      %dma_start3A_843 = arith.constant 0 : i32
      %dma_start3A_844 = tpu.memref_slice %arg8[%dma_start3A_835, %dma_start3A_842, %dma_start3A_843] : memref<16x8x32xf32, #tpu.memory_space<vmem>> -> memref<1x8x32xf32, #tpu.memory_space<vmem>>
      %dma_start3A_845 = tpu.memref_squeeze %dma_start3A_844 : memref<1x8x32xf32, #tpu.memory_space<vmem>> -> memref<8x32xf32, #tpu.memory_space<vmem>>
      %dma_start3A_846 = arith.constant 0 : i32
      %dma_start3A_847 = tpu.memref_slice %arg3[%mul3A_834, %dma_start3A_846] : memref<1000000x32xf32, #tpu.memory_space<hbm>> -> memref<8x32xf32, #tpu.memory_space<hbm>>
      tpu.enqueue_dma source(%dma_start3A_847 : memref<8x32xf32, #tpu.memory_space<hbm>>) target(%dma_start3A_845 : memref<8x32xf32, #tpu.memory_space<vmem>>) target_semaphore(%arg10 : memref<!tpu.dma_semaphore, #tpu.memory_space<semaphore_mem>>)
      %slice3A_848 = vector.extract_strided_slice %get3A_744 {offsets = [6], sizes = [1], strides = [1]} : vector<16xi32> to vector<1xi32>
      %squeeze3A_849 = vector.extract %slice3A_848[0] : i32 from vector<1xi32>
      %mul3A_850 = arith.constant 8 : i32
      %mul3A_851 = arith.muli %squeeze3A_849, %mul3A_850 : i32
      %dma_start3A_852 = arith.constant 6 : i32
      %dma_start3A_853 = arith.constant 0 : i32
      %dma_start3A_854 = arith.constant 0 : i32
      %dma_start3A_855 = tpu.memref_slice %arg8[%dma_start3A_852, %dma_start3A_853, %dma_start3A_854] : memref<16x8x32xf32, #tpu.memory_space<vmem>> -> memref<1x8x32xf32, #tpu.memory_space<vmem>>
      %dma_start3A_856 = tpu.memref_squeeze %dma_start3A_855 : memref<1x8x32xf32, #tpu.memory_space<vmem>> -> memref<8x32xf32, #tpu.memory_space<vmem>>
      %dma_start3A_857 = arith.constant 0 : i32
      %dma_start3A_858 = tpu.memref_slice %arg3[%mul3A_851, %dma_start3A_857] : memref<1000000x32xf32, #tpu.memory_space<hbm>> -> memref<8x32xf32, #tpu.memory_space<hbm>>
      %dma_start3A_859 = arith.constant 0 : i32
      %dma_start3A_860 = arith.constant 0 : i32
      %dma_start3A_861 = tpu.memref_slice %arg8[%dma_start3A_852, %dma_start3A_859, %dma_start3A_860] : memref<16x8x32xf32, #tpu.memory_space<vmem>> -> memref<1x8x32xf32, #tpu.memory_space<vmem>>
      %dma_start3A_862 = tpu.memref_squeeze %dma_start3A_861 : memref<1x8x32xf32, #tpu.memory_space<vmem>> -> memref<8x32xf32, #tpu.memory_space<vmem>>
      %dma_start3A_863 = arith.constant 0 : i32
      %dma_start3A_864 = tpu.memref_slice %arg3[%mul3A_851, %dma_start3A_863] : memref<1000000x32xf32, #tpu.memory_space<hbm>> -> memref<8x32xf32, #tpu.memory_space<hbm>>
      tpu.enqueue_dma source(%dma_start3A_864 : memref<8x32xf32, #tpu.memory_space<hbm>>) target(%dma_start3A_862 : memref<8x32xf32, #tpu.memory_space<vmem>>) target_semaphore(%arg10 : memref<!tpu.dma_semaphore, #tpu.memory_space<semaphore_mem>>)
      %slice3A_865 = vector.extract_strided_slice %get3A_744 {offsets = [7], sizes = [1], strides = [1]} : vector<16xi32> to vector<1xi32>
      %squeeze3A_866 = vector.extract %slice3A_865[0] : i32 from vector<1xi32>
      %mul3A_867 = arith.constant 8 : i32
      %mul3A_868 = arith.muli %squeeze3A_866, %mul3A_867 : i32
      %dma_start3A_869 = arith.constant 7 : i32
      %dma_start3A_870 = arith.constant 0 : i32
      %dma_start3A_871 = arith.constant 0 : i32
      %dma_start3A_872 = tpu.memref_slice %arg8[%dma_start3A_869, %dma_start3A_870, %dma_start3A_871] : memref<16x8x32xf32, #tpu.memory_space<vmem>> -> memref<1x8x32xf32, #tpu.memory_space<vmem>>
      %dma_start3A_873 = tpu.memref_squeeze %dma_start3A_872 : memref<1x8x32xf32, #tpu.memory_space<vmem>> -> memref<8x32xf32, #tpu.memory_space<vmem>>
      %dma_start3A_874 = arith.constant 0 : i32
      %dma_start3A_875 = tpu.memref_slice %arg3[%mul3A_868, %dma_start3A_874] : memref<1000000x32xf32, #tpu.memory_space<hbm>> -> memref<8x32xf32, #tpu.memory_space<hbm>>
      %dma_start3A_876 = arith.constant 0 : i32
      %dma_start3A_877 = arith.constant 0 : i32
      %dma_start3A_878 = tpu.memref_slice %arg8[%dma_start3A_869, %dma_start3A_876, %dma_start3A_877] : memref<16x8x32xf32, #tpu.memory_space<vmem>> -> memref<1x8x32xf32, #tpu.memory_space<vmem>>
      %dma_start3A_879 = tpu.memref_squeeze %dma_start3A_878 : memref<1x8x32xf32, #tpu.memory_space<vmem>> -> memref<8x32xf32, #tpu.memory_space<vmem>>
      %dma_start3A_880 = arith.constant 0 : i32
      %dma_start3A_881 = tpu.memref_slice %arg3[%mul3A_868, %dma_start3A_880] : memref<1000000x32xf32, #tpu.memory_space<hbm>> -> memref<8x32xf32, #tpu.memory_space<hbm>>
      tpu.enqueue_dma source(%dma_start3A_881 : memref<8x32xf32, #tpu.memory_space<hbm>>) target(%dma_start3A_879 : memref<8x32xf32, #tpu.memory_space<vmem>>) target_semaphore(%arg10 : memref<!tpu.dma_semaphore, #tpu.memory_space<semaphore_mem>>)
      %slice3A_882 = vector.extract_strided_slice %get3A_744 {offsets = [8], sizes = [1], strides = [1]} : vector<16xi32> to vector<1xi32>
      %squeeze3A_883 = vector.extract %slice3A_882[0] : i32 from vector<1xi32>
      %mul3A_884 = arith.constant 8 : i32
      %mul3A_885 = arith.muli %squeeze3A_883, %mul3A_884 : i32
      %dma_start3A_886 = arith.constant 8 : i32
      %dma_start3A_887 = arith.constant 0 : i32
      %dma_start3A_888 = arith.constant 0 : i32
      %dma_start3A_889 = tpu.memref_slice %arg8[%dma_start3A_886, %dma_start3A_887, %dma_start3A_888] : memref<16x8x32xf32, #tpu.memory_space<vmem>> -> memref<1x8x32xf32, #tpu.memory_space<vmem>>
      %dma_start3A_890 = tpu.memref_squeeze %dma_start3A_889 : memref<1x8x32xf32, #tpu.memory_space<vmem>> -> memref<8x32xf32, #tpu.memory_space<vmem>>
      %dma_start3A_891 = arith.constant 0 : i32
      %dma_start3A_892 = tpu.memref_slice %arg3[%mul3A_885, %dma_start3A_891] : memref<1000000x32xf32, #tpu.memory_space<hbm>> -> memref<8x32xf32, #tpu.memory_space<hbm>>
      %dma_start3A_893 = arith.constant 0 : i32
      %dma_start3A_894 = arith.constant 0 : i32
      %dma_start3A_895 = tpu.memref_slice %arg8[%dma_start3A_886, %dma_start3A_893, %dma_start3A_894] : memref<16x8x32xf32, #tpu.memory_space<vmem>> -> memref<1x8x32xf32, #tpu.memory_space<vmem>>
      %dma_start3A_896 = tpu.memref_squeeze %dma_start3A_895 : memref<1x8x32xf32, #tpu.memory_space<vmem>> -> memref<8x32xf32, #tpu.memory_space<vmem>>
      %dma_start3A_897 = arith.constant 0 : i32
      %dma_start3A_898 = tpu.memref_slice %arg3[%mul3A_885, %dma_start3A_897] : memref<1000000x32xf32, #tpu.memory_space<hbm>> -> memref<8x32xf32, #tpu.memory_space<hbm>>
      tpu.enqueue_dma source(%dma_start3A_898 : memref<8x32xf32, #tpu.memory_space<hbm>>) target(%dma_start3A_896 : memref<8x32xf32, #tpu.memory_space<vmem>>) target_semaphore(%arg10 : memref<!tpu.dma_semaphore, #tpu.memory_space<semaphore_mem>>)
      %slice3A_899 = vector.extract_strided_slice %get3A_744 {offsets = [9], sizes = [1], strides = [1]} : vector<16xi32> to vector<1xi32>
      %squeeze3A_900 = vector.extract %slice3A_899[0] : i32 from vector<1xi32>
      %mul3A_901 = arith.constant 8 : i32
      %mul3A_902 = arith.muli %squeeze3A_900, %mul3A_901 : i32
      %dma_start3A_903 = arith.constant 9 : i32
      %dma_start3A_904 = arith.constant 0 : i32
      %dma_start3A_905 = arith.constant 0 : i32
      %dma_start3A_906 = tpu.memref_slice %arg8[%dma_start3A_903, %dma_start3A_904, %dma_start3A_905] : memref<16x8x32xf32, #tpu.memory_space<vmem>> -> memref<1x8x32xf32, #tpu.memory_space<vmem>>
      %dma_start3A_907 = tpu.memref_squeeze %dma_start3A_906 : memref<1x8x32xf32, #tpu.memory_space<vmem>> -> memref<8x32xf32, #tpu.memory_space<vmem>>
      %dma_start3A_908 = arith.constant 0 : i32
      %dma_start3A_909 = tpu.memref_slice %arg3[%mul3A_902, %dma_start3A_908] : memref<1000000x32xf32, #tpu.memory_space<hbm>> -> memref<8x32xf32, #tpu.memory_space<hbm>>
      %dma_start3A_910 = arith.constant 0 : i32
      %dma_start3A_911 = arith.constant 0 : i32
      %dma_start3A_912 = tpu.memref_slice %arg8[%dma_start3A_903, %dma_start3A_910, %dma_start3A_911] : memref<16x8x32xf32, #tpu.memory_space<vmem>> -> memref<1x8x32xf32, #tpu.memory_space<vmem>>
      %dma_start3A_913 = tpu.memref_squeeze %dma_start3A_912 : memref<1x8x32xf32, #tpu.memory_space<vmem>> -> memref<8x32xf32, #tpu.memory_space<vmem>>
      %dma_start3A_914 = arith.constant 0 : i32
      %dma_start3A_915 = tpu.memref_slice %arg3[%mul3A_902, %dma_start3A_914] : memref<1000000x32xf32, #tpu.memory_space<hbm>> -> memref<8x32xf32, #tpu.memory_space<hbm>>
      tpu.enqueue_dma source(%dma_start3A_915 : memref<8x32xf32, #tpu.memory_space<hbm>>) target(%dma_start3A_913 : memref<8x32xf32, #tpu.memory_space<vmem>>) target_semaphore(%arg10 : memref<!tpu.dma_semaphore, #tpu.memory_space<semaphore_mem>>)
      %slice3A_916 = vector.extract_strided_slice %get3A_744 {offsets = [10], sizes = [1], strides = [1]} : vector<16xi32> to vector<1xi32>
      %squeeze3A_917 = vector.extract %slice3A_916[0] : i32 from vector<1xi32>
      %mul3A_918 = arith.constant 8 : i32
      %mul3A_919 = arith.muli %squeeze3A_917, %mul3A_918 : i32
      %dma_start3A_920 = arith.constant 10 : i32
      %dma_start3A_921 = arith.constant 0 : i32
      %dma_start3A_922 = arith.constant 0 : i32
      %dma_start3A_923 = tpu.memref_slice %arg8[%dma_start3A_920, %dma_start3A_921, %dma_start3A_922] : memref<16x8x32xf32, #tpu.memory_space<vmem>> -> memref<1x8x32xf32, #tpu.memory_space<vmem>>
      %dma_start3A_924 = tpu.memref_squeeze %dma_start3A_923 : memref<1x8x32xf32, #tpu.memory_space<vmem>> -> memref<8x32xf32, #tpu.memory_space<vmem>>
      %dma_start3A_925 = arith.constant 0 : i32
      %dma_start3A_926 = tpu.memref_slice %arg3[%mul3A_919, %dma_start3A_925] : memref<1000000x32xf32, #tpu.memory_space<hbm>> -> memref<8x32xf32, #tpu.memory_space<hbm>>
      %dma_start3A_927 = arith.constant 0 : i32
      %dma_start3A_928 = arith.constant 0 : i32
      %dma_start3A_929 = tpu.memref_slice %arg8[%dma_start3A_920, %dma_start3A_927, %dma_start3A_928] : memref<16x8x32xf32, #tpu.memory_space<vmem>> -> memref<1x8x32xf32, #tpu.memory_space<vmem>>
      %dma_start3A_930 = tpu.memref_squeeze %dma_start3A_929 : memref<1x8x32xf32, #tpu.memory_space<vmem>> -> memref<8x32xf32, #tpu.memory_space<vmem>>
      %dma_start3A_931 = arith.constant 0 : i32
      %dma_start3A_932 = tpu.memref_slice %arg3[%mul3A_919, %dma_start3A_931] : memref<1000000x32xf32, #tpu.memory_space<hbm>> -> memref<8x32xf32, #tpu.memory_space<hbm>>
      tpu.enqueue_dma source(%dma_start3A_932 : memref<8x32xf32, #tpu.memory_space<hbm>>) target(%dma_start3A_930 : memref<8x32xf32, #tpu.memory_space<vmem>>) target_semaphore(%arg10 : memref<!tpu.dma_semaphore, #tpu.memory_space<semaphore_mem>>)
      %slice3A_933 = vector.extract_strided_slice %get3A_744 {offsets = [11], sizes = [1], strides = [1]} : vector<16xi32> to vector<1xi32>
      %squeeze3A_934 = vector.extract %slice3A_933[0] : i32 from vector<1xi32>
      %mul3A_935 = arith.constant 8 : i32
      %mul3A_936 = arith.muli %squeeze3A_934, %mul3A_935 : i32
      %dma_start3A_937 = arith.constant 11 : i32
      %dma_start3A_938 = arith.constant 0 : i32
      %dma_start3A_939 = arith.constant 0 : i32
      %dma_start3A_940 = tpu.memref_slice %arg8[%dma_start3A_937, %dma_start3A_938, %dma_start3A_939] : memref<16x8x32xf32, #tpu.memory_space<vmem>> -> memref<1x8x32xf32, #tpu.memory_space<vmem>>
      %dma_start3A_941 = tpu.memref_squeeze %dma_start3A_940 : memref<1x8x32xf32, #tpu.memory_space<vmem>> -> memref<8x32xf32, #tpu.memory_space<vmem>>
      %dma_start3A_942 = arith.constant 0 : i32
      %dma_start3A_943 = tpu.memref_slice %arg3[%mul3A_936, %dma_start3A_942] : memref<1000000x32xf32, #tpu.memory_space<hbm>> -> memref<8x32xf32, #tpu.memory_space<hbm>>
      %dma_start3A_944 = arith.constant 0 : i32
      %dma_start3A_945 = arith.constant 0 : i32
      %dma_start3A_946 = tpu.memref_slice %arg8[%dma_start3A_937, %dma_start3A_944, %dma_start3A_945] : memref<16x8x32xf32, #tpu.memory_space<vmem>> -> memref<1x8x32xf32, #tpu.memory_space<vmem>>
      %dma_start3A_947 = tpu.memref_squeeze %dma_start3A_946 : memref<1x8x32xf32, #tpu.memory_space<vmem>> -> memref<8x32xf32, #tpu.memory_space<vmem>>
      %dma_start3A_948 = arith.constant 0 : i32
      %dma_start3A_949 = tpu.memref_slice %arg3[%mul3A_936, %dma_start3A_948] : memref<1000000x32xf32, #tpu.memory_space<hbm>> -> memref<8x32xf32, #tpu.memory_space<hbm>>
      tpu.enqueue_dma source(%dma_start3A_949 : memref<8x32xf32, #tpu.memory_space<hbm>>) target(%dma_start3A_947 : memref<8x32xf32, #tpu.memory_space<vmem>>) target_semaphore(%arg10 : memref<!tpu.dma_semaphore, #tpu.memory_space<semaphore_mem>>)
      %slice3A_950 = vector.extract_strided_slice %get3A_744 {offsets = [12], sizes = [1], strides = [1]} : vector<16xi32> to vector<1xi32>
      %squeeze3A_951 = vector.extract %slice3A_950[0] : i32 from vector<1xi32>
      %mul3A_952 = arith.constant 8 : i32
      %mul3A_953 = arith.muli %squeeze3A_951, %mul3A_952 : i32
      %dma_start3A_954 = arith.constant 12 : i32
      %dma_start3A_955 = arith.constant 0 : i32
      %dma_start3A_956 = arith.constant 0 : i32
      %dma_start3A_957 = tpu.memref_slice %arg8[%dma_start3A_954, %dma_start3A_955, %dma_start3A_956] : memref<16x8x32xf32, #tpu.memory_space<vmem>> -> memref<1x8x32xf32, #tpu.memory_space<vmem>>
      %dma_start3A_958 = tpu.memref_squeeze %dma_start3A_957 : memref<1x8x32xf32, #tpu.memory_space<vmem>> -> memref<8x32xf32, #tpu.memory_space<vmem>>
      %dma_start3A_959 = arith.constant 0 : i32
      %dma_start3A_960 = tpu.memref_slice %arg3[%mul3A_953, %dma_start3A_959] : memref<1000000x32xf32, #tpu.memory_space<hbm>> -> memref<8x32xf32, #tpu.memory_space<hbm>>
      %dma_start3A_961 = arith.constant 0 : i32
      %dma_start3A_962 = arith.constant 0 : i32
      %dma_start3A_963 = tpu.memref_slice %arg8[%dma_start3A_954, %dma_start3A_961, %dma_start3A_962] : memref<16x8x32xf32, #tpu.memory_space<vmem>> -> memref<1x8x32xf32, #tpu.memory_space<vmem>>
      %dma_start3A_964 = tpu.memref_squeeze %dma_start3A_963 : memref<1x8x32xf32, #tpu.memory_space<vmem>> -> memref<8x32xf32, #tpu.memory_space<vmem>>
      %dma_start3A_965 = arith.constant 0 : i32
      %dma_start3A_966 = tpu.memref_slice %arg3[%mul3A_953, %dma_start3A_965] : memref<1000000x32xf32, #tpu.memory_space<hbm>> -> memref<8x32xf32, #tpu.memory_space<hbm>>
      tpu.enqueue_dma source(%dma_start3A_966 : memref<8x32xf32, #tpu.memory_space<hbm>>) target(%dma_start3A_964 : memref<8x32xf32, #tpu.memory_space<vmem>>) target_semaphore(%arg10 : memref<!tpu.dma_semaphore, #tpu.memory_space<semaphore_mem>>)
      %slice3A_967 = vector.extract_strided_slice %get3A_744 {offsets = [13], sizes = [1], strides = [1]} : vector<16xi32> to vector<1xi32>
      %squeeze3A_968 = vector.extract %slice3A_967[0] : i32 from vector<1xi32>
      %mul3A_969 = arith.constant 8 : i32
      %mul3A_970 = arith.muli %squeeze3A_968, %mul3A_969 : i32
      %dma_start3A_971 = arith.constant 13 : i32
      %dma_start3A_972 = arith.constant 0 : i32
      %dma_start3A_973 = arith.constant 0 : i32
      %dma_start3A_974 = tpu.memref_slice %arg8[%dma_start3A_971, %dma_start3A_972, %dma_start3A_973] : memref<16x8x32xf32, #tpu.memory_space<vmem>> -> memref<1x8x32xf32, #tpu.memory_space<vmem>>
      %dma_start3A_975 = tpu.memref_squeeze %dma_start3A_974 : memref<1x8x32xf32, #tpu.memory_space<vmem>> -> memref<8x32xf32, #tpu.memory_space<vmem>>
      %dma_start3A_976 = arith.constant 0 : i32
      %dma_start3A_977 = tpu.memref_slice %arg3[%mul3A_970, %dma_start3A_976] : memref<1000000x32xf32, #tpu.memory_space<hbm>> -> memref<8x32xf32, #tpu.memory_space<hbm>>
      %dma_start3A_978 = arith.constant 0 : i32
      %dma_start3A_979 = arith.constant 0 : i32
      %dma_start3A_980 = tpu.memref_slice %arg8[%dma_start3A_971, %dma_start3A_978, %dma_start3A_979] : memref<16x8x32xf32, #tpu.memory_space<vmem>> -> memref<1x8x32xf32, #tpu.memory_space<vmem>>
      %dma_start3A_981 = tpu.memref_squeeze %dma_start3A_980 : memref<1x8x32xf32, #tpu.memory_space<vmem>> -> memref<8x32xf32, #tpu.memory_space<vmem>>
      %dma_start3A_982 = arith.constant 0 : i32
      %dma_start3A_983 = tpu.memref_slice %arg3[%mul3A_970, %dma_start3A_982] : memref<1000000x32xf32, #tpu.memory_space<hbm>> -> memref<8x32xf32, #tpu.memory_space<hbm>>
      tpu.enqueue_dma source(%dma_start3A_983 : memref<8x32xf32, #tpu.memory_space<hbm>>) target(%dma_start3A_981 : memref<8x32xf32, #tpu.memory_space<vmem>>) target_semaphore(%arg10 : memref<!tpu.dma_semaphore, #tpu.memory_space<semaphore_mem>>)
      %slice3A_984 = vector.extract_strided_slice %get3A_744 {offsets = [14], sizes = [1], strides = [1]} : vector<16xi32> to vector<1xi32>
      %squeeze3A_985 = vector.extract %slice3A_984[0] : i32 from vector<1xi32>
      %mul3A_986 = arith.constant 8 : i32
      %mul3A_987 = arith.muli %squeeze3A_985, %mul3A_986 : i32
      %dma_start3A_988 = arith.constant 14 : i32
      %dma_start3A_989 = arith.constant 0 : i32
      %dma_start3A_990 = arith.constant 0 : i32
      %dma_start3A_991 = tpu.memref_slice %arg8[%dma_start3A_988, %dma_start3A_989, %dma_start3A_990] : memref<16x8x32xf32, #tpu.memory_space<vmem>> -> memref<1x8x32xf32, #tpu.memory_space<vmem>>
      %dma_start3A_992 = tpu.memref_squeeze %dma_start3A_991 : memref<1x8x32xf32, #tpu.memory_space<vmem>> -> memref<8x32xf32, #tpu.memory_space<vmem>>
      %dma_start3A_993 = arith.constant 0 : i32
      %dma_start3A_994 = tpu.memref_slice %arg3[%mul3A_987, %dma_start3A_993] : memref<1000000x32xf32, #tpu.memory_space<hbm>> -> memref<8x32xf32, #tpu.memory_space<hbm>>
      %dma_start3A_995 = arith.constant 0 : i32
      %dma_start3A_996 = arith.constant 0 : i32
      %dma_start3A_997 = tpu.memref_slice %arg8[%dma_start3A_988, %dma_start3A_995, %dma_start3A_996] : memref<16x8x32xf32, #tpu.memory_space<vmem>> -> memref<1x8x32xf32, #tpu.memory_space<vmem>>
      %dma_start3A_998 = tpu.memref_squeeze %dma_start3A_997 : memref<1x8x32xf32, #tpu.memory_space<vmem>> -> memref<8x32xf32, #tpu.memory_space<vmem>>
      %dma_start3A_999 = arith.constant 0 : i32
      %dma_start3A_1000 = tpu.memref_slice %arg3[%mul3A_987, %dma_start3A_999] : memref<1000000x32xf32, #tpu.memory_space<hbm>> -> memref<8x32xf32, #tpu.memory_space<hbm>>
      tpu.enqueue_dma source(%dma_start3A_1000 : memref<8x32xf32, #tpu.memory_space<hbm>>) target(%dma_start3A_998 : memref<8x32xf32, #tpu.memory_space<vmem>>) target_semaphore(%arg10 : memref<!tpu.dma_semaphore, #tpu.memory_space<semaphore_mem>>)
      %slice3A_1001 = vector.extract_strided_slice %get3A_744 {offsets = [15], sizes = [1], strides = [1]} : vector<16xi32> to vector<1xi32>
      %squeeze3A_1002 = vector.extract %slice3A_1001[0] : i32 from vector<1xi32>
      %mul3A_1003 = arith.constant 8 : i32
      %mul3A_1004 = arith.muli %squeeze3A_1002, %mul3A_1003 : i32
      %dma_start3A_1005 = arith.constant 15 : i32
      %dma_start3A_1006 = arith.constant 0 : i32
      %dma_start3A_1007 = arith.constant 0 : i32
      %dma_start3A_1008 = tpu.memref_slice %arg8[%dma_start3A_1005, %dma_start3A_1006, %dma_start3A_1007] : memref<16x8x32xf32, #tpu.memory_space<vmem>> -> memref<1x8x32xf32, #tpu.memory_space<vmem>>
      %dma_start3A_1009 = tpu.memref_squeeze %dma_start3A_1008 : memref<1x8x32xf32, #tpu.memory_space<vmem>> -> memref<8x32xf32, #tpu.memory_space<vmem>>
      %dma_start3A_1010 = arith.constant 0 : i32
      %dma_start3A_1011 = tpu.memref_slice %arg3[%mul3A_1004, %dma_start3A_1010] : memref<1000000x32xf32, #tpu.memory_space<hbm>> -> memref<8x32xf32, #tpu.memory_space<hbm>>
      %dma_start3A_1012 = arith.constant 0 : i32
      %dma_start3A_1013 = arith.constant 0 : i32
      %dma_start3A_1014 = tpu.memref_slice %arg8[%dma_start3A_1005, %dma_start3A_1012, %dma_start3A_1013] : memref<16x8x32xf32, #tpu.memory_space<vmem>> -> memref<1x8x32xf32, #tpu.memory_space<vmem>>
      %dma_start3A_1015 = tpu.memref_squeeze %dma_start3A_1014 : memref<1x8x32xf32, #tpu.memory_space<vmem>> -> memref<8x32xf32, #tpu.memory_space<vmem>>
      %dma_start3A_1016 = arith.constant 0 : i32
      %dma_start3A_1017 = tpu.memref_slice %arg3[%mul3A_1004, %dma_start3A_1016] : memref<1000000x32xf32, #tpu.memory_space<hbm>> -> memref<8x32xf32, #tpu.memory_space<hbm>>
      tpu.enqueue_dma source(%dma_start3A_1017 : memref<8x32xf32, #tpu.memory_space<hbm>>) target(%dma_start3A_1015 : memref<8x32xf32, #tpu.memory_space<vmem>>) target_semaphore(%arg10 : memref<!tpu.dma_semaphore, #tpu.memory_space<semaphore_mem>>)
      %dma_wait3A = arith.constant 0 : i32
      %dma_wait3A_1018 = arith.constant 0 : i32
      %dma_wait3A_1019 = arith.constant 0 : i32
      %dma_wait3A_1020 = tpu.memref_slice %arg8[%dma_wait3A, %dma_wait3A_1018, %dma_wait3A_1019] : memref<16x8x32xf32, #tpu.memory_space<vmem>> -> memref<1x8x32xf32, #tpu.memory_space<vmem>>
      %dma_wait3A_1021 = tpu.memref_squeeze %dma_wait3A_1020 : memref<1x8x32xf32, #tpu.memory_space<vmem>> -> memref<8x32xf32, #tpu.memory_space<vmem>>
      %dma_wait3A_1022 = arith.constant 0 : i32
      %dma_wait3A_1023 = tpu.memref_slice %arg3[%mul3A_750, %dma_wait3A_1022] : memref<1000000x32xf32, #tpu.memory_space<hbm>> -> memref<8x32xf32, #tpu.memory_space<hbm>>
      %dma_wait3A_1024 = arith.constant 0 : i32
      %dma_wait3A_1025 = arith.constant 0 : i32
      %dma_wait3A_1026 = tpu.memref_slice %arg8[%dma_wait3A, %dma_wait3A_1024, %dma_wait3A_1025] : memref<16x8x32xf32, #tpu.memory_space<vmem>> -> memref<1x8x32xf32, #tpu.memory_space<vmem>>
      %dma_wait3A_1027 = tpu.memref_squeeze %dma_wait3A_1026 : memref<1x8x32xf32, #tpu.memory_space<vmem>> -> memref<8x32xf32, #tpu.memory_space<vmem>>
      %dma_wait3A_1028 = arith.constant 0 : i32
      %dma_wait3A_1029 = tpu.memref_slice %arg3[%mul3A_750, %dma_wait3A_1028] : memref<1000000x32xf32, #tpu.memory_space<hbm>> -> memref<8x32xf32, #tpu.memory_space<hbm>>
      tpu.wait_dma2 semaphore(%arg10 : memref<!tpu.dma_semaphore, #tpu.memory_space<semaphore_mem>>) src(%dma_wait3A_1029 : memref<8x32xf32, #tpu.memory_space<hbm>>) dst(%dma_wait3A_1027 : memref<8x32xf32, #tpu.memory_space<vmem>>)
      %dma_wait3A_1030 = arith.constant 1 : i32
      %dma_wait3A_1031 = arith.constant 0 : i32
      %dma_wait3A_1032 = arith.constant 0 : i32
      %dma_wait3A_1033 = tpu.memref_slice %arg8[%dma_wait3A_1030, %dma_wait3A_1031, %dma_wait3A_1032] : memref<16x8x32xf32, #tpu.memory_space<vmem>> -> memref<1x8x32xf32, #tpu.memory_space<vmem>>
      %dma_wait3A_1034 = tpu.memref_squeeze %dma_wait3A_1033 : memref<1x8x32xf32, #tpu.memory_space<vmem>> -> memref<8x32xf32, #tpu.memory_space<vmem>>
      %dma_wait3A_1035 = arith.constant 0 : i32
      %dma_wait3A_1036 = tpu.memref_slice %arg3[%mul3A_766, %dma_wait3A_1035] : memref<1000000x32xf32, #tpu.memory_space<hbm>> -> memref<8x32xf32, #tpu.memory_space<hbm>>
      %dma_wait3A_1037 = arith.constant 0 : i32
      %dma_wait3A_1038 = arith.constant 0 : i32
      %dma_wait3A_1039 = tpu.memref_slice %arg8[%dma_wait3A_1030, %dma_wait3A_1037, %dma_wait3A_1038] : memref<16x8x32xf32, #tpu.memory_space<vmem>> -> memref<1x8x32xf32, #tpu.memory_space<vmem>>
      %dma_wait3A_1040 = tpu.memref_squeeze %dma_wait3A_1039 : memref<1x8x32xf32, #tpu.memory_space<vmem>> -> memref<8x32xf32, #tpu.memory_space<vmem>>
      %dma_wait3A_1041 = arith.constant 0 : i32
      %dma_wait3A_1042 = tpu.memref_slice %arg3[%mul3A_766, %dma_wait3A_1041] : memref<1000000x32xf32, #tpu.memory_space<hbm>> -> memref<8x32xf32, #tpu.memory_space<hbm>>
      tpu.wait_dma2 semaphore(%arg10 : memref<!tpu.dma_semaphore, #tpu.memory_space<semaphore_mem>>) src(%dma_wait3A_1042 : memref<8x32xf32, #tpu.memory_space<hbm>>) dst(%dma_wait3A_1040 : memref<8x32xf32, #tpu.memory_space<vmem>>)
      %dma_wait3A_1043 = arith.constant 2 : i32
      %dma_wait3A_1044 = arith.constant 0 : i32
      %dma_wait3A_1045 = arith.constant 0 : i32
      %dma_wait3A_1046 = tpu.memref_slice %arg8[%dma_wait3A_1043, %dma_wait3A_1044, %dma_wait3A_1045] : memref<16x8x32xf32, #tpu.memory_space<vmem>> -> memref<1x8x32xf32, #tpu.memory_space<vmem>>
      %dma_wait3A_1047 = tpu.memref_squeeze %dma_wait3A_1046 : memref<1x8x32xf32, #tpu.memory_space<vmem>> -> memref<8x32xf32, #tpu.memory_space<vmem>>
      %dma_wait3A_1048 = arith.constant 0 : i32
      %dma_wait3A_1049 = tpu.memref_slice %arg3[%mul3A_783, %dma_wait3A_1048] : memref<1000000x32xf32, #tpu.memory_space<hbm>> -> memref<8x32xf32, #tpu.memory_space<hbm>>
      %dma_wait3A_1050 = arith.constant 0 : i32
      %dma_wait3A_1051 = arith.constant 0 : i32
      %dma_wait3A_1052 = tpu.memref_slice %arg8[%dma_wait3A_1043, %dma_wait3A_1050, %dma_wait3A_1051] : memref<16x8x32xf32, #tpu.memory_space<vmem>> -> memref<1x8x32xf32, #tpu.memory_space<vmem>>
      %dma_wait3A_1053 = tpu.memref_squeeze %dma_wait3A_1052 : memref<1x8x32xf32, #tpu.memory_space<vmem>> -> memref<8x32xf32, #tpu.memory_space<vmem>>
      %dma_wait3A_1054 = arith.constant 0 : i32
      %dma_wait3A_1055 = tpu.memref_slice %arg3[%mul3A_783, %dma_wait3A_1054] : memref<1000000x32xf32, #tpu.memory_space<hbm>> -> memref<8x32xf32, #tpu.memory_space<hbm>>
      tpu.wait_dma2 semaphore(%arg10 : memref<!tpu.dma_semaphore, #tpu.memory_space<semaphore_mem>>) src(%dma_wait3A_1055 : memref<8x32xf32, #tpu.memory_space<hbm>>) dst(%dma_wait3A_1053 : memref<8x32xf32, #tpu.memory_space<vmem>>)
      %dma_wait3A_1056 = arith.constant 3 : i32
      %dma_wait3A_1057 = arith.constant 0 : i32
      %dma_wait3A_1058 = arith.constant 0 : i32
      %dma_wait3A_1059 = tpu.memref_slice %arg8[%dma_wait3A_1056, %dma_wait3A_1057, %dma_wait3A_1058] : memref<16x8x32xf32, #tpu.memory_space<vmem>> -> memref<1x8x32xf32, #tpu.memory_space<vmem>>
      %dma_wait3A_1060 = tpu.memref_squeeze %dma_wait3A_1059 : memref<1x8x32xf32, #tpu.memory_space<vmem>> -> memref<8x32xf32, #tpu.memory_space<vmem>>
      %dma_wait3A_1061 = arith.constant 0 : i32
      %dma_wait3A_1062 = tpu.memref_slice %arg3[%mul3A_800, %dma_wait3A_1061] : memref<1000000x32xf32, #tpu.memory_space<hbm>> -> memref<8x32xf32, #tpu.memory_space<hbm>>
      %dma_wait3A_1063 = arith.constant 0 : i32
      %dma_wait3A_1064 = arith.constant 0 : i32
      %dma_wait3A_1065 = tpu.memref_slice %arg8[%dma_wait3A_1056, %dma_wait3A_1063, %dma_wait3A_1064] : memref<16x8x32xf32, #tpu.memory_space<vmem>> -> memref<1x8x32xf32, #tpu.memory_space<vmem>>
      %dma_wait3A_1066 = tpu.memref_squeeze %dma_wait3A_1065 : memref<1x8x32xf32, #tpu.memory_space<vmem>> -> memref<8x32xf32, #tpu.memory_space<vmem>>
      %dma_wait3A_1067 = arith.constant 0 : i32
      %dma_wait3A_1068 = tpu.memref_slice %arg3[%mul3A_800, %dma_wait3A_1067] : memref<1000000x32xf32, #tpu.memory_space<hbm>> -> memref<8x32xf32, #tpu.memory_space<hbm>>
      tpu.wait_dma2 semaphore(%arg10 : memref<!tpu.dma_semaphore, #tpu.memory_space<semaphore_mem>>) src(%dma_wait3A_1068 : memref<8x32xf32, #tpu.memory_space<hbm>>) dst(%dma_wait3A_1066 : memref<8x32xf32, #tpu.memory_space<vmem>>)
      %dma_wait3A_1069 = arith.constant 4 : i32
      %dma_wait3A_1070 = arith.constant 0 : i32
      %dma_wait3A_1071 = arith.constant 0 : i32
      %dma_wait3A_1072 = tpu.memref_slice %arg8[%dma_wait3A_1069, %dma_wait3A_1070, %dma_wait3A_1071] : memref<16x8x32xf32, #tpu.memory_space<vmem>> -> memref<1x8x32xf32, #tpu.memory_space<vmem>>
      %dma_wait3A_1073 = tpu.memref_squeeze %dma_wait3A_1072 : memref<1x8x32xf32, #tpu.memory_space<vmem>> -> memref<8x32xf32, #tpu.memory_space<vmem>>
      %dma_wait3A_1074 = arith.constant 0 : i32
      %dma_wait3A_1075 = tpu.memref_slice %arg3[%mul3A_817, %dma_wait3A_1074] : memref<1000000x32xf32, #tpu.memory_space<hbm>> -> memref<8x32xf32, #tpu.memory_space<hbm>>
      %dma_wait3A_1076 = arith.constant 0 : i32
      %dma_wait3A_1077 = arith.constant 0 : i32
      %dma_wait3A_1078 = tpu.memref_slice %arg8[%dma_wait3A_1069, %dma_wait3A_1076, %dma_wait3A_1077] : memref<16x8x32xf32, #tpu.memory_space<vmem>> -> memref<1x8x32xf32, #tpu.memory_space<vmem>>
      %dma_wait3A_1079 = tpu.memref_squeeze %dma_wait3A_1078 : memref<1x8x32xf32, #tpu.memory_space<vmem>> -> memref<8x32xf32, #tpu.memory_space<vmem>>
      %dma_wait3A_1080 = arith.constant 0 : i32
      %dma_wait3A_1081 = tpu.memref_slice %arg3[%mul3A_817, %dma_wait3A_1080] : memref<1000000x32xf32, #tpu.memory_space<hbm>> -> memref<8x32xf32, #tpu.memory_space<hbm>>
      tpu.wait_dma2 semaphore(%arg10 : memref<!tpu.dma_semaphore, #tpu.memory_space<semaphore_mem>>) src(%dma_wait3A_1081 : memref<8x32xf32, #tpu.memory_space<hbm>>) dst(%dma_wait3A_1079 : memref<8x32xf32, #tpu.memory_space<vmem>>)
      %dma_wait3A_1082 = arith.constant 5 : i32
      %dma_wait3A_1083 = arith.constant 0 : i32
      %dma_wait3A_1084 = arith.constant 0 : i32
      %dma_wait3A_1085 = tpu.memref_slice %arg8[%dma_wait3A_1082, %dma_wait3A_1083, %dma_wait3A_1084] : memref<16x8x32xf32, #tpu.memory_space<vmem>> -> memref<1x8x32xf32, #tpu.memory_space<vmem>>
      %dma_wait3A_1086 = tpu.memref_squeeze %dma_wait3A_1085 : memref<1x8x32xf32, #tpu.memory_space<vmem>> -> memref<8x32xf32, #tpu.memory_space<vmem>>
      %dma_wait3A_1087 = arith.constant 0 : i32
      %dma_wait3A_1088 = tpu.memref_slice %arg3[%mul3A_834, %dma_wait3A_1087] : memref<1000000x32xf32, #tpu.memory_space<hbm>> -> memref<8x32xf32, #tpu.memory_space<hbm>>
      %dma_wait3A_1089 = arith.constant 0 : i32
      %dma_wait3A_1090 = arith.constant 0 : i32
      %dma_wait3A_1091 = tpu.memref_slice %arg8[%dma_wait3A_1082, %dma_wait3A_1089, %dma_wait3A_1090] : memref<16x8x32xf32, #tpu.memory_space<vmem>> -> memref<1x8x32xf32, #tpu.memory_space<vmem>>
      %dma_wait3A_1092 = tpu.memref_squeeze %dma_wait3A_1091 : memref<1x8x32xf32, #tpu.memory_space<vmem>> -> memref<8x32xf32, #tpu.memory_space<vmem>>
      %dma_wait3A_1093 = arith.constant 0 : i32
      %dma_wait3A_1094 = tpu.memref_slice %arg3[%mul3A_834, %dma_wait3A_1093] : memref<1000000x32xf32, #tpu.memory_space<hbm>> -> memref<8x32xf32, #tpu.memory_space<hbm>>
      tpu.wait_dma2 semaphore(%arg10 : memref<!tpu.dma_semaphore, #tpu.memory_space<semaphore_mem>>) src(%dma_wait3A_1094 : memref<8x32xf32, #tpu.memory_space<hbm>>) dst(%dma_wait3A_1092 : memref<8x32xf32, #tpu.memory_space<vmem>>)
      %dma_wait3A_1095 = arith.constant 6 : i32
      %dma_wait3A_1096 = arith.constant 0 : i32
      %dma_wait3A_1097 = arith.constant 0 : i32
      %dma_wait3A_1098 = tpu.memref_slice %arg8[%dma_wait3A_1095, %dma_wait3A_1096, %dma_wait3A_1097] : memref<16x8x32xf32, #tpu.memory_space<vmem>> -> memref<1x8x32xf32, #tpu.memory_space<vmem>>
      %dma_wait3A_1099 = tpu.memref_squeeze %dma_wait3A_1098 : memref<1x8x32xf32, #tpu.memory_space<vmem>> -> memref<8x32xf32, #tpu.memory_space<vmem>>
      %dma_wait3A_1100 = arith.constant 0 : i32
      %dma_wait3A_1101 = tpu.memref_slice %arg3[%mul3A_851, %dma_wait3A_1100] : memref<1000000x32xf32, #tpu.memory_space<hbm>> -> memref<8x32xf32, #tpu.memory_space<hbm>>
      %dma_wait3A_1102 = arith.constant 0 : i32
      %dma_wait3A_1103 = arith.constant 0 : i32
      %dma_wait3A_1104 = tpu.memref_slice %arg8[%dma_wait3A_1095, %dma_wait3A_1102, %dma_wait3A_1103] : memref<16x8x32xf32, #tpu.memory_space<vmem>> -> memref<1x8x32xf32, #tpu.memory_space<vmem>>
      %dma_wait3A_1105 = tpu.memref_squeeze %dma_wait3A_1104 : memref<1x8x32xf32, #tpu.memory_space<vmem>> -> memref<8x32xf32, #tpu.memory_space<vmem>>
      %dma_wait3A_1106 = arith.constant 0 : i32
      %dma_wait3A_1107 = tpu.memref_slice %arg3[%mul3A_851, %dma_wait3A_1106] : memref<1000000x32xf32, #tpu.memory_space<hbm>> -> memref<8x32xf32, #tpu.memory_space<hbm>>
      tpu.wait_dma2 semaphore(%arg10 : memref<!tpu.dma_semaphore, #tpu.memory_space<semaphore_mem>>) src(%dma_wait3A_1107 : memref<8x32xf32, #tpu.memory_space<hbm>>) dst(%dma_wait3A_1105 : memref<8x32xf32, #tpu.memory_space<vmem>>)
      %dma_wait3A_1108 = arith.constant 7 : i32
      %dma_wait3A_1109 = arith.constant 0 : i32
      %dma_wait3A_1110 = arith.constant 0 : i32
      %dma_wait3A_1111 = tpu.memref_slice %arg8[%dma_wait3A_1108, %dma_wait3A_1109, %dma_wait3A_1110] : memref<16x8x32xf32, #tpu.memory_space<vmem>> -> memref<1x8x32xf32, #tpu.memory_space<vmem>>
      %dma_wait3A_1112 = tpu.memref_squeeze %dma_wait3A_1111 : memref<1x8x32xf32, #tpu.memory_space<vmem>> -> memref<8x32xf32, #tpu.memory_space<vmem>>
      %dma_wait3A_1113 = arith.constant 0 : i32
      %dma_wait3A_1114 = tpu.memref_slice %arg3[%mul3A_868, %dma_wait3A_1113] : memref<1000000x32xf32, #tpu.memory_space<hbm>> -> memref<8x32xf32, #tpu.memory_space<hbm>>
      %dma_wait3A_1115 = arith.constant 0 : i32
      %dma_wait3A_1116 = arith.constant 0 : i32
      %dma_wait3A_1117 = tpu.memref_slice %arg8[%dma_wait3A_1108, %dma_wait3A_1115, %dma_wait3A_1116] : memref<16x8x32xf32, #tpu.memory_space<vmem>> -> memref<1x8x32xf32, #tpu.memory_space<vmem>>
      %dma_wait3A_1118 = tpu.memref_squeeze %dma_wait3A_1117 : memref<1x8x32xf32, #tpu.memory_space<vmem>> -> memref<8x32xf32, #tpu.memory_space<vmem>>
      %dma_wait3A_1119 = arith.constant 0 : i32
      %dma_wait3A_1120 = tpu.memref_slice %arg3[%mul3A_868, %dma_wait3A_1119] : memref<1000000x32xf32, #tpu.memory_space<hbm>> -> memref<8x32xf32, #tpu.memory_space<hbm>>
      tpu.wait_dma2 semaphore(%arg10 : memref<!tpu.dma_semaphore, #tpu.memory_space<semaphore_mem>>) src(%dma_wait3A_1120 : memref<8x32xf32, #tpu.memory_space<hbm>>) dst(%dma_wait3A_1118 : memref<8x32xf32, #tpu.memory_space<vmem>>)
      %dma_wait3A_1121 = arith.constant 8 : i32
      %dma_wait3A_1122 = arith.constant 0 : i32
      %dma_wait3A_1123 = arith.constant 0 : i32
      %dma_wait3A_1124 = tpu.memref_slice %arg8[%dma_wait3A_1121, %dma_wait3A_1122, %dma_wait3A_1123] : memref<16x8x32xf32, #tpu.memory_space<vmem>> -> memref<1x8x32xf32, #tpu.memory_space<vmem>>
      %dma_wait3A_1125 = tpu.memref_squeeze %dma_wait3A_1124 : memref<1x8x32xf32, #tpu.memory_space<vmem>> -> memref<8x32xf32, #tpu.memory_space<vmem>>
      %dma_wait3A_1126 = arith.constant 0 : i32
      %dma_wait3A_1127 = tpu.memref_slice %arg3[%mul3A_885, %dma_wait3A_1126] : memref<1000000x32xf32, #tpu.memory_space<hbm>> -> memref<8x32xf32, #tpu.memory_space<hbm>>
      %dma_wait3A_1128 = arith.constant 0 : i32
      %dma_wait3A_1129 = arith.constant 0 : i32
      %dma_wait3A_1130 = tpu.memref_slice %arg8[%dma_wait3A_1121, %dma_wait3A_1128, %dma_wait3A_1129] : memref<16x8x32xf32, #tpu.memory_space<vmem>> -> memref<1x8x32xf32, #tpu.memory_space<vmem>>
      %dma_wait3A_1131 = tpu.memref_squeeze %dma_wait3A_1130 : memref<1x8x32xf32, #tpu.memory_space<vmem>> -> memref<8x32xf32, #tpu.memory_space<vmem>>
      %dma_wait3A_1132 = arith.constant 0 : i32
      %dma_wait3A_1133 = tpu.memref_slice %arg3[%mul3A_885, %dma_wait3A_1132] : memref<1000000x32xf32, #tpu.memory_space<hbm>> -> memref<8x32xf32, #tpu.memory_space<hbm>>
      tpu.wait_dma2 semaphore(%arg10 : memref<!tpu.dma_semaphore, #tpu.memory_space<semaphore_mem>>) src(%dma_wait3A_1133 : memref<8x32xf32, #tpu.memory_space<hbm>>) dst(%dma_wait3A_1131 : memref<8x32xf32, #tpu.memory_space<vmem>>)
      %dma_wait3A_1134 = arith.constant 9 : i32
      %dma_wait3A_1135 = arith.constant 0 : i32
      %dma_wait3A_1136 = arith.constant 0 : i32
      %dma_wait3A_1137 = tpu.memref_slice %arg8[%dma_wait3A_1134, %dma_wait3A_1135, %dma_wait3A_1136] : memref<16x8x32xf32, #tpu.memory_space<vmem>> -> memref<1x8x32xf32, #tpu.memory_space<vmem>>
      %dma_wait3A_1138 = tpu.memref_squeeze %dma_wait3A_1137 : memref<1x8x32xf32, #tpu.memory_space<vmem>> -> memref<8x32xf32, #tpu.memory_space<vmem>>
      %dma_wait3A_1139 = arith.constant 0 : i32
      %dma_wait3A_1140 = tpu.memref_slice %arg3[%mul3A_902, %dma_wait3A_1139] : memref<1000000x32xf32, #tpu.memory_space<hbm>> -> memref<8x32xf32, #tpu.memory_space<hbm>>
      %dma_wait3A_1141 = arith.constant 0 : i32
      %dma_wait3A_1142 = arith.constant 0 : i32
      %dma_wait3A_1143 = tpu.memref_slice %arg8[%dma_wait3A_1134, %dma_wait3A_1141, %dma_wait3A_1142] : memref<16x8x32xf32, #tpu.memory_space<vmem>> -> memref<1x8x32xf32, #tpu.memory_space<vmem>>
      %dma_wait3A_1144 = tpu.memref_squeeze %dma_wait3A_1143 : memref<1x8x32xf32, #tpu.memory_space<vmem>> -> memref<8x32xf32, #tpu.memory_space<vmem>>
      %dma_wait3A_1145 = arith.constant 0 : i32
      %dma_wait3A_1146 = tpu.memref_slice %arg3[%mul3A_902, %dma_wait3A_1145] : memref<1000000x32xf32, #tpu.memory_space<hbm>> -> memref<8x32xf32, #tpu.memory_space<hbm>>
      tpu.wait_dma2 semaphore(%arg10 : memref<!tpu.dma_semaphore, #tpu.memory_space<semaphore_mem>>) src(%dma_wait3A_1146 : memref<8x32xf32, #tpu.memory_space<hbm>>) dst(%dma_wait3A_1144 : memref<8x32xf32, #tpu.memory_space<vmem>>)
      %dma_wait3A_1147 = arith.constant 10 : i32
      %dma_wait3A_1148 = arith.constant 0 : i32
      %dma_wait3A_1149 = arith.constant 0 : i32
      %dma_wait3A_1150 = tpu.memref_slice %arg8[%dma_wait3A_1147, %dma_wait3A_1148, %dma_wait3A_1149] : memref<16x8x32xf32, #tpu.memory_space<vmem>> -> memref<1x8x32xf32, #tpu.memory_space<vmem>>
      %dma_wait3A_1151 = tpu.memref_squeeze %dma_wait3A_1150 : memref<1x8x32xf32, #tpu.memory_space<vmem>> -> memref<8x32xf32, #tpu.memory_space<vmem>>
      %dma_wait3A_1152 = arith.constant 0 : i32
      %dma_wait3A_1153 = tpu.memref_slice %arg3[%mul3A_919, %dma_wait3A_1152] : memref<1000000x32xf32, #tpu.memory_space<hbm>> -> memref<8x32xf32, #tpu.memory_space<hbm>>
      %dma_wait3A_1154 = arith.constant 0 : i32
      %dma_wait3A_1155 = arith.constant 0 : i32
      %dma_wait3A_1156 = tpu.memref_slice %arg8[%dma_wait3A_1147, %dma_wait3A_1154, %dma_wait3A_1155] : memref<16x8x32xf32, #tpu.memory_space<vmem>> -> memref<1x8x32xf32, #tpu.memory_space<vmem>>
      %dma_wait3A_1157 = tpu.memref_squeeze %dma_wait3A_1156 : memref<1x8x32xf32, #tpu.memory_space<vmem>> -> memref<8x32xf32, #tpu.memory_space<vmem>>
      %dma_wait3A_1158 = arith.constant 0 : i32
      %dma_wait3A_1159 = tpu.memref_slice %arg3[%mul3A_919, %dma_wait3A_1158] : memref<1000000x32xf32, #tpu.memory_space<hbm>> -> memref<8x32xf32, #tpu.memory_space<hbm>>
      tpu.wait_dma2 semaphore(%arg10 : memref<!tpu.dma_semaphore, #tpu.memory_space<semaphore_mem>>) src(%dma_wait3A_1159 : memref<8x32xf32, #tpu.memory_space<hbm>>) dst(%dma_wait3A_1157 : memref<8x32xf32, #tpu.memory_space<vmem>>)
      %dma_wait3A_1160 = arith.constant 11 : i32
      %dma_wait3A_1161 = arith.constant 0 : i32
      %dma_wait3A_1162 = arith.constant 0 : i32
      %dma_wait3A_1163 = tpu.memref_slice %arg8[%dma_wait3A_1160, %dma_wait3A_1161, %dma_wait3A_1162] : memref<16x8x32xf32, #tpu.memory_space<vmem>> -> memref<1x8x32xf32, #tpu.memory_space<vmem>>
      %dma_wait3A_1164 = tpu.memref_squeeze %dma_wait3A_1163 : memref<1x8x32xf32, #tpu.memory_space<vmem>> -> memref<8x32xf32, #tpu.memory_space<vmem>>
      %dma_wait3A_1165 = arith.constant 0 : i32
      %dma_wait3A_1166 = tpu.memref_slice %arg3[%mul3A_936, %dma_wait3A_1165] : memref<1000000x32xf32, #tpu.memory_space<hbm>> -> memref<8x32xf32, #tpu.memory_space<hbm>>
      %dma_wait3A_1167 = arith.constant 0 : i32
      %dma_wait3A_1168 = arith.constant 0 : i32
      %dma_wait3A_1169 = tpu.memref_slice %arg8[%dma_wait3A_1160, %dma_wait3A_1167, %dma_wait3A_1168] : memref<16x8x32xf32, #tpu.memory_space<vmem>> -> memref<1x8x32xf32, #tpu.memory_space<vmem>>
      %dma_wait3A_1170 = tpu.memref_squeeze %dma_wait3A_1169 : memref<1x8x32xf32, #tpu.memory_space<vmem>> -> memref<8x32xf32, #tpu.memory_space<vmem>>
      %dma_wait3A_1171 = arith.constant 0 : i32
      %dma_wait3A_1172 = tpu.memref_slice %arg3[%mul3A_936, %dma_wait3A_1171] : memref<1000000x32xf32, #tpu.memory_space<hbm>> -> memref<8x32xf32, #tpu.memory_space<hbm>>
      tpu.wait_dma2 semaphore(%arg10 : memref<!tpu.dma_semaphore, #tpu.memory_space<semaphore_mem>>) src(%dma_wait3A_1172 : memref<8x32xf32, #tpu.memory_space<hbm>>) dst(%dma_wait3A_1170 : memref<8x32xf32, #tpu.memory_space<vmem>>)
      %dma_wait3A_1173 = arith.constant 12 : i32
      %dma_wait3A_1174 = arith.constant 0 : i32
      %dma_wait3A_1175 = arith.constant 0 : i32
      %dma_wait3A_1176 = tpu.memref_slice %arg8[%dma_wait3A_1173, %dma_wait3A_1174, %dma_wait3A_1175] : memref<16x8x32xf32, #tpu.memory_space<vmem>> -> memref<1x8x32xf32, #tpu.memory_space<vmem>>
      %dma_wait3A_1177 = tpu.memref_squeeze %dma_wait3A_1176 : memref<1x8x32xf32, #tpu.memory_space<vmem>> -> memref<8x32xf32, #tpu.memory_space<vmem>>
      %dma_wait3A_1178 = arith.constant 0 : i32
      %dma_wait3A_1179 = tpu.memref_slice %arg3[%mul3A_953, %dma_wait3A_1178] : memref<1000000x32xf32, #tpu.memory_space<hbm>> -> memref<8x32xf32, #tpu.memory_space<hbm>>
      %dma_wait3A_1180 = arith.constant 0 : i32
      %dma_wait3A_1181 = arith.constant 0 : i32
      %dma_wait3A_1182 = tpu.memref_slice %arg8[%dma_wait3A_1173, %dma_wait3A_1180, %dma_wait3A_1181] : memref<16x8x32xf32, #tpu.memory_space<vmem>> -> memref<1x8x32xf32, #tpu.memory_space<vmem>>
      %dma_wait3A_1183 = tpu.memref_squeeze %dma_wait3A_1182 : memref<1x8x32xf32, #tpu.memory_space<vmem>> -> memref<8x32xf32, #tpu.memory_space<vmem>>
      %dma_wait3A_1184 = arith.constant 0 : i32
      %dma_wait3A_1185 = tpu.memref_slice %arg3[%mul3A_953, %dma_wait3A_1184] : memref<1000000x32xf32, #tpu.memory_space<hbm>> -> memref<8x32xf32, #tpu.memory_space<hbm>>
      tpu.wait_dma2 semaphore(%arg10 : memref<!tpu.dma_semaphore, #tpu.memory_space<semaphore_mem>>) src(%dma_wait3A_1185 : memref<8x32xf32, #tpu.memory_space<hbm>>) dst(%dma_wait3A_1183 : memref<8x32xf32, #tpu.memory_space<vmem>>)
      %dma_wait3A_1186 = arith.constant 13 : i32
      %dma_wait3A_1187 = arith.constant 0 : i32
      %dma_wait3A_1188 = arith.constant 0 : i32
      %dma_wait3A_1189 = tpu.memref_slice %arg8[%dma_wait3A_1186, %dma_wait3A_1187, %dma_wait3A_1188] : memref<16x8x32xf32, #tpu.memory_space<vmem>> -> memref<1x8x32xf32, #tpu.memory_space<vmem>>
      %dma_wait3A_1190 = tpu.memref_squeeze %dma_wait3A_1189 : memref<1x8x32xf32, #tpu.memory_space<vmem>> -> memref<8x32xf32, #tpu.memory_space<vmem>>
      %dma_wait3A_1191 = arith.constant 0 : i32
      %dma_wait3A_1192 = tpu.memref_slice %arg3[%mul3A_970, %dma_wait3A_1191] : memref<1000000x32xf32, #tpu.memory_space<hbm>> -> memref<8x32xf32, #tpu.memory_space<hbm>>
      %dma_wait3A_1193 = arith.constant 0 : i32
      %dma_wait3A_1194 = arith.constant 0 : i32
      %dma_wait3A_1195 = tpu.memref_slice %arg8[%dma_wait3A_1186, %dma_wait3A_1193, %dma_wait3A_1194] : memref<16x8x32xf32, #tpu.memory_space<vmem>> -> memref<1x8x32xf32, #tpu.memory_space<vmem>>
      %dma_wait3A_1196 = tpu.memref_squeeze %dma_wait3A_1195 : memref<1x8x32xf32, #tpu.memory_space<vmem>> -> memref<8x32xf32, #tpu.memory_space<vmem>>
      %dma_wait3A_1197 = arith.constant 0 : i32
      %dma_wait3A_1198 = tpu.memref_slice %arg3[%mul3A_970, %dma_wait3A_1197] : memref<1000000x32xf32, #tpu.memory_space<hbm>> -> memref<8x32xf32, #tpu.memory_space<hbm>>
      tpu.wait_dma2 semaphore(%arg10 : memref<!tpu.dma_semaphore, #tpu.memory_space<semaphore_mem>>) src(%dma_wait3A_1198 : memref<8x32xf32, #tpu.memory_space<hbm>>) dst(%dma_wait3A_1196 : memref<8x32xf32, #tpu.memory_space<vmem>>)
      %dma_wait3A_1199 = arith.constant 14 : i32
      %dma_wait3A_1200 = arith.constant 0 : i32
      %dma_wait3A_1201 = arith.constant 0 : i32
      %dma_wait3A_1202 = tpu.memref_slice %arg8[%dma_wait3A_1199, %dma_wait3A_1200, %dma_wait3A_1201] : memref<16x8x32xf32, #tpu.memory_space<vmem>> -> memref<1x8x32xf32, #tpu.memory_space<vmem>>
      %dma_wait3A_1203 = tpu.memref_squeeze %dma_wait3A_1202 : memref<1x8x32xf32, #tpu.memory_space<vmem>> -> memref<8x32xf32, #tpu.memory_space<vmem>>
      %dma_wait3A_1204 = arith.constant 0 : i32
      %dma_wait3A_1205 = tpu.memref_slice %arg3[%mul3A_987, %dma_wait3A_1204] : memref<1000000x32xf32, #tpu.memory_space<hbm>> -> memref<8x32xf32, #tpu.memory_space<hbm>>
      %dma_wait3A_1206 = arith.constant 0 : i32
      %dma_wait3A_1207 = arith.constant 0 : i32
      %dma_wait3A_1208 = tpu.memref_slice %arg8[%dma_wait3A_1199, %dma_wait3A_1206, %dma_wait3A_1207] : memref<16x8x32xf32, #tpu.memory_space<vmem>> -> memref<1x8x32xf32, #tpu.memory_space<vmem>>
      %dma_wait3A_1209 = tpu.memref_squeeze %dma_wait3A_1208 : memref<1x8x32xf32, #tpu.memory_space<vmem>> -> memref<8x32xf32, #tpu.memory_space<vmem>>
      %dma_wait3A_1210 = arith.constant 0 : i32
      %dma_wait3A_1211 = tpu.memref_slice %arg3[%mul3A_987, %dma_wait3A_1210] : memref<1000000x32xf32, #tpu.memory_space<hbm>> -> memref<8x32xf32, #tpu.memory_space<hbm>>
      tpu.wait_dma2 semaphore(%arg10 : memref<!tpu.dma_semaphore, #tpu.memory_space<semaphore_mem>>) src(%dma_wait3A_1211 : memref<8x32xf32, #tpu.memory_space<hbm>>) dst(%dma_wait3A_1209 : memref<8x32xf32, #tpu.memory_space<vmem>>)
      %dma_wait3A_1212 = arith.constant 15 : i32
      %dma_wait3A_1213 = arith.constant 0 : i32
      %dma_wait3A_1214 = arith.constant 0 : i32
      %dma_wait3A_1215 = tpu.memref_slice %arg8[%dma_wait3A_1212, %dma_wait3A_1213, %dma_wait3A_1214] : memref<16x8x32xf32, #tpu.memory_space<vmem>> -> memref<1x8x32xf32, #tpu.memory_space<vmem>>
      %dma_wait3A_1216 = tpu.memref_squeeze %dma_wait3A_1215 : memref<1x8x32xf32, #tpu.memory_space<vmem>> -> memref<8x32xf32, #tpu.memory_space<vmem>>
      %dma_wait3A_1217 = arith.constant 0 : i32
      %dma_wait3A_1218 = tpu.memref_slice %arg3[%mul3A_1004, %dma_wait3A_1217] : memref<1000000x32xf32, #tpu.memory_space<hbm>> -> memref<8x32xf32, #tpu.memory_space<hbm>>
      %dma_wait3A_1219 = arith.constant 0 : i32
      %dma_wait3A_1220 = arith.constant 0 : i32
      %dma_wait3A_1221 = tpu.memref_slice %arg8[%dma_wait3A_1212, %dma_wait3A_1219, %dma_wait3A_1220] : memref<16x8x32xf32, #tpu.memory_space<vmem>> -> memref<1x8x32xf32, #tpu.memory_space<vmem>>
      %dma_wait3A_1222 = tpu.memref_squeeze %dma_wait3A_1221 : memref<1x8x32xf32, #tpu.memory_space<vmem>> -> memref<8x32xf32, #tpu.memory_space<vmem>>
      %dma_wait3A_1223 = arith.constant 0 : i32
      %dma_wait3A_1224 = tpu.memref_slice %arg3[%mul3A_1004, %dma_wait3A_1223] : memref<1000000x32xf32, #tpu.memory_space<hbm>> -> memref<8x32xf32, #tpu.memory_space<hbm>>
      tpu.wait_dma2 semaphore(%arg10 : memref<!tpu.dma_semaphore, #tpu.memory_space<semaphore_mem>>) src(%dma_wait3A_1224 : memref<8x32xf32, #tpu.memory_space<hbm>>) dst(%dma_wait3A_1222 : memref<8x32xf32, #tpu.memory_space<vmem>>)
      %slice3A_1225 = vector.extract_strided_slice %get3A_748 {offsets = [0], sizes = [1], strides = [1]} : vector<16xi32> to vector<1xi32>
      %squeeze3A_1226 = vector.extract %slice3A_1225[0] : i32 from vector<1xi32>
      %get3A_1227 = arith.constant 0 : i32
      %get3A_1228 = arith.index_cast %get3A_1227 : i32 to index
      %get3A_1229 = arith.index_cast %squeeze3A_1226 : i32 to index
      %get3A_1230 = arith.constant 0 : index
      %get3A_1231 = tpu.vector_load %arg8[%get3A_1228, %get3A_1229, %get3A_1230] {strides = array<i32>} : memref<16x8x32xf32, #tpu.memory_space<vmem>>, vector<1x1x16xf32>,
      %get3A_1232 = vector.shape_cast %get3A_1231 : vector<1x1x16xf32> to vector<16xf32>
      %slice3A_1233 = vector.extract_strided_slice %get3A_748 {offsets = [0], sizes = [1], strides = [1]} : vector<16xi32> to vector<1xi32>
      %squeeze3A_1234 = vector.extract %slice3A_1233[0] : i32 from vector<1xi32>
      %get3A_1235 = arith.constant 0 : i32
      %get3A_1236 = arith.index_cast %get3A_1235 : i32 to index
      %get3A_1237 = arith.index_cast %squeeze3A_1234 : i32 to index
      %get3A_1238 = arith.constant 16 : index
      %get3A_1239 = tpu.vector_load %arg8[%get3A_1236, %get3A_1237, %get3A_1238] {strides = array<i32>} : memref<16x8x32xf32, #tpu.memory_space<vmem>>, vector<1x1x16xf32>,
      %get3A_1240 = vector.shape_cast %get3A_1239 : vector<1x1x16xf32> to vector<16xf32>
      %slice3A_1241 = vector.extract_strided_slice %get3A_748 {offsets = [1], sizes = [1], strides = [1]} : vector<16xi32> to vector<1xi32>
      %squeeze3A_1242 = vector.extract %slice3A_1241[0] : i32 from vector<1xi32>
      %get3A_1243 = arith.constant 1 : i32
      %get3A_1244 = arith.index_cast %get3A_1243 : i32 to index
      %get3A_1245 = arith.index_cast %squeeze3A_1242 : i32 to index
      %get3A_1246 = arith.constant 0 : index
      %get3A_1247 = tpu.vector_load %arg8[%get3A_1244, %get3A_1245, %get3A_1246] {strides = array<i32>} : memref<16x8x32xf32, #tpu.memory_space<vmem>>, vector<1x1x16xf32>,
      %get3A_1248 = vector.shape_cast %get3A_1247 : vector<1x1x16xf32> to vector<16xf32>
      %max3A = arith.maximumf %get3A_1232, %get3A_1248 : vector<16xf32>
      %get3A_1249 = arith.constant 1 : i32
      %get3A_1250 = arith.index_cast %get3A_1249 : i32 to index
      %get3A_1251 = arith.index_cast %squeeze3A_1242 : i32 to index
      %get3A_1252 = arith.constant 16 : index
      %get3A_1253 = tpu.vector_load %arg8[%get3A_1250, %get3A_1251, %get3A_1252] {strides = array<i32>} : memref<16x8x32xf32, #tpu.memory_space<vmem>>, vector<1x1x16xf32>,
      %get3A_1254 = vector.shape_cast %get3A_1253 : vector<1x1x16xf32> to vector<16xf32>
      %max3A_1255 = arith.maximumf %get3A_1240, %get3A_1254 : vector<16xf32>
      %slice3A_1256 = vector.extract_strided_slice %get3A_748 {offsets = [2], sizes = [1], strides = [1]} : vector<16xi32> to vector<1xi32>
      %squeeze3A_1257 = vector.extract %slice3A_1256[0] : i32 from vector<1xi32>
      %get3A_1258 = arith.constant 2 : i32
      %get3A_1259 = arith.index_cast %get3A_1258 : i32 to index
      %get3A_1260 = arith.index_cast %squeeze3A_1257 : i32 to index
      %get3A_1261 = arith.constant 0 : index
      %get3A_1262 = tpu.vector_load %arg8[%get3A_1259, %get3A_1260, %get3A_1261] {strides = array<i32>} : memref<16x8x32xf32, #tpu.memory_space<vmem>>, vector<1x1x16xf32>,
      %get3A_1263 = vector.shape_cast %get3A_1262 : vector<1x1x16xf32> to vector<16xf32>
      %max3A_1264 = arith.maximumf %max3A, %get3A_1263 : vector<16xf32>
      %get3A_1265 = arith.constant 2 : i32
      %get3A_1266 = arith.index_cast %get3A_1265 : i32 to index
      %get3A_1267 = arith.index_cast %squeeze3A_1257 : i32 to index
      %get3A_1268 = arith.constant 16 : index
      %get3A_1269 = tpu.vector_load %arg8[%get3A_1266, %get3A_1267, %get3A_1268] {strides = array<i32>} : memref<16x8x32xf32, #tpu.memory_space<vmem>>, vector<1x1x16xf32>,
      %get3A_1270 = vector.shape_cast %get3A_1269 : vector<1x1x16xf32> to vector<16xf32>
      %max3A_1271 = arith.maximumf %max3A_1255, %get3A_1270 : vector<16xf32>
      %slice3A_1272 = vector.extract_strided_slice %get3A_748 {offsets = [3], sizes = [1], strides = [1]} : vector<16xi32> to vector<1xi32>
      %squeeze3A_1273 = vector.extract %slice3A_1272[0] : i32 from vector<1xi32>
      %get3A_1274 = arith.constant 3 : i32
      %get3A_1275 = arith.index_cast %get3A_1274 : i32 to index
      %get3A_1276 = arith.index_cast %squeeze3A_1273 : i32 to index
      %get3A_1277 = arith.constant 0 : index
      %get3A_1278 = tpu.vector_load %arg8[%get3A_1275, %get3A_1276, %get3A_1277] {strides = array<i32>} : memref<16x8x32xf32, #tpu.memory_space<vmem>>, vector<1x1x16xf32>,
      %get3A_1279 = vector.shape_cast %get3A_1278 : vector<1x1x16xf32> to vector<16xf32>
      %max3A_1280 = arith.maximumf %max3A_1264, %get3A_1279 : vector<16xf32>
      %get3A_1281 = arith.constant 3 : i32
      %get3A_1282 = arith.index_cast %get3A_1281 : i32 to index
      %get3A_1283 = arith.index_cast %squeeze3A_1273 : i32 to index
      %get3A_1284 = arith.constant 16 : index
      %get3A_1285 = tpu.vector_load %arg8[%get3A_1282, %get3A_1283, %get3A_1284] {strides = array<i32>} : memref<16x8x32xf32, #tpu.memory_space<vmem>>, vector<1x1x16xf32>,
      %get3A_1286 = vector.shape_cast %get3A_1285 : vector<1x1x16xf32> to vector<16xf32>
      %max3A_1287 = arith.maximumf %max3A_1271, %get3A_1286 : vector<16xf32>
      %slice3A_1288 = vector.extract_strided_slice %get3A_748 {offsets = [4], sizes = [1], strides = [1]} : vector<16xi32> to vector<1xi32>
      %squeeze3A_1289 = vector.extract %slice3A_1288[0] : i32 from vector<1xi32>
      %get3A_1290 = arith.constant 4 : i32
      %get3A_1291 = arith.index_cast %get3A_1290 : i32 to index
      %get3A_1292 = arith.index_cast %squeeze3A_1289 : i32 to index
      %get3A_1293 = arith.constant 0 : index
      %get3A_1294 = tpu.vector_load %arg8[%get3A_1291, %get3A_1292, %get3A_1293] {strides = array<i32>} : memref<16x8x32xf32, #tpu.memory_space<vmem>>, vector<1x1x16xf32>,
      %get3A_1295 = vector.shape_cast %get3A_1294 : vector<1x1x16xf32> to vector<16xf32>
      %max3A_1296 = arith.maximumf %max3A_1280, %get3A_1295 : vector<16xf32>
      %get3A_1297 = arith.constant 4 : i32
      %get3A_1298 = arith.index_cast %get3A_1297 : i32 to index
      %get3A_1299 = arith.index_cast %squeeze3A_1289 : i32 to index
      %get3A_1300 = arith.constant 16 : index
      %get3A_1301 = tpu.vector_load %arg8[%get3A_1298, %get3A_1299, %get3A_1300] {strides = array<i32>} : memref<16x8x32xf32, #tpu.memory_space<vmem>>, vector<1x1x16xf32>,
      %get3A_1302 = vector.shape_cast %get3A_1301 : vector<1x1x16xf32> to vector<16xf32>
      %max3A_1303 = arith.maximumf %max3A_1287, %get3A_1302 : vector<16xf32>
      %slice3A_1304 = vector.extract_strided_slice %get3A_748 {offsets = [5], sizes = [1], strides = [1]} : vector<16xi32> to vector<1xi32>
      %squeeze3A_1305 = vector.extract %slice3A_1304[0] : i32 from vector<1xi32>
      %get3A_1306 = arith.constant 5 : i32
      %get3A_1307 = arith.index_cast %get3A_1306 : i32 to index
      %get3A_1308 = arith.index_cast %squeeze3A_1305 : i32 to index
      %get3A_1309 = arith.constant 0 : index
      %get3A_1310 = tpu.vector_load %arg8[%get3A_1307, %get3A_1308, %get3A_1309] {strides = array<i32>} : memref<16x8x32xf32, #tpu.memory_space<vmem>>, vector<1x1x16xf32>,
      %get3A_1311 = vector.shape_cast %get3A_1310 : vector<1x1x16xf32> to vector<16xf32>
      %max3A_1312 = arith.maximumf %max3A_1296, %get3A_1311 : vector<16xf32>
      %get3A_1313 = arith.constant 5 : i32
      %get3A_1314 = arith.index_cast %get3A_1313 : i32 to index
      %get3A_1315 = arith.index_cast %squeeze3A_1305 : i32 to index
      %get3A_1316 = arith.constant 16 : index
      %get3A_1317 = tpu.vector_load %arg8[%get3A_1314, %get3A_1315, %get3A_1316] {strides = array<i32>} : memref<16x8x32xf32, #tpu.memory_space<vmem>>, vector<1x1x16xf32>,
      %get3A_1318 = vector.shape_cast %get3A_1317 : vector<1x1x16xf32> to vector<16xf32>
      %max3A_1319 = arith.maximumf %max3A_1303, %get3A_1318 : vector<16xf32>
      %slice3A_1320 = vector.extract_strided_slice %get3A_748 {offsets = [6], sizes = [1], strides = [1]} : vector<16xi32> to vector<1xi32>
      %squeeze3A_1321 = vector.extract %slice3A_1320[0] : i32 from vector<1xi32>
      %get3A_1322 = arith.constant 6 : i32
      %get3A_1323 = arith.index_cast %get3A_1322 : i32 to index
      %get3A_1324 = arith.index_cast %squeeze3A_1321 : i32 to index
      %get3A_1325 = arith.constant 0 : index
      %get3A_1326 = tpu.vector_load %arg8[%get3A_1323, %get3A_1324, %get3A_1325] {strides = array<i32>} : memref<16x8x32xf32, #tpu.memory_space<vmem>>, vector<1x1x16xf32>,
      %get3A_1327 = vector.shape_cast %get3A_1326 : vector<1x1x16xf32> to vector<16xf32>
      %max3A_1328 = arith.maximumf %max3A_1312, %get3A_1327 : vector<16xf32>
      %get3A_1329 = arith.constant 6 : i32
      %get3A_1330 = arith.index_cast %get3A_1329 : i32 to index
      %get3A_1331 = arith.index_cast %squeeze3A_1321 : i32 to index
      %get3A_1332 = arith.constant 16 : index
      %get3A_1333 = tpu.vector_load %arg8[%get3A_1330, %get3A_1331, %get3A_1332] {strides = array<i32>} : memref<16x8x32xf32, #tpu.memory_space<vmem>>, vector<1x1x16xf32>,
      %get3A_1334 = vector.shape_cast %get3A_1333 : vector<1x1x16xf32> to vector<16xf32>
      %max3A_1335 = arith.maximumf %max3A_1319, %get3A_1334 : vector<16xf32>
      %slice3A_1336 = vector.extract_strided_slice %get3A_748 {offsets = [7], sizes = [1], strides = [1]} : vector<16xi32> to vector<1xi32>
      %squeeze3A_1337 = vector.extract %slice3A_1336[0] : i32 from vector<1xi32>
      %get3A_1338 = arith.constant 7 : i32
      %get3A_1339 = arith.index_cast %get3A_1338 : i32 to index
      %get3A_1340 = arith.index_cast %squeeze3A_1337 : i32 to index
      %get3A_1341 = arith.constant 0 : index
      %get3A_1342 = tpu.vector_load %arg8[%get3A_1339, %get3A_1340, %get3A_1341] {strides = array<i32>} : memref<16x8x32xf32, #tpu.memory_space<vmem>>, vector<1x1x16xf32>,
      %get3A_1343 = vector.shape_cast %get3A_1342 : vector<1x1x16xf32> to vector<16xf32>
      %max3A_1344 = arith.maximumf %max3A_1328, %get3A_1343 : vector<16xf32>
      %get3A_1345 = arith.constant 7 : i32
      %get3A_1346 = arith.index_cast %get3A_1345 : i32 to index
      %get3A_1347 = arith.index_cast %squeeze3A_1337 : i32 to index
      %get3A_1348 = arith.constant 16 : index
      %get3A_1349 = tpu.vector_load %arg8[%get3A_1346, %get3A_1347, %get3A_1348] {strides = array<i32>} : memref<16x8x32xf32, #tpu.memory_space<vmem>>, vector<1x1x16xf32>,
      %get3A_1350 = vector.shape_cast %get3A_1349 : vector<1x1x16xf32> to vector<16xf32>
      %max3A_1351 = arith.maximumf %max3A_1335, %get3A_1350 : vector<16xf32>
      %slice3A_1352 = vector.extract_strided_slice %get3A_748 {offsets = [8], sizes = [1], strides = [1]} : vector<16xi32> to vector<1xi32>
      %squeeze3A_1353 = vector.extract %slice3A_1352[0] : i32 from vector<1xi32>
      %get3A_1354 = arith.constant 8 : i32
      %get3A_1355 = arith.index_cast %get3A_1354 : i32 to index
      %get3A_1356 = arith.index_cast %squeeze3A_1353 : i32 to index
      %get3A_1357 = arith.constant 0 : index
      %get3A_1358 = tpu.vector_load %arg8[%get3A_1355, %get3A_1356, %get3A_1357] {strides = array<i32>} : memref<16x8x32xf32, #tpu.memory_space<vmem>>, vector<1x1x16xf32>,
      %get3A_1359 = vector.shape_cast %get3A_1358 : vector<1x1x16xf32> to vector<16xf32>
      %max3A_1360 = arith.maximumf %max3A_1344, %get3A_1359 : vector<16xf32>
      %get3A_1361 = arith.constant 8 : i32
      %get3A_1362 = arith.index_cast %get3A_1361 : i32 to index
      %get3A_1363 = arith.index_cast %squeeze3A_1353 : i32 to index
      %get3A_1364 = arith.constant 16 : index
      %get3A_1365 = tpu.vector_load %arg8[%get3A_1362, %get3A_1363, %get3A_1364] {strides = array<i32>} : memref<16x8x32xf32, #tpu.memory_space<vmem>>, vector<1x1x16xf32>,
      %get3A_1366 = vector.shape_cast %get3A_1365 : vector<1x1x16xf32> to vector<16xf32>
      %max3A_1367 = arith.maximumf %max3A_1351, %get3A_1366 : vector<16xf32>
      %slice3A_1368 = vector.extract_strided_slice %get3A_748 {offsets = [9], sizes = [1], strides = [1]} : vector<16xi32> to vector<1xi32>
      %squeeze3A_1369 = vector.extract %slice3A_1368[0] : i32 from vector<1xi32>
      %get3A_1370 = arith.constant 9 : i32
      %get3A_1371 = arith.index_cast %get3A_1370 : i32 to index
      %get3A_1372 = arith.index_cast %squeeze3A_1369 : i32 to index
      %get3A_1373 = arith.constant 0 : index
      %get3A_1374 = tpu.vector_load %arg8[%get3A_1371, %get3A_1372, %get3A_1373] {strides = array<i32>} : memref<16x8x32xf32, #tpu.memory_space<vmem>>, vector<1x1x16xf32>,
      %get3A_1375 = vector.shape_cast %get3A_1374 : vector<1x1x16xf32> to vector<16xf32>
      %max3A_1376 = arith.maximumf %max3A_1360, %get3A_1375 : vector<16xf32>
      %get3A_1377 = arith.constant 9 : i32
      %get3A_1378 = arith.index_cast %get3A_1377 : i32 to index
      %get3A_1379 = arith.index_cast %squeeze3A_1369 : i32 to index
      %get3A_1380 = arith.constant 16 : index
      %get3A_1381 = tpu.vector_load %arg8[%get3A_1378, %get3A_1379, %get3A_1380] {strides = array<i32>} : memref<16x8x32xf32, #tpu.memory_space<vmem>>, vector<1x1x16xf32>,
      %get3A_1382 = vector.shape_cast %get3A_1381 : vector<1x1x16xf32> to vector<16xf32>
      %max3A_1383 = arith.maximumf %max3A_1367, %get3A_1382 : vector<16xf32>
      %slice3A_1384 = vector.extract_strided_slice %get3A_748 {offsets = [10], sizes = [1], strides = [1]} : vector<16xi32> to vector<1xi32>
      %squeeze3A_1385 = vector.extract %slice3A_1384[0] : i32 from vector<1xi32>
      %get3A_1386 = arith.constant 10 : i32
      %get3A_1387 = arith.index_cast %get3A_1386 : i32 to index
      %get3A_1388 = arith.index_cast %squeeze3A_1385 : i32 to index
      %get3A_1389 = arith.constant 0 : index
      %get3A_1390 = tpu.vector_load %arg8[%get3A_1387, %get3A_1388, %get3A_1389] {strides = array<i32>} : memref<16x8x32xf32, #tpu.memory_space<vmem>>, vector<1x1x16xf32>,
      %get3A_1391 = vector.shape_cast %get3A_1390 : vector<1x1x16xf32> to vector<16xf32>
      %max3A_1392 = arith.maximumf %max3A_1376, %get3A_1391 : vector<16xf32>
      %get3A_1393 = arith.constant 10 : i32
      %get3A_1394 = arith.index_cast %get3A_1393 : i32 to index
      %get3A_1395 = arith.index_cast %squeeze3A_1385 : i32 to index
      %get3A_1396 = arith.constant 16 : index
      %get3A_1397 = tpu.vector_load %arg8[%get3A_1394, %get3A_1395, %get3A_1396] {strides = array<i32>} : memref<16x8x32xf32, #tpu.memory_space<vmem>>, vector<1x1x16xf32>,
      %get3A_1398 = vector.shape_cast %get3A_1397 : vector<1x1x16xf32> to vector<16xf32>
      %max3A_1399 = arith.maximumf %max3A_1383, %get3A_1398 : vector<16xf32>
      %slice3A_1400 = vector.extract_strided_slice %get3A_748 {offsets = [11], sizes = [1], strides = [1]} : vector<16xi32> to vector<1xi32>
      %squeeze3A_1401 = vector.extract %slice3A_1400[0] : i32 from vector<1xi32>
      %get3A_1402 = arith.constant 11 : i32
      %get3A_1403 = arith.index_cast %get3A_1402 : i32 to index
      %get3A_1404 = arith.index_cast %squeeze3A_1401 : i32 to index
      %get3A_1405 = arith.constant 0 : index
      %get3A_1406 = tpu.vector_load %arg8[%get3A_1403, %get3A_1404, %get3A_1405] {strides = array<i32>} : memref<16x8x32xf32, #tpu.memory_space<vmem>>, vector<1x1x16xf32>,
      %get3A_1407 = vector.shape_cast %get3A_1406 : vector<1x1x16xf32> to vector<16xf32>
      %max3A_1408 = arith.maximumf %max3A_1392, %get3A_1407 : vector<16xf32>
      %get3A_1409 = arith.constant 11 : i32
      %get3A_1410 = arith.index_cast %get3A_1409 : i32 to index
      %get3A_1411 = arith.index_cast %squeeze3A_1401 : i32 to index
      %get3A_1412 = arith.constant 16 : index
      %get3A_1413 = tpu.vector_load %arg8[%get3A_1410, %get3A_1411, %get3A_1412] {strides = array<i32>} : memref<16x8x32xf32, #tpu.memory_space<vmem>>, vector<1x1x16xf32>,
      %get3A_1414 = vector.shape_cast %get3A_1413 : vector<1x1x16xf32> to vector<16xf32>
      %max3A_1415 = arith.maximumf %max3A_1399, %get3A_1414 : vector<16xf32>
      %slice3A_1416 = vector.extract_strided_slice %get3A_748 {offsets = [12], sizes = [1], strides = [1]} : vector<16xi32> to vector<1xi32>
      %squeeze3A_1417 = vector.extract %slice3A_1416[0] : i32 from vector<1xi32>
      %get3A_1418 = arith.constant 12 : i32
      %get3A_1419 = arith.index_cast %get3A_1418 : i32 to index
      %get3A_1420 = arith.index_cast %squeeze3A_1417 : i32 to index
      %get3A_1421 = arith.constant 0 : index
      %get3A_1422 = tpu.vector_load %arg8[%get3A_1419, %get3A_1420, %get3A_1421] {strides = array<i32>} : memref<16x8x32xf32, #tpu.memory_space<vmem>>, vector<1x1x16xf32>,
      %get3A_1423 = vector.shape_cast %get3A_1422 : vector<1x1x16xf32> to vector<16xf32>
      %max3A_1424 = arith.maximumf %max3A_1408, %get3A_1423 : vector<16xf32>
      %get3A_1425 = arith.constant 12 : i32
      %get3A_1426 = arith.index_cast %get3A_1425 : i32 to index
      %get3A_1427 = arith.index_cast %squeeze3A_1417 : i32 to index
      %get3A_1428 = arith.constant 16 : index
      %get3A_1429 = tpu.vector_load %arg8[%get3A_1426, %get3A_1427, %get3A_1428] {strides = array<i32>} : memref<16x8x32xf32, #tpu.memory_space<vmem>>, vector<1x1x16xf32>,
      %get3A_1430 = vector.shape_cast %get3A_1429 : vector<1x1x16xf32> to vector<16xf32>
      %max3A_1431 = arith.maximumf %max3A_1415, %get3A_1430 : vector<16xf32>
      %slice3A_1432 = vector.extract_strided_slice %get3A_748 {offsets = [13], sizes = [1], strides = [1]} : vector<16xi32> to vector<1xi32>
      %squeeze3A_1433 = vector.extract %slice3A_1432[0] : i32 from vector<1xi32>
      %get3A_1434 = arith.constant 13 : i32
      %get3A_1435 = arith.index_cast %get3A_1434 : i32 to index
      %get3A_1436 = arith.index_cast %squeeze3A_1433 : i32 to index
      %get3A_1437 = arith.constant 0 : index
      %get3A_1438 = tpu.vector_load %arg8[%get3A_1435, %get3A_1436, %get3A_1437] {strides = array<i32>} : memref<16x8x32xf32, #tpu.memory_space<vmem>>, vector<1x1x16xf32>,
      %get3A_1439 = vector.shape_cast %get3A_1438 : vector<1x1x16xf32> to vector<16xf32>
      %max3A_1440 = arith.maximumf %max3A_1424, %get3A_1439 : vector<16xf32>
      %get3A_1441 = arith.constant 13 : i32
      %get3A_1442 = arith.index_cast %get3A_1441 : i32 to index
      %get3A_1443 = arith.index_cast %squeeze3A_1433 : i32 to index
      %get3A_1444 = arith.constant 16 : index
      %get3A_1445 = tpu.vector_load %arg8[%get3A_1442, %get3A_1443, %get3A_1444] {strides = array<i32>} : memref<16x8x32xf32, #tpu.memory_space<vmem>>, vector<1x1x16xf32>,
      %get3A_1446 = vector.shape_cast %get3A_1445 : vector<1x1x16xf32> to vector<16xf32>
      %max3A_1447 = arith.maximumf %max3A_1431, %get3A_1446 : vector<16xf32>
      %slice3A_1448 = vector.extract_strided_slice %get3A_748 {offsets = [14], sizes = [1], strides = [1]} : vector<16xi32> to vector<1xi32>
      %squeeze3A_1449 = vector.extract %slice3A_1448[0] : i32 from vector<1xi32>
      %get3A_1450 = arith.constant 14 : i32
      %get3A_1451 = arith.index_cast %get3A_1450 : i32 to index
      %get3A_1452 = arith.index_cast %squeeze3A_1449 : i32 to index
      %get3A_1453 = arith.constant 0 : index
      %get3A_1454 = tpu.vector_load %arg8[%get3A_1451, %get3A_1452, %get3A_1453] {strides = array<i32>} : memref<16x8x32xf32, #tpu.memory_space<vmem>>, vector<1x1x16xf32>,
      %get3A_1455 = vector.shape_cast %get3A_1454 : vector<1x1x16xf32> to vector<16xf32>
      %max3A_1456 = arith.maximumf %max3A_1440, %get3A_1455 : vector<16xf32>
      %get3A_1457 = arith.constant 14 : i32
      %get3A_1458 = arith.index_cast %get3A_1457 : i32 to index
      %get3A_1459 = arith.index_cast %squeeze3A_1449 : i32 to index
      %get3A_1460 = arith.constant 16 : index
      %get3A_1461 = tpu.vector_load %arg8[%get3A_1458, %get3A_1459, %get3A_1460] {strides = array<i32>} : memref<16x8x32xf32, #tpu.memory_space<vmem>>, vector<1x1x16xf32>,
      %get3A_1462 = vector.shape_cast %get3A_1461 : vector<1x1x16xf32> to vector<16xf32>
      %max3A_1463 = arith.maximumf %max3A_1447, %get3A_1462 : vector<16xf32>
      %slice3A_1464 = vector.extract_strided_slice %get3A_748 {offsets = [15], sizes = [1], strides = [1]} : vector<16xi32> to vector<1xi32>
      %squeeze3A_1465 = vector.extract %slice3A_1464[0] : i32 from vector<1xi32>
      %get3A_1466 = arith.constant 15 : i32
      %get3A_1467 = arith.index_cast %get3A_1466 : i32 to index
      %get3A_1468 = arith.index_cast %squeeze3A_1465 : i32 to index
      %get3A_1469 = arith.constant 0 : index
      %get3A_1470 = tpu.vector_load %arg8[%get3A_1467, %get3A_1468, %get3A_1469] {strides = array<i32>} : memref<16x8x32xf32, #tpu.memory_space<vmem>>, vector<1x1x16xf32>,
      %get3A_1471 = vector.shape_cast %get3A_1470 : vector<1x1x16xf32> to vector<16xf32>
      %max3A_1472 = arith.maximumf %max3A_1456, %get3A_1471 : vector<16xf32>
      %get3A_1473 = arith.constant 15 : i32
      %get3A_1474 = arith.index_cast %get3A_1473 : i32 to index
      %get3A_1475 = arith.index_cast %squeeze3A_1465 : i32 to index
      %get3A_1476 = arith.constant 16 : index
      %get3A_1477 = tpu.vector_load %arg8[%get3A_1474, %get3A_1475, %get3A_1476] {strides = array<i32>} : memref<16x8x32xf32, #tpu.memory_space<vmem>>, vector<1x1x16xf32>,
      %get3A_1478 = vector.shape_cast %get3A_1477 : vector<1x1x16xf32> to vector<16xf32>
      %max3A_1479 = arith.maximumf %max3A_1463, %get3A_1478 : vector<16xf32>
      %swap3A_1480 = arith.index_cast %scan3A_740 : i32 to index
      %swap3A_1481 = arith.constant 0 : index
      %swap3A_1482 = tpu.vector_load %arg9[%swap3A_1480, %swap3A_1481] {strides = array<i32>} : memref<32x32xf32, #tpu.memory_space<vmem>>, vector<1x16xf32>,
      %swap3A_1483 = vector.shape_cast %swap3A_1482 : vector<1x16xf32> to vector<16xf32>
      %swap3A_1484 = vector.shape_cast %max3A_1472 : vector<16xf32> to vector<1x16xf32>
      tpu.vector_store %arg9[%swap3A_1480, %swap3A_1481], %swap3A_1484 {strides = array<i32>} : memref<32x32xf32, #tpu.memory_space<vmem>>, vector<1x16xf32>,
      %swap3A_1485 = arith.index_cast %scan3A_740 : i32 to index
      %swap3A_1486 = arith.constant 16 : index
      %swap3A_1487 = tpu.vector_load %arg9[%swap3A_1485, %swap3A_1486] {strides = array<i32>} : memref<32x32xf32, #tpu.memory_space<vmem>>, vector<1x16xf32>,
      %swap3A_1488 = vector.shape_cast %swap3A_1487 : vector<1x16xf32> to vector<16xf32>
      %swap3A_1489 = vector.shape_cast %max3A_1479 : vector<16xf32> to vector<1x16xf32>
      tpu.vector_store %arg9[%swap3A_1485, %swap3A_1486], %swap3A_1489 {strides = array<i32>} : memref<32x32xf32, #tpu.memory_space<vmem>>, vector<1x16xf32>,
    }
    %scan3A_737 = arith.constant 32 : i32
    %mul3A_738 = arith.constant 32 : i32
    %mul3A_739 = arith.muli %add3A, %mul3A_738 : i32
    "tpu.region"() ({
      %run_scoped3A = tpu.sem_alloc : memref<!tpu.dma_semaphore, #tpu.memory_space<semaphore_mem>>
      %dma_start3A = arith.constant 0 : i32
      %dma_start3A_740 = tpu.memref_slice %arg4[%mul3A_739, %dma_start3A] : memref<1024x32xf32, #tpu.memory_space<hbm>> -> memref<32x32xf32, #tpu.memory_space<hbm>>
      %dma_start3A_741 = arith.constant 0 : i32
      %dma_start3A_742 = tpu.memref_slice %arg4[%mul3A_739, %dma_start3A_741] : memref<1024x32xf32, #tpu.memory_space<hbm>> -> memref<32x32xf32, #tpu.memory_space<hbm>>
      tpu.enqueue_dma source(%arg9 : memref<32x32xf32, #tpu.memory_space<vmem>>) target(%dma_start3A_742 : memref<32x32xf32, #tpu.memory_space<hbm>>) target_semaphore(%run_scoped3A : memref<!tpu.dma_semaphore, #tpu.memory_space<semaphore_mem>>)
      %dma_wait3A = arith.constant 0 : i32
      %dma_wait3A_743 = tpu.memref_slice %arg4[%mul3A_739, %dma_wait3A] : memref<1024x32xf32, #tpu.memory_space<hbm>> -> memref<32x32xf32, #tpu.memory_space<hbm>>
      %dma_wait3A_744 = arith.constant 0 : i32
      %dma_wait3A_745 = tpu.memref_slice %arg4[%mul3A_739, %dma_wait3A_744] : memref<1024x32xf32, #tpu.memory_space<hbm>> -> memref<32x32xf32, #tpu.memory_space<hbm>>
      tpu.wait_dma2 semaphore(%run_scoped3A : memref<!tpu.dma_semaphore, #tpu.memory_space<semaphore_mem>>) src(%arg9 : memref<32x32xf32, #tpu.memory_space<vmem>>) dst(%dma_wait3A_745 : memref<32x32xf32, #tpu.memory_space<hbm>>)
      tpu.yield
    }) : () -> ()
    return
  }
}

module attributes {stable_mosaic.version = 14 : i64} {
  func.func @_tc_heavy_body(%arg0: i32, %arg1: memref<32x128xf32, #tpu.memory_space<vmem>>, %arg2: memref<512x128xf32, #tpu.memory_space<vmem>>, %arg3: memref<8192x128xf32, #tpu.memory_space<vmem>>, %arg4: memref<8192x128xf32, #tpu.memory_space<vmem>>, %arg5: memref<128x32xf32, #tpu.memory_space<vmem>>, %arg6: memref<32x32xf32, #tpu.memory_space<vmem>>, %arg7: memref<32x32xf32, #tpu.memory_space<vmem>>, %arg8: memref<32x32xf32, #tpu.memory_space<vmem>>, %arg9: memref<32x32xf32, #tpu.memory_space<vmem>>) attributes {dimension_semantics = [#tpu.dimension_semantics<arbitrary>], iteration_bounds = array<i64: 32>, scalar_prefetch = 0 : i64, scratch_operands = 0 : i64, tpu.core_type = #tpu.core_type<tc>, window_params = [{transform_indices = @transform_0, window_bounds = array<i64: 32, 128>}, {transform_indices = @transform_1, window_bounds = array<i64: 512, 128>}, {transform_indices = @transform_2, window_bounds = array<i64: 8192, 128>}, {transform_indices = @transform_3, window_bounds = array<i64: 8192, 128>}, {pipeline_mode = #tpu.pipeline_mode<synchronous>, transform_indices = @transform_4, window_bounds = array<i64: 128, 32>}, {transform_indices = @transform_5, window_bounds = array<i64: 32, 32>}, {transform_indices = @transform_6, window_bounds = array<i64: 32, 32>}, {transform_indices = @transform_7, window_bounds = array<i64: 32, 32>}, {transform_indices = @transform_8, window_bounds = array<i64: 32, 32>}]} {
    %get3A = arith.constant 0 : index
    %get3A_0 = arith.constant 0 : index
    %get3A_1 = vector.load %arg5[%get3A, %get3A_0] : memref<128x32xf32, #tpu.memory_space<vmem>>, vector<128x32xf32>
    %convert_element_type3A = arith.truncf %get3A_1 : vector<128x32xf32> to vector<128x32xbf16>
    %get3A_2 = arith.constant 0 : index
    %get3A_3 = arith.constant 0 : index
    %get3A_4 = vector.load %arg1[%get3A_2, %get3A_3] : memref<32x128xf32, #tpu.memory_space<vmem>>, vector<32x128xf32>
    %convert_element_type3A_5 = arith.truncf %get3A_4 : vector<32x128xf32> to vector<32x128xbf16>
    %dot_general3A = arith.constant dense<0.000000e+00> : vector<32x32xf32>
    %dot_general3A_6 = tpu.matmul %convert_element_type3A_5, %convert_element_type3A, %dot_general3A {dimension_numbers = #tpu.dot_dimension_numbers<[1], [0], [0], [1], [0, 0, 1, 1], [], []>, transpose_lhs_hint = false} : vector<32x128xbf16>, vector<128x32xbf16>, vector<32x32xf32> -> vector<32x32xf32>
    %swap3A = arith.constant 0 : index
    %swap3A_7 = arith.constant 0 : index
    %swap3A_8 = vector.load %arg6[%swap3A, %swap3A_7] : memref<32x32xf32, #tpu.memory_space<vmem>>, vector<32x32xf32>
    tpu.vector_store %arg6[%swap3A, %swap3A_7], %dot_general3A_6 {strides = array<i32>} : memref<32x32xf32, #tpu.memory_space<vmem>>, vector<32x32xf32>,
    %get3A_9 = arith.constant 0 : index
    %get3A_10 = arith.constant 0 : index
    %get3A_11 = vector.load %arg2[%get3A_9, %get3A_10] : memref<512x128xf32, #tpu.memory_space<vmem>>, vector<512x128xf32>
    %convert_element_type3A_12 = arith.truncf %get3A_11 : vector<512x128xf32> to vector<512x128xbf16>
    %dot_general3A_13 = arith.constant dense<0.000000e+00> : vector<512x32xf32>
    %dot_general3A_14 = tpu.matmul %convert_element_type3A_12, %convert_element_type3A, %dot_general3A_13 {dimension_numbers = #tpu.dot_dimension_numbers<[1], [0], [0], [1], [0, 0, 1, 1], [], []>, transpose_lhs_hint = false} : vector<512x128xbf16>, vector<128x32xbf16>, vector<512x32xf32> -> vector<512x32xf32>
    %reshape3A = vector.shape_cast %dot_general3A_14 : vector<512x32xf32> to vector<32x16x32xf32>
    %reduce_max3A = arith.constant dense<0xFF800000> : vector<32x32xf32>
    %reduce_max3A_15 = vector.multi_reduction <maximumf>, %reshape3A, %reduce_max3A [1] : vector<32x16x32xf32> to vector<32x32xf32>
    %swap3A_16 = arith.constant 0 : index
    %swap3A_17 = arith.constant 0 : index
    %swap3A_18 = vector.load %arg7[%swap3A_16, %swap3A_17] : memref<32x32xf32, #tpu.memory_space<vmem>>, vector<32x32xf32>
    tpu.vector_store %arg7[%swap3A_16, %swap3A_17], %reduce_max3A_15 {strides = array<i32>} : memref<32x32xf32, #tpu.memory_space<vmem>>, vector<32x32xf32>,
    %get3A_19 = arith.constant 0 : index
    %get3A_20 = arith.constant 0 : index
    %get3A_21 = vector.load %arg3[%get3A_19, %get3A_20] : memref<8192x128xf32, #tpu.memory_space<vmem>>, vector<8192x128xf32>
    %convert_element_type3A_22 = arith.truncf %get3A_21 : vector<8192x128xf32> to vector<8192x128xbf16>
    %dot_general3A_23 = arith.constant dense<0.000000e+00> : vector<8192x32xf32>
    %dot_general3A_24 = tpu.matmul %convert_element_type3A_22, %convert_element_type3A, %dot_general3A_23 {dimension_numbers = #tpu.dot_dimension_numbers<[1], [0], [0], [1], [0, 0, 1, 1], [], []>, transpose_lhs_hint = false} : vector<8192x128xbf16>, vector<128x32xbf16>, vector<8192x32xf32> -> vector<8192x32xf32>
    %reshape3A_25 = vector.shape_cast %dot_general3A_24 : vector<8192x32xf32> to vector<32x256x32xf32>
    %reduce_max3A_26 = arith.constant dense<0xFF800000> : vector<32x32xf32>
    %reduce_max3A_27 = vector.multi_reduction <maximumf>, %reshape3A_25, %reduce_max3A_26 [1] : vector<32x256x32xf32> to vector<32x32xf32>
    %swap3A_28 = arith.constant 0 : index
    %swap3A_29 = arith.constant 0 : index
    %swap3A_30 = vector.load %arg8[%swap3A_28, %swap3A_29] : memref<32x32xf32, #tpu.memory_space<vmem>>, vector<32x32xf32>
    tpu.vector_store %arg8[%swap3A_28, %swap3A_29], %reduce_max3A_27 {strides = array<i32>} : memref<32x32xf32, #tpu.memory_space<vmem>>, vector<32x32xf32>,
    %get3A_31 = arith.constant 0 : index
    %get3A_32 = arith.constant 0 : index
    %get3A_33 = vector.load %arg4[%get3A_31, %get3A_32] : memref<8192x128xf32, #tpu.memory_space<vmem>>, vector<8192x128xf32>
    %convert_element_type3A_34 = arith.truncf %get3A_33 : vector<8192x128xf32> to vector<8192x128xbf16>
    %dot_general3A_35 = arith.constant dense<0.000000e+00> : vector<8192x32xf32>
    %dot_general3A_36 = tpu.matmul %convert_element_type3A_34, %convert_element_type3A, %dot_general3A_35 {dimension_numbers = #tpu.dot_dimension_numbers<[1], [0], [0], [1], [0, 0, 1, 1], [], []>, transpose_lhs_hint = false} : vector<8192x128xbf16>, vector<128x32xbf16>, vector<8192x32xf32> -> vector<8192x32xf32>
    %reshape3A_37 = vector.shape_cast %dot_general3A_36 : vector<8192x32xf32> to vector<32x256x32xf32>
    %reduce_max3A_38 = arith.constant dense<0xFF800000> : vector<32x32xf32>
    %reduce_max3A_39 = vector.multi_reduction <maximumf>, %reshape3A_37, %reduce_max3A_38 [1] : vector<32x256x32xf32> to vector<32x32xf32>
    %swap3A_40 = arith.constant 0 : index
    %swap3A_41 = arith.constant 0 : index
    %swap3A_42 = vector.load %arg9[%swap3A_40, %swap3A_41] : memref<32x32xf32, #tpu.memory_space<vmem>>, vector<32x32xf32>
    tpu.vector_store %arg9[%swap3A_40, %swap3A_41], %reduce_max3A_39 {strides = array<i32>} : memref<32x32xf32, #tpu.memory_space<vmem>>, vector<32x32xf32>,
    return
  }
  func.func @transform_0(%arg0: i32) -> (i32, i32) {
    %c0_i32 = arith.constant 0 : i32
    %c0_i32_0 = arith.constant 0 : i32
    return %arg0, %c0_i32 : i32, i32
  }
  func.func @transform_1(%arg0: i32) -> (i32, i32) {
    %c0_i32 = arith.constant 0 : i32
    %c0_i32_0 = arith.constant 0 : i32
    return %arg0, %c0_i32 : i32, i32
  }
  func.func @transform_2(%arg0: i32) -> (i32, i32) {
    %c0_i32 = arith.constant 0 : i32
    %c0_i32_0 = arith.constant 0 : i32
    return %arg0, %c0_i32 : i32, i32
  }
  func.func @transform_3(%arg0: i32) -> (i32, i32) {
    %c0_i32 = arith.constant 0 : i32
    %c0_i32_0 = arith.constant 0 : i32
    return %arg0, %c0_i32 : i32, i32
  }
  func.func @transform_4(%arg0: i32) -> (i32, i32) {
    %c0_i32 = arith.constant 0 : i32
    %c0_i32_0 = arith.constant 0 : i32
    %c0_i32_1 = arith.constant 0 : i32
    return %c0_i32, %c0_i32_0 : i32, i32
  }
  func.func @transform_5(%arg0: i32) -> (i32, i32) {
    %c0_i32 = arith.constant 0 : i32
    %c0_i32_0 = arith.constant 0 : i32
    return %arg0, %c0_i32 : i32, i32
  }
  func.func @transform_6(%arg0: i32) -> (i32, i32) {
    %c0_i32 = arith.constant 0 : i32
    %c0_i32_0 = arith.constant 0 : i32
    return %arg0, %c0_i32 : i32, i32
  }
  func.func @transform_7(%arg0: i32) -> (i32, i32) {
    %c0_i32 = arith.constant 0 : i32
    %c0_i32_0 = arith.constant 0 : i32
    return %arg0, %c0_i32 : i32, i32
  }
  func.func @transform_8(%arg0: i32) -> (i32, i32) {
    %c0_i32 = arith.constant 0 : i32
    %c0_i32_0 = arith.constant 0 : i32
    return %arg0, %c0_i32 : i32, i32
  }
}

module attributes {stable_mosaic.version = 14 : i64} {
  func.func @_tc_tail_body(%arg0: memref<1024x32xf32, #tpu.memory_space<vmem>>, %arg1: memref<1024x32xf32, #tpu.memory_space<vmem>>, %arg2: memref<1024x32xf32, #tpu.memory_space<vmem>>, %arg3: memref<1024x32xf32, #tpu.memory_space<vmem>>, %arg4: memref<1024x32xf32, #tpu.memory_space<vmem>>, %arg5: memref<1x32xf32, #tpu.memory_space<vmem>>, %arg6: memref<1x1xf32, #tpu.memory_space<vmem>>, %arg7: memref<32x64xf32, #tpu.memory_space<vmem>>, %arg8: memref<1x64xf32, #tpu.memory_space<vmem>>, %arg9: memref<1024x64xf32, #tpu.memory_space<vmem>>) attributes {dimension_semantics = [], scalar_prefetch = 0 : i64, scratch_operands = 0 : i64, tpu.core_type = #tpu.core_type<tc>} {
    %get3A = arith.constant 0 : index
    %get3A_0 = arith.constant 0 : index
    %get3A_1 = vector.load %arg0[%get3A, %get3A_0] : memref<1024x32xf32, #tpu.memory_space<vmem>>, vector<1024x32xf32>
    %get3A_2 = arith.constant 0 : index
    %get3A_3 = arith.constant 0 : index
    %get3A_4 = vector.load %arg1[%get3A_2, %get3A_3] : memref<1024x32xf32, #tpu.memory_space<vmem>>, vector<1024x32xf32>
    %get3A_5 = arith.constant 0 : index
    %get3A_6 = arith.constant 0 : index
    %get3A_7 = vector.load %arg2[%get3A_5, %get3A_6] : memref<1024x32xf32, #tpu.memory_space<vmem>>, vector<1024x32xf32>
    %get3A_8 = arith.constant 0 : index
    %get3A_9 = arith.constant 0 : index
    %get3A_10 = vector.load %arg3[%get3A_8, %get3A_9] : memref<1024x32xf32, #tpu.memory_space<vmem>>, vector<1024x32xf32>
    %get3A_11 = arith.constant 0 : index
    %get3A_12 = arith.constant 0 : index
    %get3A_13 = vector.load %arg4[%get3A_11, %get3A_12] : memref<1024x32xf32, #tpu.memory_space<vmem>>, vector<1024x32xf32>
    %mul3A = arith.mulf %get3A_1, %get3A_10 : vector<1024x32xf32>
    %mul3A_14 = arith.mulf %get3A_1, %get3A_13 : vector<1024x32xf32>
    %mul3A_15 = arith.mulf %get3A_4, %get3A_10 : vector<1024x32xf32>
    %mul3A_16 = arith.mulf %get3A_4, %get3A_13 : vector<1024x32xf32>
    %mul3A_17 = arith.mulf %get3A_7, %get3A_10 : vector<1024x32xf32>
    %mul3A_18 = arith.mulf %get3A_7, %get3A_13 : vector<1024x32xf32>
    %get3A_19 = arith.constant 0 : index
    %get3A_20 = arith.constant 0 : index
    %get3A_21 = vector.load %arg5[%get3A_19, %get3A_20] : memref<1x32xf32, #tpu.memory_space<vmem>>, vector<1x32xf32>
    %get3A_22 = arith.constant 0 : index
    %get3A_23 = arith.constant 0 : index
    %get3A_24 = vector.load %arg6[%get3A_22, %get3A_23] : memref<1x1xf32, #tpu.memory_space<vmem>>, vector<1x1xf32>
    %get3A_25 = vector.extract %get3A_24[0, 0] : f32 from vector<1x1xf32>
    %mul3A_26 = vector.broadcast %get3A_21 : vector<1x32xf32> to vector<1024x32xf32>
    %mul3A_27 = arith.mulf %mul3A, %mul3A_26 : vector<1024x32xf32>
    %reduce_sum3A = arith.constant dense<0.000000e+00> : vector<1024xf32>
    %reduce_sum3A_28 = vector.multi_reduction <add>, %mul3A_27, %reduce_sum3A [1] : vector<1024x32xf32> to vector<1024xf32>
    %broadcast_in_dim3A = vector.shape_cast %reduce_sum3A_28 : vector<1024xf32> to vector<1024x1xf32>
    %add3A = vector.broadcast %get3A_25 : f32 to vector<1024x1xf32>
    %add3A_29 = arith.addf %broadcast_in_dim3A, %add3A : vector<1024x1xf32>
    %mul3A_30 = vector.broadcast %get3A_21 : vector<1x32xf32> to vector<1024x32xf32>
    %mul3A_31 = arith.mulf %mul3A_14, %mul3A_30 : vector<1024x32xf32>
    %reduce_sum3A_32 = arith.constant dense<0.000000e+00> : vector<1024xf32>
    %reduce_sum3A_33 = vector.multi_reduction <add>, %mul3A_31, %reduce_sum3A_32 [1] : vector<1024x32xf32> to vector<1024xf32>
    %broadcast_in_dim3A_34 = vector.shape_cast %reduce_sum3A_33 : vector<1024xf32> to vector<1024x1xf32>
    %add3A_35 = vector.broadcast %get3A_25 : f32 to vector<1024x1xf32>
    %add3A_36 = arith.addf %broadcast_in_dim3A_34, %add3A_35 : vector<1024x1xf32>
    %mul3A_37 = vector.broadcast %get3A_21 : vector<1x32xf32> to vector<1024x32xf32>
    %mul3A_38 = arith.mulf %mul3A_15, %mul3A_37 : vector<1024x32xf32>
    %reduce_sum3A_39 = arith.constant dense<0.000000e+00> : vector<1024xf32>
    %reduce_sum3A_40 = vector.multi_reduction <add>, %mul3A_38, %reduce_sum3A_39 [1] : vector<1024x32xf32> to vector<1024xf32>
    %broadcast_in_dim3A_41 = vector.shape_cast %reduce_sum3A_40 : vector<1024xf32> to vector<1024x1xf32>
    %add3A_42 = vector.broadcast %get3A_25 : f32 to vector<1024x1xf32>
    %add3A_43 = arith.addf %broadcast_in_dim3A_41, %add3A_42 : vector<1024x1xf32>
    %mul3A_44 = vector.broadcast %get3A_21 : vector<1x32xf32> to vector<1024x32xf32>
    %mul3A_45 = arith.mulf %mul3A_16, %mul3A_44 : vector<1024x32xf32>
    %reduce_sum3A_46 = arith.constant dense<0.000000e+00> : vector<1024xf32>
    %reduce_sum3A_47 = vector.multi_reduction <add>, %mul3A_45, %reduce_sum3A_46 [1] : vector<1024x32xf32> to vector<1024xf32>
    %broadcast_in_dim3A_48 = vector.shape_cast %reduce_sum3A_47 : vector<1024xf32> to vector<1024x1xf32>
    %add3A_49 = vector.broadcast %get3A_25 : f32 to vector<1024x1xf32>
    %add3A_50 = arith.addf %broadcast_in_dim3A_48, %add3A_49 : vector<1024x1xf32>
    %mul3A_51 = vector.broadcast %get3A_21 : vector<1x32xf32> to vector<1024x32xf32>
    %mul3A_52 = arith.mulf %mul3A_17, %mul3A_51 : vector<1024x32xf32>
    %reduce_sum3A_53 = arith.constant dense<0.000000e+00> : vector<1024xf32>
    %reduce_sum3A_54 = vector.multi_reduction <add>, %mul3A_52, %reduce_sum3A_53 [1] : vector<1024x32xf32> to vector<1024xf32>
    %broadcast_in_dim3A_55 = vector.shape_cast %reduce_sum3A_54 : vector<1024xf32> to vector<1024x1xf32>
    %add3A_56 = vector.broadcast %get3A_25 : f32 to vector<1024x1xf32>
    %add3A_57 = arith.addf %broadcast_in_dim3A_55, %add3A_56 : vector<1024x1xf32>
    %mul3A_58 = vector.broadcast %get3A_21 : vector<1x32xf32> to vector<1024x32xf32>
    %mul3A_59 = arith.mulf %mul3A_18, %mul3A_58 : vector<1024x32xf32>
    %reduce_sum3A_60 = arith.constant dense<0.000000e+00> : vector<1024xf32>
    %reduce_sum3A_61 = vector.multi_reduction <add>, %mul3A_59, %reduce_sum3A_60 [1] : vector<1024x32xf32> to vector<1024xf32>
    %broadcast_in_dim3A_62 = vector.shape_cast %reduce_sum3A_61 : vector<1024xf32> to vector<1024x1xf32>
    %add3A_63 = vector.broadcast %get3A_25 : f32 to vector<1024x1xf32>
    %add3A_64 = arith.addf %broadcast_in_dim3A_62, %add3A_63 : vector<1024x1xf32>
    %mul3A_65 = vector.broadcast %get3A_21 : vector<1x32xf32> to vector<1024x32xf32>
    %mul3A_66 = arith.mulf %get3A_1, %mul3A_65 : vector<1024x32xf32>
    %reduce_sum3A_67 = arith.constant dense<0.000000e+00> : vector<1024xf32>
    %reduce_sum3A_68 = vector.multi_reduction <add>, %mul3A_66, %reduce_sum3A_67 [1] : vector<1024x32xf32> to vector<1024xf32>
    %broadcast_in_dim3A_69 = vector.shape_cast %reduce_sum3A_68 : vector<1024xf32> to vector<1024x1xf32>
    %add3A_70 = vector.broadcast %get3A_25 : f32 to vector<1024x1xf32>
    %add3A_71 = arith.addf %broadcast_in_dim3A_69, %add3A_70 : vector<1024x1xf32>
    %mul3A_72 = vector.broadcast %get3A_21 : vector<1x32xf32> to vector<1024x32xf32>
    %mul3A_73 = arith.mulf %get3A_4, %mul3A_72 : vector<1024x32xf32>
    %reduce_sum3A_74 = arith.constant dense<0.000000e+00> : vector<1024xf32>
    %reduce_sum3A_75 = vector.multi_reduction <add>, %mul3A_73, %reduce_sum3A_74 [1] : vector<1024x32xf32> to vector<1024xf32>
    %broadcast_in_dim3A_76 = vector.shape_cast %reduce_sum3A_75 : vector<1024xf32> to vector<1024x1xf32>
    %add3A_77 = vector.broadcast %get3A_25 : f32 to vector<1024x1xf32>
    %add3A_78 = arith.addf %broadcast_in_dim3A_76, %add3A_77 : vector<1024x1xf32>
    %mul3A_79 = vector.broadcast %get3A_21 : vector<1x32xf32> to vector<1024x32xf32>
    %mul3A_80 = arith.mulf %get3A_7, %mul3A_79 : vector<1024x32xf32>
    %reduce_sum3A_81 = arith.constant dense<0.000000e+00> : vector<1024xf32>
    %reduce_sum3A_82 = vector.multi_reduction <add>, %mul3A_80, %reduce_sum3A_81 [1] : vector<1024x32xf32> to vector<1024xf32>
    %broadcast_in_dim3A_83 = vector.shape_cast %reduce_sum3A_82 : vector<1024xf32> to vector<1024x1xf32>
    %add3A_84 = vector.broadcast %get3A_25 : f32 to vector<1024x1xf32>
    %add3A_85 = arith.addf %broadcast_in_dim3A_83, %add3A_84 : vector<1024x1xf32>
    %max3A = arith.maximumf %add3A_29, %add3A_36 : vector<1024x1xf32>
    %max3A_86 = arith.maximumf %max3A, %add3A_43 : vector<1024x1xf32>
    %max3A_87 = arith.maximumf %max3A_86, %add3A_50 : vector<1024x1xf32>
    %max3A_88 = arith.maximumf %max3A_87, %add3A_57 : vector<1024x1xf32>
    %max3A_89 = arith.maximumf %max3A_88, %add3A_64 : vector<1024x1xf32>
    %max3A_90 = arith.maximumf %max3A_89, %add3A_71 : vector<1024x1xf32>
    %max3A_91 = arith.maximumf %max3A_90, %add3A_78 : vector<1024x1xf32>
    %max3A_92 = arith.maximumf %max3A_91, %add3A_85 : vector<1024x1xf32>
    %sub3A = arith.subf %add3A_29, %max3A_92 : vector<1024x1xf32>
    %exp3A = math.exp %sub3A : vector<1024x1xf32>
    %sub3A_93 = arith.subf %add3A_36, %max3A_92 : vector<1024x1xf32>
    %exp3A_94 = math.exp %sub3A_93 : vector<1024x1xf32>
    %sub3A_95 = arith.subf %add3A_43, %max3A_92 : vector<1024x1xf32>
    %exp3A_96 = math.exp %sub3A_95 : vector<1024x1xf32>
    %sub3A_97 = arith.subf %add3A_50, %max3A_92 : vector<1024x1xf32>
    %exp3A_98 = math.exp %sub3A_97 : vector<1024x1xf32>
    %sub3A_99 = arith.subf %add3A_57, %max3A_92 : vector<1024x1xf32>
    %exp3A_100 = math.exp %sub3A_99 : vector<1024x1xf32>
    %sub3A_101 = arith.subf %add3A_64, %max3A_92 : vector<1024x1xf32>
    %exp3A_102 = math.exp %sub3A_101 : vector<1024x1xf32>
    %sub3A_103 = arith.subf %add3A_71, %max3A_92 : vector<1024x1xf32>
    %exp3A_104 = math.exp %sub3A_103 : vector<1024x1xf32>
    %sub3A_105 = arith.subf %add3A_78, %max3A_92 : vector<1024x1xf32>
    %exp3A_106 = math.exp %sub3A_105 : vector<1024x1xf32>
    %sub3A_107 = arith.subf %add3A_85, %max3A_92 : vector<1024x1xf32>
    %exp3A_108 = math.exp %sub3A_107 : vector<1024x1xf32>
    %add3A_109 = arith.addf %exp3A, %exp3A_94 : vector<1024x1xf32>
    %add3A_110 = arith.addf %add3A_109, %exp3A_96 : vector<1024x1xf32>
    %add3A_111 = arith.addf %add3A_110, %exp3A_98 : vector<1024x1xf32>
    %add3A_112 = arith.addf %add3A_111, %exp3A_100 : vector<1024x1xf32>
    %add3A_113 = arith.addf %add3A_112, %exp3A_102 : vector<1024x1xf32>
    %add3A_114 = arith.addf %add3A_113, %exp3A_104 : vector<1024x1xf32>
    %add3A_115 = arith.addf %add3A_114, %exp3A_106 : vector<1024x1xf32>
    %add3A_116 = arith.addf %add3A_115, %exp3A_108 : vector<1024x1xf32>
    %div3A = arith.constant 1.000000e+00 : f32
    %div3A_117 = vector.broadcast %div3A : f32 to vector<1024x1xf32>
    %div3A_118 = arith.divf %div3A_117, %add3A_116 : vector<1024x1xf32>
    %mul3A_119 = arith.mulf %exp3A, %div3A_118 : vector<1024x1xf32>
    %mul3A_120 = vector.broadcast %mul3A_119 : vector<1024x1xf32> to vector<1024x32xf32>
    %mul3A_121 = arith.mulf %mul3A, %mul3A_120 : vector<1024x32xf32>
    %mul3A_122 = arith.mulf %exp3A_94, %div3A_118 : vector<1024x1xf32>
    %mul3A_123 = vector.broadcast %mul3A_122 : vector<1024x1xf32> to vector<1024x32xf32>
    %mul3A_124 = arith.mulf %mul3A_14, %mul3A_123 : vector<1024x32xf32>
    %add3A_125 = arith.addf %mul3A_121, %mul3A_124 : vector<1024x32xf32>
    %mul3A_126 = arith.mulf %exp3A_96, %div3A_118 : vector<1024x1xf32>
    %mul3A_127 = vector.broadcast %mul3A_126 : vector<1024x1xf32> to vector<1024x32xf32>
    %mul3A_128 = arith.mulf %mul3A_15, %mul3A_127 : vector<1024x32xf32>
    %add3A_129 = arith.addf %add3A_125, %mul3A_128 : vector<1024x32xf32>
    %mul3A_130 = arith.mulf %exp3A_98, %div3A_118 : vector<1024x1xf32>
    %mul3A_131 = vector.broadcast %mul3A_130 : vector<1024x1xf32> to vector<1024x32xf32>
    %mul3A_132 = arith.mulf %mul3A_16, %mul3A_131 : vector<1024x32xf32>
    %add3A_133 = arith.addf %add3A_129, %mul3A_132 : vector<1024x32xf32>
    %mul3A_134 = arith.mulf %exp3A_100, %div3A_118 : vector<1024x1xf32>
    %mul3A_135 = vector.broadcast %mul3A_134 : vector<1024x1xf32> to vector<1024x32xf32>
    %mul3A_136 = arith.mulf %mul3A_17, %mul3A_135 : vector<1024x32xf32>
    %add3A_137 = arith.addf %add3A_133, %mul3A_136 : vector<1024x32xf32>
    %mul3A_138 = arith.mulf %exp3A_102, %div3A_118 : vector<1024x1xf32>
    %mul3A_139 = vector.broadcast %mul3A_138 : vector<1024x1xf32> to vector<1024x32xf32>
    %mul3A_140 = arith.mulf %mul3A_18, %mul3A_139 : vector<1024x32xf32>
    %add3A_141 = arith.addf %add3A_137, %mul3A_140 : vector<1024x32xf32>
    %mul3A_142 = arith.mulf %exp3A_104, %div3A_118 : vector<1024x1xf32>
    %mul3A_143 = vector.broadcast %mul3A_142 : vector<1024x1xf32> to vector<1024x32xf32>
    %mul3A_144 = arith.mulf %get3A_1, %mul3A_143 : vector<1024x32xf32>
    %add3A_145 = arith.addf %add3A_141, %mul3A_144 : vector<1024x32xf32>
    %mul3A_146 = arith.mulf %exp3A_106, %div3A_118 : vector<1024x1xf32>
    %mul3A_147 = vector.broadcast %mul3A_146 : vector<1024x1xf32> to vector<1024x32xf32>
    %mul3A_148 = arith.mulf %get3A_4, %mul3A_147 : vector<1024x32xf32>
    %add3A_149 = arith.addf %add3A_145, %mul3A_148 : vector<1024x32xf32>
    %mul3A_150 = arith.mulf %exp3A_108, %div3A_118 : vector<1024x1xf32>
    %mul3A_151 = vector.broadcast %mul3A_150 : vector<1024x1xf32> to vector<1024x32xf32>
    %mul3A_152 = arith.mulf %get3A_7, %mul3A_151 : vector<1024x32xf32>
    %add3A_153 = arith.addf %add3A_149, %mul3A_152 : vector<1024x32xf32>
    %get3A_154 = arith.constant 0 : index
    %get3A_155 = arith.constant 0 : index
    %get3A_156 = vector.load %arg7[%get3A_154, %get3A_155] : memref<32x64xf32, #tpu.memory_space<vmem>>, vector<32x64xf32>
    %dot_general3A = arith.constant dense<0.000000e+00> : vector<1024x64xf32>
    %dot_general3A_157 = tpu.matmul %add3A_153, %get3A_156, %dot_general3A {dimension_numbers = #tpu.dot_dimension_numbers<[1], [0], [0], [1], [0, 0, 1, 1], [], []>, transpose_lhs_hint = false} : vector<1024x32xf32>, vector<32x64xf32>, vector<1024x64xf32> -> vector<1024x64xf32>
    %get3A_158 = arith.constant 0 : index
    %get3A_159 = arith.constant 0 : index
    %get3A_160 = vector.load %arg8[%get3A_158, %get3A_159] : memref<1x64xf32, #tpu.memory_space<vmem>>, vector<1x64xf32>
    %add3A_161 = vector.broadcast %get3A_160 : vector<1x64xf32> to vector<1024x64xf32>
    %add3A_162 = arith.addf %dot_general3A_157, %add3A_161 : vector<1024x64xf32>
    %reduce_max3A = arith.constant dense<0xFF800000> : vector<1024xf32>
    %reduce_max3A_163 = vector.multi_reduction <maximumf>, %add3A_162, %reduce_max3A [1] : vector<1024x64xf32> to vector<1024xf32>
    %broadcast_in_dim3A_164 = vector.shape_cast %reduce_max3A_163 : vector<1024xf32> to vector<1024x1xf32>
    %sub3A_165 = vector.broadcast %broadcast_in_dim3A_164 : vector<1024x1xf32> to vector<1024x64xf32>
    %sub3A_166 = arith.subf %add3A_162, %sub3A_165 : vector<1024x64xf32>
    %exp3A_167 = math.exp %sub3A_166 : vector<1024x64xf32>
    %reduce_sum3A_168 = arith.constant dense<0.000000e+00> : vector<1024xf32>
    %reduce_sum3A_169 = vector.multi_reduction <add>, %exp3A_167, %reduce_sum3A_168 [1] : vector<1024x64xf32> to vector<1024xf32>
    %broadcast_in_dim3A_170 = vector.shape_cast %reduce_sum3A_169 : vector<1024xf32> to vector<1024x1xf32>
    %log3A = math.log %broadcast_in_dim3A_170 : vector<1024x1xf32>
    %sub3A_171 = vector.broadcast %log3A : vector<1024x1xf32> to vector<1024x64xf32>
    %sub3A_172 = arith.subf %sub3A_166, %sub3A_171 : vector<1024x64xf32>
    %swap3A = arith.constant 0 : index
    %swap3A_173 = arith.constant 0 : index
    %swap3A_174 = vector.load %arg9[%swap3A, %swap3A_173] : memref<1024x64xf32, #tpu.memory_space<vmem>>, vector<1024x64xf32>
    tpu.vector_store %arg9[%swap3A, %swap3A_173], %sub3A_172 {strides = array<i32>} : memref<1024x64xf32, #tpu.memory_space<vmem>>, vector<1024x64xf32>,
    return
  }
}

</mosaic_0001>

<sc_bundles>
// kernel: kernel.5.cloned.1.call-start
scs
__scs_entry_jumppad:
0x0: {  	(pc) =	sbr.rel $0x88, $3  }
0x1: {  	(tag) =	ssettag $0x0;
	lr =	simm.s32 $0x1  }
0x2: {  	[smem:$0x3F96] =	sst lr;
	_ =	strace $0xD0000000  }
0x3: {  	_ = 	snop  }
0x4: {  	_ = 	snop  }
0x5: {  	_ = 	snop  }
0x6: {  	_ = 	snop  }
0x7: {  	_ = 	snop  }
__scs_overlays_trampoline_lowered:
0x8: {  	[smem:$0x3FA5] =	sst s0  }
0x9: {  	[smem:$0x3FA6] =	sst s1  }
0xa: {  	[smem:$0x3FA7] =	sst s2  }
0xb: {  	[smem:$0x3FA8] =	sst s3  }
0xc: {  	[smem:$0x3FA9] =	sst s4  }
0xd: {  	[smem:$0x3FAA] =	sst s5  }
0xe: {  	[smem:$0x3FAB] =	sst s6  }
0xf: {  	[smem:$0x3FAC] =	sst s7  }
0x10: {  	[smem:$0x3FAD] =	sst s8  }
0x11: {  	[smem:$0x3FAE] =	sst s9;
	s0 =	simm.s32 @!p0 $0x0  }
0x12: {  	s1 =	sld [smem:$0x3F94];
	s0 =	simm.s32 @p0 $0x1  }
0x13: {  	[smem:$0x3FAF] =	sst s0;
	s0 =	simm.s32 @!p1 $0x0  }
0x14: {  	s2 =	sld [smem:$0x3F93];
	s0 =	simm.s32 @p1 $0x1  }
0x15: {  	[smem:$0x3FB0] =	sst s0;
	s0 =	simm.s32 @!p2 $0x0  }
0x16: {  	s3 =	sld [smem:$0x3FDB];
	s0 =	simm.s32 @p2 $0x1  }
0x17: {  	s4 =	simm.s32 $0x1BF5;
	[smem:$0x3FB2] =	sst s0  }
0x18: {  	s0 =	sld [smem:$0x3F95];
	_ =	swait.ge [sflag:s4], $0x0  }
0x19: {  	s7 =	sld [smem:$0x3F96]  }
0x1a: {  	s8 =	sadd.s32 $0xFFFFE003, lr  }
0x1b: {  	s9 =	sadd.s32 $0xFFFFFEF7, lr;
	s5 =	simm.s32 $0xFFFFFFFF;
	p2 =	slt.u32 s8, $0xFFFFF086  }
0x1c: {  	p1 =	slt.u32 s9, $0xF7A;
	s5 =	simm.s32 @!p2 $0x0  }
0x1d: {  	s5 =	simm.s32 @p1 $0x1;
	p0 =	seq.s32 s7, s2  }
0x1e: {  	s7 =	smul.u32 @!p0 $0xF7A, s2;
	p2 =	seq.s32 @!p0 s5, $0x0  }
0x1f: {  	s9 =	smul.u32 $0xF7A, s1;
	s8 =	simm.s32 @!p0 $0x1BF5;
	p2 =	por !p2, p0  }
0x20: {  	[sflag:s8] =	ssyncset.s32 @!p0 $0xFFFFF086;
	s6 =	sadd.s32 @!p0 s3, s7;
	s7 =	simm.s32 @!p0 $0x108  }
0x21: {  	s3 =	sadd.s32 s3, s9;
	s6 =	sadd.s32 @!p0 $0x88, s6;
	s7 =	simm.s32 @p2 $0x1082  }
0x22: {  	[simem:s7], [sflag:s8] =	dma.local @!p0 [hbm:s6], $0xF7A  }
0x23: {  	s9 =	sor.u32 $0xD0000000, s2;
	s6 =	simm.s32 $0x108;
	_ =	swait.ge @!p0 [sflag:s8], $0x0  }
0x24: {  	s3 =	sadd.s32 $0x88, s3;
	s6 =	simm.s32 @!p1 $0x1082;
	[sflag:s4] =	ssyncset.s32 $0xFFFFF086  }
0x25: {  	[simem:s6], [sflag:s4] =	dma.local [hbm:s3], $0xF7A  }
0x26: {  	[smem:$0x3F96] =	sst s1;
	(tag) =	ssettag s2;
	_ =	strace s9  }
0x27: {  	s1 =	sld [smem:$0x3FA6]  }
0x28: {  	s2 =	sld [smem:$0x3FA7]  }
0x29: {  	s4 =	sld [smem:$0x3FA9]  }
0x2a: {  	p0 =	seq.s32 s5, $0x0;
	s5 =	sld [smem:$0x3FAA]  }
0x2b: {  	s6 =	sld [smem:$0x3FAB]  }
0x2c: {  	s7 =	sld [smem:$0x3FAC]  }
0x2d: {  	s3 =	simm.s32 $0x108;
	s8 =	sld [smem:$0x3FAD]  }
0x2e: {  	s3 =	simm.s32 @!p0 $0x1082;
	s9 =	sld [smem:$0x3FAE]  }
0x2f: {  	lr =	sadd.s32 s0, s3;
	s0 =	sld [smem:$0x3FA5]  }
0x30: {  	s3 =	sld [smem:$0x3FA8]  }
0x31: {  	[smem:$0x3FB1] =	sst s10  }
0x32: {  	s10 =	sld [smem:$0x3FAF];
	_ =	sdelay $0x3  }
0x33: {  	p0 =	seq.s32 s10, $0x1;
	s10 =	sld [smem:$0x3FB1];
	_ =	sdelay $0x3  }
0x34: {  	[smem:$0x3FB1] =	sst s10  }
0x35: {  	s10 =	sld [smem:$0x3FB0];
	_ =	sdelay $0x3  }
0x36: {  	p1 =	seq.s32 s10, $0x1;
	s10 =	sld [smem:$0x3FB1];
	_ =	sdelay $0x3  }
0x37: {  	[smem:$0x3FB1] =	sst s10  }
0x38: {  	s10 =	sld [smem:$0x3FB2]  }
0x39: {  	_ = 	snop;
	(pc) =	sbr.ind lr, $3  }
0x3a: {  	_ = 	snop  }
0x3b: {  	_ = 	snop  }
0x3c: {  	p2 =	seq.s32 s10, $0x1;
	s10 =	sld [smem:$0x3FB1]  }
0x3d: {  	_ =	shalt  }
0x3e: {  	_ =	shalt  }
0x3f: {  	_ =	shalt  }
0x40: {  	_ =	shalt  }
0x41: {  	_ =	shalt  }
0x42: {  	_ =	shalt  }
0x43: {  	_ =	shalt  }
0x44: {  	_ =	shalt  }
0x45: {  	_ =	shalt  }
0x46: {  	_ =	shalt  }
0x47: {  	_ =	shalt  }
0x48: {  	_ =	shalt  }
0x49: {  	_ =	shalt  }
0x4a: {  	_ =	shalt  }
0x4b: {  	_ =	shalt  }
0x4c: {  	_ =	shalt  }
0x4d: {  	_ =	shalt  }
0x4e: {  	_ =	shalt  }
0x4f: {  	_ =	shalt  }
0x50: {  	_ =	shalt  }
0x51: {  	_ =	shalt  }
0x52: {  	_ =	shalt  }
0x53: {  	_ =	shalt  }
0x54: {  	_ =	shalt  }
0x55: {  	_ =	shalt  }
0x56: {  	_ =	shalt  }
0x57: {  	_ =	shalt  }
0x58: {  	_ =	shalt  }
0x59: {  	_ =	shalt  }
0x5a: {  	_ =	shalt  }
0x5b: {  	_ =	shalt  }
0x5c: {  	_ =	shalt  }
0x5d: {  	_ =	shalt  }
0x5e: {  	_ =	shalt  }
0x5f: {  	_ =	shalt  }
0x60: {  	_ =	shalt  }
0x61: {  	_ =	shalt  }
0x62: {  	_ =	shalt  }
0x63: {  	_ =	shalt  }
0x64: {  	_ =	shalt  }
0x65: {  	_ =	shalt  }
0x66: {  	_ =	shalt  }
0x67: {  	_ =	shalt  }
0x68: {  	_ =	shalt  }
0x69: {  	_ =	shalt  }
0x6a: {  	_ =	shalt  }
0x6b: {  	_ =	shalt  }
0x6c: {  	_ =	shalt  }
0x6d: {  	_ =	shalt  }
0x6e: {  	_ =	shalt  }
0x6f: {  	_ =	shalt  }
0x70: {  	_ =	shalt  }
0x71: {  	_ =	shalt  }
0x72: {  	_ =	shalt  }
0x73: {  	_ =	shalt  }
0x74: {  	_ =	shalt  }
0x75: {  	_ =	shalt  }
0x76: {  	_ =	shalt  }
0x77: {  	_ =	shalt  }
0x78: {  	_ =	shalt  }
0x79: {  	_ =	shalt  }
0x7a: {  	_ =	shalt  }
0x7b: {  	_ =	shalt  }
0x7c: {  	_ =	shalt  }
0x7d: {  	_ =	shalt  }
0x7e: {  	_ =	shalt  }
0x7f: {  	_ =	shalt  }
0x80: {  	_ =	shalt  }
0x81: {  	_ =	shalt  }
0x82: {  	_ =	shalt  }
0x83: {  	_ =	shalt  }
0x84: {  	_ =	shalt  }
0x85: {  	_ =	shalt  }
0x86: {  	_ =	shalt  }
0x87: {  	_ =	shalt  }
.Lfunc_end0:
.L_simem_size_0:
called_computation_lowered:
.L_overlay_start_0:
0x88: {  	s2 =	sld [smem:$0x3FD9]  }
0x89: {  	s3 =	sld [smem:$0x3FFE];
	_ =	sdelay $0x1  }
0x8a: {  	s1 =	srdreg.scid  }
0x8b: {  	s0 =	sand.u32 $0x1, s1  }
0x8c: {  	s17 =	sshll.u32 s0, $0xA;
	s2 =	sadd.s32 s3, s2  }
0x8d: {  	s2 =	sadd.s32 s2, s17  }
0x8e: {  	[smem:$0x3FBD] =	sst s2  }
0x8f: {  	_ = 	snop  }
0x90: {  	s2 =	sld [smem:$0x3FC6];
	(tm) =	ssettm $0x1  }
0x91: {  	s18 =	sld [smem:$0x3FFB];
	_ =	sdelay $0x3  }
0x92: {  	_ =	strace s18  }
0x93: {  	s3 =	sld [smem:$0x3FFC];
	_ =	sdelay $0x3  }
0x94: {  	_ =	strace s3  }
0x95: {  	s3 =	sld [smem:$0x3FFD];
	_ =	sdelay $0x3  }
0x96: {  	_ =	strace s3  }
0x97: {  	_ =	strace $0x8FFFFFFF  }
0x98: {  	s19 =	sld [smem:$0x3FDB];
	_ =	sdelay $0x1  }
0x99: {  	s4 =	simm.s32 $_scs_section_size  }
0x9a: {  	s5 =	simm.s32 $_size__tile_overlayer_lowered;
	s6 =	simm.s32 $_tile_overlayer_lowered  }
0x9b: {  	s22 =	simm.s32 $0x1BFF;
	s21 =	sshll.u32 s6, $0x1;
	s3 =	sadd.s32 s4, s19  }
0x9c: {  	s7 =	simm.s32 $0x0;
	s20 =	sshll.u32 s5, $0x1;
	s5 =	sadd.s32 s21, s3  }
0x9d: {  	[timem:s7], [sflag:s22] =	dma.local [hbm:s5], s20  }
0x9e: {  	_ =	swait.ge [sflag:s22], s20  }
0x9f: {  	s4 =	ssub.s32 $0x0, s20;
	[sflag:s22] =	ssyncset.done $0x0  }
0xa0: {  	[sflag:s22] =	ssyncadd.s32 s4;
	_ =	sdelay $0x1  }
0xa1: {  	s23 =	simm.s32 $0x1B8B  }
0xa2: {  	_ =	swait.ge [sflag:s23], $0x1  }
0xa3: {  	[sflag:s23] =	ssyncset.done $0x0  }
0xa4: {  	s25 =	simm.s32 $0x1B8E;
	s24 =	sld [smem:$0x3FFE];
	[sflag:s23] =	ssyncadd.s32 $0xFFFFFFFF  }
0xa5: {  	s26 =	simm.s32 $execute0_lowered;
	[smem:$0x3FD2] =	sst s25  }
0xa6: {  	s5 =	sshll.u32 s26, $0x1;
	_ =	strace $0x80000046;
	[dreg:$0x1] =	wrdreg $0xFFFFFFFF  }
0xa7: {  	s28 =	simm.s32 $_size_execute0_lowered;
	s3 =	sadd.s32 s3, s5;
	[dreg:$0x0] =	wrdreg $0x0  }
0xa8: {  	s5 =	sshll.u32 s28, $0x1;
	[dreg:$0x2] =	wrdreg s3  }
0xa9: {  	[dreg:$0x3] =	wrdreg s5  }
0xaa: {  	[dreg:$0x4] =	wrdreg $0xC0  }
0xab: {  	_ =	task [dreg:s7], $0x5FFFF  }
0xac: {  	[dreg:$0x1] =	wrdreg $0xFFFFFFFF  }
0xad: {  	[dreg:$0x0] =	wrdreg $0x60  }
0xae: {  	[dreg:$0x2] =	wrdreg s2  }
0xaf: {  	[dreg:$0x3] =	wrdreg s24  }
0xb0: {  	[dreg:$0x4] =	wrdreg $0x9  }
0xb1: {  	_ =	task.clear_ibuf [dreg:s7], $0x5FFFF;
	_ =	strace $0x90000046  }
0xb2: {  	s29 =	simm.s32 $0x9;
	_ =	strace $0x80000048  }
0xb3: {  	_ =	swait.ge [sflag:s29], $0x1  }
0xb4: {  	[sflag:s29] =	ssyncadd.s32 $0xFFFFFFFF  }
0xb5: {  	_ =	strace $0x90000048  }
0xb6: {  	_ =	sfence  }
0xb7: {  	s30 =	sld [smem:$0x0];
	_ =	sdelay $0x2  }
0xb8: {  	s31 =	sshll.u32 s1, $0xD;
	s1 =	sshrl.u32 s1, $0x2  }
0xb9: {  	s3 =	sand.u32 $0x4000, s31;
	s1 =	sadd.s32 s1, s30  }
0xba: {  	s0 =	sor.u32 s3, s0;
	s1 =	sshll.u32 s1, $0x11  }
0xbb: {  	s0 =	sor.u32 s1, s0  }
0xbc: {  	s0 =	sadd.s32 $0x8F2B, s0  }
0xbd: {  	[sflag:s0] =	ssyncadd.remote.s32 $0x1  }
0xbe: {  	_ =	sfence.sel $0xFFFF  }
0xbf: {  	[dreg:$0x0] =	wrdreg $0xFFFFFFFF;
	(pc) =	sbr.abs _section_cstart, $3  }
0xc0: {  	[dreg:$0x1] =	wrdreg $0xFFFFFFFF  }
0xc1: {  	_ =	task.clear_ibuf [dreg:s7], $0x2FFFF;
	_ =	strace $0x9FFFFFFF  }
0xc2: {  	(tm) =	ssettm $0x7FFFFFFF  }
0xc3: {  	_ =	shalt  }
tec
execute0_lowered:
.L_overlay_start_1:
0x0: {  	(tag) =	ssettag $0x1  }
0x1: {  	s4 =	rddreg [dreg:$0x0]  }
0x2: {  	s5 =	rddreg [dreg:$0x1];
	s1 =	simm.s32 $0x0  }
0x3: {  	s2 =	simm.s32 $0x2200;
	[smem:$0x7FF] =	sst s1  }
0x4: {  	s3 =	simm.s32 $0x2600;
	_ =	strace $0x80000047;
	[dreg:$0x3] =	wrdreg s2  }
0x5: {  	s17 =	simm.s32 $0x2A00;
	[dreg:$0x4] =	wrdreg s3  }
0x6: {  	s7 =	simm.s32 $0x2E00;
	[dreg:$0x5] =	wrdreg s17  }
0x7: {  	s18 =	simm.s32 $0x3200;
	[dreg:$0x6] =	wrdreg s7  }
0x8: {  	s19 =	simm.s32 $0x3600;
	[dreg:$0x7] =	wrdreg s18  }
0x9: {  	s20 =	simm.s32 $0x3A00;
	[dreg:$0x8] =	wrdreg s19  }
0xa: {  	s21 =	simm.s32 $0x3E00;
	[dreg:$0x9] =	wrdreg s20  }
0xb: {  	s6 =	srdreg.scid;
	s22 =	simm.s32 $0x4200;
	[dreg:$0xa] =	wrdreg s21  }
0xc: {  	s23 =	simm.s32 $0x4600;
	s24 =	simm.s32 $0x4A00;
	[dreg:$0xb] =	wrdreg s22  }
0xd: {  	s26 =	simm.s32 $0x4E00;
	s28 =	simm.s32 $0x5200;
	[dreg:$0xc] =	wrdreg s23  }
0xe: {  	s29 =	simm.s32 $0x5600;
	s30 =	simm.s32 $0x5A00;
	[dreg:$0xd] =	wrdreg s24  }
0xf: {  	s31 =	simm.s32 $0x5E00;
	s10 =	simm.s32 $0x0;
	[dreg:$0xe] =	wrdreg s26  }
0x10: {  	s6 =	sand.u32 $0x1, s6;
	s3 =	stileid.u32;
	[dreg:$0xf] =	wrdreg s28  }
0x11: {  	s2 =	sadd.s32 $0x1400, s5;
	[dreg:$0x10] =	wrdreg s29;
	s8 =	sshll.u32 s3, $0x1  }
0x12: {  	[dreg:$0x11] =	wrdreg s30;
	s7 =	simm.s32 $0x2;
	s8 =	sor.u32 s6, s8  }
0x13: {  	[dreg:$0x12] =	wrdreg s31;
	s6 =	ssub.s32 $0x2, s6;
	s9 =	sshll.u32 s8, $0x9  }
0x14: {  	s25 =	sshrl.u32 s6, $0x1;
	s8 =	sshll.u32 s8, $0x6;
	s5 =	sadd.s32 s9, s5  }
0x15: {  	s6 =	ssub.s32 s6, s25;
	s4 =	sadd.s32 s4, s8;
	s8 =	simm.s32 $0x1  }
0x16: {  	s9 =	simm.s32 $0x6200;
	s5 =	sadd.s32 $0xF43800, s5;
	s6 =	smax.u32 s6, $0x1  }
.LBB2_1:
0x17: {  	[tilespmem:s1], [sflag:$0x2] =	stream.linear.gather [hbm4b:s4+s1], $0x200, $0x38;
	[tilespmem:$0x7200] =	vst v63  }
0x18: {  	_ =	swait.ge [sflag:s7], $0x200  }
0x19: {  	[sflag:s7] =	ssyncset.done $0x0  }
0x1a: {  	[sflag:s7] =	ssyncadd.s32 $0xFFFFFE00  }
0x1b: {  	v0 =	vld [tilespmem:$0x0];
	_ =	sdelay $0x1  }
0x1c: {  	v1 =	vld [tilespmem:$0x10];
	_ =	sdelay $0x1  }
0x1d: {  	v2 =	vld [tilespmem:$0x20]  }
0x1e: {  	v3 =	vshra.s32 v0, $0x3  }
0x1f: {  	v0 =	vand.u32 $0x7, v0;
	[tilespmem:$0x200] =	vst v3;
	v3 =	vld [tilespmem:$0x30]  }
0x20: {  	[tilespmem:$0x1200] =	vst v0;
	v0 =	vshra.s32 v1, $0x3  }
0x21: {  	[tilespmem:$0x280] =	vst v0;
	v0 =	vand.u32 $0x7, v1;
	v1 =	vld [tilespmem:$0x40]  }
0x22: {  	[tilespmem:$0x1280] =	vst v0;
	v0 =	vshra.s32 v2, $0x3  }
0x23: {  	[tilespmem:$0x300] =	vst v0;
	v0 =	vand.u32 $0x7, v2;
	v2 =	vld [tilespmem:$0x50]  }
0x24: {  	[tilespmem:$0x1300] =	vst v0;
	v0 =	vshra.s32 v3, $0x3  }
0x25: {  	[tilespmem:$0x380] =	vst v0;
	v0 =	vand.u32 $0x7, v3;
	v3 =	vld [tilespmem:$0x60]  }
0x26: {  	[tilespmem:$0x1380] =	vst v0;
	v0 =	vshra.s32 v1, $0x3  }
0x27: {  	[tilespmem:$0x400] =	vst v0;
	v0 =	vand.u32 $0x7, v1;
	v1 =	vld [tilespmem:$0x70]  }
0x28: {  	[tilespmem:$0x1400] =	vst v0;
	v0 =	vshra.s32 v2, $0x3  }
0x29: {  	[tilespmem:$0x480] =	vst v0;
	v0 =	vand.u32 $0x7, v2;
	v2 =	vld [tilespmem:$0x80]  }
0x2a: {  	[tilespmem:$0x1480] =	vst v0;
	v0 =	vshra.s32 v3, $0x3  }
0x2b: {  	[tilespmem:$0x500] =	vst v0;
	v0 =	vand.u32 $0x7, v3;
	v3 =	vld [tilespmem:$0x90]  }
0x2c: {  	[tilespmem:$0x1500] =	vst v0;
	v0 =	vshra.s32 v1, $0x3  }
0x2d: {  	[tilespmem:$0x580] =	vst v0;
	v0 =	vand.u32 $0x7, v1;
	v1 =	vld [tilespmem:$0xA0]  }
0x2e: {  	[tilespmem:$0x1580] =	vst v0;
	v0 =	vshra.s32 v2, $0x3  }
0x2f: {  	[tilespmem:$0x600] =	vst v0;
	v0 =	vand.u32 $0x7, v2;
	v2 =	vld [tilespmem:$0xB0]  }
0x30: {  	[tilespmem:$0x1600] =	vst v0;
	v0 =	vshra.s32 v3, $0x3  }
0x31: {  	[tilespmem:$0x680] =	vst v0;
	v0 =	vand.u32 $0x7, v3;
	v3 =	vld [tilespmem:$0xC0]  }
0x32: {  	[tilespmem:$0x1680] =	vst v0;
	v0 =	vshra.s32 v1, $0x3  }
0x33: {  	[tilespmem:$0x700] =	vst v0;
	v0 =	vand.u32 $0x7, v1;
	v1 =	vld [tilespmem:$0xD0]  }
0x34: {  	[tilespmem:$0x1700] =	vst v0;
	v0 =	vshra.s32 v2, $0x3  }
0x35: {  	[tilespmem:$0x780] =	vst v0;
	v0 =	vand.u32 $0x7, v2;
	v2 =	vld [tilespmem:$0xE0]  }
0x36: {  	[tilespmem:$0x1780] =	vst v0;
	v0 =	vshra.s32 v3, $0x3  }
0x37: {  	[tilespmem:$0x800] =	vst v0;
	v0 =	vand.u32 $0x7, v3;
	v3 =	vld [tilespmem:$0xF0]  }
0x38: {  	[tilespmem:$0x1800] =	vst v0;
	v0 =	vshra.s32 v1, $0x3  }
0x39: {  	[tilespmem:$0x880] =	vst v0;
	v0 =	vand.u32 $0x7, v1;
	v1 =	vld [tilespmem:$0x100]  }
0x3a: {  	[tilespmem:$0x1880] =	vst v0;
	v0 =	vshra.s32 v2, $0x3  }
0x3b: {  	[tilespmem:$0x900] =	vst v0;
	v0 =	vand.u32 $0x7, v2;
	v2 =	vld [tilespmem:$0x110]  }
0x3c: {  	[tilespmem:$0x1900] =	vst v0;
	v0 =	vshra.s32 v3, $0x3  }
0x3d: {  	[tilespmem:$0x980] =	vst v0;
	v0 =	vand.u32 $0x7, v3;
	v3 =	vld [tilespmem:$0x120]  }
0x3e: {  	[tilespmem:$0x1980] =	vst v0;
	v0 =	vshra.s32 v1, $0x3  }
0x3f: {  	[tilespmem:$0xA00] =	vst v0;
	v0 =	vand.u32 $0x7, v1;
	v1 =	vld [tilespmem:$0x130]  }
0x40: {  	[tilespmem:$0x1A00] =	vst v0;
	v0 =	vshra.s32 v2, $0x3  }
0x41: {  	[tilespmem:$0xA80] =	vst v0;
	v0 =	vand.u32 $0x7, v2;
	v2 =	vld [tilespmem:$0x140]  }
0x42: {  	[tilespmem:$0x1A80] =	vst v0;
	v0 =	vshra.s32 v3, $0x3  }
0x43: {  	[tilespmem:$0xB00] =	vst v0;
	v0 =	vand.u32 $0x7, v3;
	v3 =	vld [tilespmem:$0x150]  }
0x44: {  	[tilespmem:$0x1B00] =	vst v0;
	v0 =	vshra.s32 v1, $0x3  }
0x45: {  	[tilespmem:$0xB80] =	vst v0;
	v0 =	vand.u32 $0x7, v1;
	v1 =	vld [tilespmem:$0x160]  }
0x46: {  	[tilespmem:$0x1B80] =	vst v0;
	v0 =	vshra.s32 v2, $0x3  }
0x47: {  	[tilespmem:$0xC00] =	vst v0;
	v0 =	vand.u32 $0x7, v2;
	v2 =	vld [tilespmem:$0x170]  }
0x48: {  	[tilespmem:$0x1C00] =	vst v0;
	v0 =	vshra.s32 v3, $0x3  }
0x49: {  	[tilespmem:$0xC80] =	vst v0;
	v0 =	vand.u32 $0x7, v3;
	v3 =	vld [tilespmem:$0x180]  }
0x4a: {  	[tilespmem:$0x1C80] =	vst v0;
	v0 =	vshra.s32 v1, $0x3  }
0x4b: {  	[tilespmem:$0xD00] =	vst v0;
	v0 =	vand.u32 $0x7, v1;
	v1 =	vld [tilespmem:$0x190]  }
0x4c: {  	[tilespmem:$0x1D00] =	vst v0;
	v0 =	vshra.s32 v2, $0x3  }
0x4d: {  	[tilespmem:$0xD80] =	vst v0;
	v0 =	vand.u32 $0x7, v2;
	v2 =	vld [tilespmem:$0x1A0]  }
0x4e: {  	[tilespmem:$0x1D80] =	vst v0;
	v0 =	vshra.s32 v3, $0x3  }
0x4f: {  	[tilespmem:$0xE00] =	vst v0;
	v0 =	vand.u32 $0x7, v3;
	v3 =	vld [tilespmem:$0x1B0]  }
0x50: {  	[tilespmem:$0x1E00] =	vst v0;
	v0 =	vshra.s32 v1, $0x3  }
0x51: {  	[tilespmem:$0xE80] =	vst v0;
	v0 =	vand.u32 $0x7, v1;
	v1 =	vld [tilespmem:$0x1C0]  }
0x52: {  	[tilespmem:$0x1E80] =	vst v0;
	v0 =	vshra.s32 v2, $0x3  }
0x53: {  	[tilespmem:$0xF00] =	vst v0;
	v0 =	vand.u32 $0x7, v2;
	v2 =	vld [tilespmem:$0x1D0]  }
0x54: {  	[tilespmem:$0x1F00] =	vst v0;
	v0 =	vshra.s32 v3, $0x3  }
0x55: {  	[tilespmem:$0xF80] =	vst v0;
	v0 =	vand.u32 $0x7, v3;
	v3 =	vld [tilespmem:$0x1E0]  }
0x56: {  	[tilespmem:$0x1F80] =	vst v0;
	v0 =	vshra.s32 v1, $0x3  }
0x57: {  	[tilespmem:$0x1000] =	vst v0;
	v0 =	vand.u32 $0x7, v1;
	v1 =	vld [tilespmem:$0x1F0]  }
0x58: {  	[tilespmem:$0x2000] =	vst v0;
	v0 =	vshra.s32 v2, $0x3  }
0x59: {  	[tilespmem:$0x1080] =	vst v0;
	v0 =	vand.u32 $0x7, v2  }
0x5a: {  	[tilespmem:$0x2080] =	vst v0;
	v0 =	vshra.s32 v3, $0x3  }
0x5b: {  	[tilespmem:$0x1100] =	vst v0;
	v0 =	vand.u32 $0x7, v3  }
0x5c: {  	[tilespmem:$0x2100] =	vst v0;
	v0 =	vshra.s32 v1, $0x3  }
0x5d: {  	[tilespmem:$0x1180] =	vst v0;
	v0 =	vand.u32 $0x7, v1  }
0x5e: {  	s11 =	simm.s32 $0x0;
	[tilespmem:$0x2180] =	vst v0  }
0x5f: {  	v0 =	vld [tilespmem:s11+$0x200];
	_ =	sdelay $0x4  }
0x60: {  	v0 =	vshll.u32 v0, $0x7  }
0x61: {  	(v2sf) =	vpush v0, $0x0  }
0x62: {  	(v2sf) =	vpush v0, $0x1  }
0x63: {  	(v2sf) =	vpush v0, $0x2  }
0x64: {  	s13 =	rddreg [dreg:$0x10]  }
0x65: {  	s14 =	rddreg [dreg:$0xf];
	(v2sf) =	vpush v0, $0x3  }
0x66: {  	s15 =	rddreg [dreg:$0xe]  }
0x67: {  	s16 =	rddreg [dreg:$0xd];
	(v2sf) =	vpush v0, $0x4  }
0x68: {  	s17 =	rddreg [dreg:$0xc]  }
0x69: {  	s18 =	rddreg [dreg:$0xb];
	(v2sf) =	vpush v0, $0x5  }
0x6a: {  	s19 =	rddreg [dreg:$0xa]  }
0x6b: {  	s20 =	rddreg [dreg:$0x9];
	(v2sf) =	vpush v0, $0x6  }
0x6c: {  	s21 =	rddreg [dreg:$0x8]  }
0x6d: {  	s22 =	rddreg [dreg:$0x5];
	(v2sf) =	vpush v0, $0x7  }
0x6e: {  	s23 =	rddreg [dreg:$0x3]  }
0x6f: {  	s24 =	rddreg [dreg:$0x4];
	(v2sf) =	vpush v0, $0x8  }
0x70: {  	s25 =	rddreg [dreg:$0x7];
	s26 =	spop (v2sf)  }
0x71: {  	s28 =	rddreg [dreg:$0x6];
	(v2sf) =	vpush v0, $0x9;
	s26 =	sand.u32 $0x1FFFFF80, s26;
	s29 =	spop (v2sf)  }
0x72: {  	s26 =	sadd.s32 s2, s26;
	s29 =	sand.u32 $0x1FFFFF80, s29;
	s30 =	spop (v2sf)  }
0x73: {  	v1 =	vld [tilespmem:s11+$0x1200];
	(v2sf) =	vpush v0, $0xA;
	[tilespmem:s23], [sflag:$0x1] =	stream.linear.gather [hbm4b:s26+s1], $0x400, $0x38  }
0x74: {  	s26 =	sadd.s32 s2, s29;
	s31 =	sand.u32 $0x1FFFFF80, s30;
	s0 =	spop (v2sf)  }
0x75: {  	(v2sf) =	vpush v0, $0xB;
	[tilespmem:s24], [sflag:$0x1] =	stream.linear.gather [hbm4b:s26+s1], $0x400, $0x38;
	[tilespmem:$0x7200] =	vst v63  }
0x76: {  	s30 =	sadd.s32 s2, s31;
	s31 =	sand.u32 $0x1FFFFF80, s0;
	s0 =	spop (v2sf)  }
0x77: {  	(v2sf) =	vpush v0, $0xC;
	[tilespmem:s22], [sflag:$0x1] =	stream.linear.gather [hbm4b:s30+s1], $0x400, $0x38;
	[tilespmem:$0x7200] =	vst v63  }
0x78: {  	s24 =	sadd.s32 s2, s31;
	s26 =	sand.u32 $0x1FFFFF80, s0;
	s29 =	spop (v2sf)  }
0x79: {  	(v2sf) =	vpush v0, $0xD;
	[tilespmem:s28], [sflag:$0x1] =	stream.linear.gather [hbm4b:s24+s1], $0x400, $0x38;
	[tilespmem:$0x7200] =	vst v63  }
0x7a: {  	s31 =	sand.u32 $0x1FFFFF80, s29;
	s0 =	spop (v2sf);
	s30 =	sadd.s32 s2, s26  }
0x7b: {  	(v2sf) =	vpush v0, $0xE;
	[tilespmem:s25], [sflag:$0x1] =	stream.linear.gather [hbm4b:s30+s1], $0x400, $0x38;
	[tilespmem:$0x7200] =	vst v63  }
0x7c: {  	s23 =	sadd.s32 s2, s31;
	s24 =	sand.u32 $0x1FFFFF80, s0;
	s25 =	spop (v2sf)  }
0x7d: {  	(v2sf) =	vpush v0, $0xF;
	[tilespmem:s21], [sflag:$0x1] =	stream.linear.gather [hbm4b:s23+s1], $0x400, $0x38;
	[tilespmem:$0x7200] =	vst v63  }
0x7e: {  	s26 =	sadd.s32 s2, s24;
	s28 =	sand.u32 $0x1FFFFF80, s25;
	s29 =	spop (v2sf)  }
0x7f: {  	[tilespmem:s20], [sflag:$0x1] =	stream.linear.gather [hbm4b:s26+s1], $0x400, $0x38;
	[tilespmem:$0x7200] =	vst v63  }
0x80: {  	s30 =	sadd.s32 s2, s28;
	s31 =	sand.u32 $0x1FFFFF80, s29;
	s0 =	spop (v2sf)  }
0x81: {  	[tilespmem:s19], [sflag:$0x1] =	stream.linear.gather [hbm4b:s30+s1], $0x400, $0x38;
	[tilespmem:$0x7200] =	vst v63  }
0x82: {  	s23 =	sadd.s32 s2, s31;
	s24 =	sand.u32 $0x1FFFFF80, s0;
	s25 =	spop (v2sf)  }
0x83: {  	[tilespmem:s18], [sflag:$0x1] =	stream.linear.gather [hbm4b:s23+s1], $0x400, $0x38;
	[tilespmem:$0x7200] =	vst v63  }
0x84: {  	s26 =	sadd.s32 s2, s24;
	s28 =	sand.u32 $0x1FFFFF80, s25;
	s29 =	spop (v2sf)  }
0x85: {  	[tilespmem:s17], [sflag:$0x1] =	stream.linear.gather [hbm4b:s26+s1], $0x400, $0x38;
	[tilespmem:$0x7200] =	vst v63  }
0x86: {  	s30 =	sadd.s32 s2, s28;
	s31 =	sand.u32 $0x1FFFFF80, s29;
	s0 =	spop (v2sf)  }
0x87: {  	[tilespmem:s16], [sflag:$0x1] =	stream.linear.gather [hbm4b:s30+s1], $0x400, $0x38;
	[tilespmem:$0x7200] =	vst v63  }
0x88: {  	s18 =	sadd.s32 s2, s31;
	s19 =	sand.u32 $0x1FFFFF80, s0;
	s20 =	spop (v2sf)  }
0x89: {  	[tilespmem:s15], [sflag:$0x1] =	stream.linear.gather [hbm4b:s18+s1], $0x400, $0x38;
	[tilespmem:$0x7200] =	vst v63  }
0x8a: {  	s21 =	sadd.s32 s2, s19;
	s22 =	sand.u32 $0x1FFFFF80, s20;
	s23 =	spop (v2sf)  }
0x8b: {  	[tilespmem:s14], [sflag:$0x1] =	stream.linear.gather [hbm4b:s21+s1], $0x400, $0x38;
	[tilespmem:$0x7200] =	vst v63  }
0x8c: {  	s24 =	sadd.s32 s2, s22;
	s25 =	sand.u32 $0x1FFFFF80, s23;
	s26 =	spop (v2sf)  }
0x8d: {  	[tilespmem:s13], [sflag:$0x1] =	stream.linear.gather [hbm4b:s24+s1], $0x400, $0x38;
	[tilespmem:$0x7200] =	vst v63  }
0x8e: {  	s12 =	rddreg [dreg:$0x11];
	s28 =	sadd.s32 s2, s25;
	s29 =	sand.u32 $0x1FFFFF80, s26  }
0x8f: {  	[tilespmem:s12], [sflag:$0x1] =	stream.linear.gather [hbm4b:s28+s1], $0x400, $0x38;
	[tilespmem:$0x7200] =	vst v63  }
0x90: {  	s30 =	rddreg [dreg:$0x12];
	s31 =	sadd.s32 s2, s29  }
0x91: {  	[tilespmem:s30], [sflag:$0x1] =	stream.linear.gather [hbm4b:s31+s1], $0x400, $0x38;
	[tilespmem:$0x7200] =	vst v63  }
0x92: {  	_ =	swait.ge [sflag:s8], $0x400  }
0x93: {  	[sflag:s8] =	ssyncset.done $0x0  }
0x94: {  	[sflag:s8] =	ssyncadd.s32 $0xFFFFFC00  }
0x95: {  	_ =	swait.ge [sflag:s8], $0x400  }
0x96: {  	[sflag:s8] =	ssyncset.done $0x0  }
0x97: {  	[sflag:s8] =	ssyncadd.s32 $0xFFFFFC00  }
0x98: {  	_ =	swait.ge [sflag:s8], $0x400  }
0x99: {  	[sflag:s8] =	ssyncset.done $0x0  }
0x9a: {  	[sflag:s8] =	ssyncadd.s32 $0xFFFFFC00  }
0x9b: {  	_ =	swait.ge [sflag:s8], $0x400  }
0x9c: {  	[sflag:s8] =	ssyncset.done $0x0  }
0x9d: {  	[sflag:s8] =	ssyncadd.s32 $0xFFFFFC00  }
0x9e: {  	_ =	swait.ge [sflag:s8], $0x400  }
0x9f: {  	[sflag:s8] =	ssyncset.done $0x0  }
0xa0: {  	[sflag:s8] =	ssyncadd.s32 $0xFFFFFC00  }
0xa1: {  	_ =	swait.ge [sflag:s8], $0x400  }
0xa2: {  	[sflag:s8] =	ssyncset.done $0x0  }
0xa3: {  	[sflag:s8] =	ssyncadd.s32 $0xFFFFFC00  }
0xa4: {  	_ =	swait.ge [sflag:s8], $0x400  }
0xa5: {  	[sflag:s8] =	ssyncset.done $0x0  }
0xa6: {  	[sflag:s8] =	ssyncadd.s32 $0xFFFFFC00  }
0xa7: {  	_ =	swait.ge [sflag:s8], $0x400  }
0xa8: {  	[sflag:s8] =	ssyncset.done $0x0  }
0xa9: {  	[sflag:s8] =	ssyncadd.s32 $0xFFFFFC00  }
0xaa: {  	_ =	swait.ge [sflag:s8], $0x400  }
0xab: {  	v0 =	vshll.u32 v1, $0x9;
	[sflag:s8] =	ssyncset.done $0x0  }
0xac: {  	v0 =	vshra.s32 v0, $0x2;
	s13 =	simm.s32 $0x400;
	s12 =	simm.s32 $0x80;
	[sflag:s8] =	ssyncadd.s32 $0xFFFFFC00  }
.LBB2_2:
0xad: {  	_ =	swait.ge [sflag:s8], $0x400  }
0xae: {  	[sflag:s8] =	ssyncset.done $0x0  }
0xaf: {  	[sflag:s8] =	ssyncadd.s32 $0xFFFFFC00  }
0xb0: {  	_ =	swait.ge [sflag:s8], $0x400  }
0xb1: {  	[sflag:s8] =	ssyncset.done $0x0  }
0xb2: {  	(v2sf) =	vpush v0, $0xF;
	[sflag:s8] =	ssyncadd.s32 $0xFFFFFC00  }
0xb3: {  	_ =	swait.ge [sflag:s8], $0x400  }
0xb4: {  	(v2sf) =	vpush v0, $0xA  }
0xb5: {  	[sflag:s8] =	ssyncset.done $0x0;
	(v2sf) =	vpush v0, $0x6  }
0xb6: {  	[sflag:s8] =	ssyncadd.s32 $0xFFFFFC00;
	(v2sf) =	vpush v0, $0x2  }
0xb7: {  	_ =	swait.ge [sflag:s8], $0x400  }
0xb8: {  	(v2sf) =	vpush v0, $0x9  }
0xb9: {  	[sflag:s8] =	ssyncset.done $0x0;
	(v2sf) =	vpush v0, $0x3  }
0xba: {  	[sflag:s8] =	ssyncadd.s32 $0xFFFFFC00;
	(v2sf) =	vpush v0, $0x7  }
0xbb: {  	_ =	swait.ge [sflag:s8], $0x400  }
0xbc: {  	(v2sf) =	vpush v0, $0xB  }
0xbd: {  	[sflag:s8] =	ssyncset.done $0x0;
	(v2sf) =	vpush v0, $0xC  }
0xbe: {  	[sflag:s8] =	ssyncadd.s32 $0xFFFFFC00;
	(v2sf) =	vpush v0, $0x5  }
0xbf: {  	_ =	swait.ge [sflag:s8], $0x400  }
0xc0: {  	(v2sf) =	vpush v0, $0x4;
	[sflag:s8] =	ssyncset.done $0x0  }
0xc1: {  	[sflag:s8] =	ssyncadd.s32 $0xFFFFFC00;
	(v2sf) =	vpush v0, $0x8  }
0xc2: {  	_ =	swait.ge [sflag:s8], $0x400  }
0xc3: {  	[sflag:s8] =	ssyncset.done $0x0  }
0xc4: {  	(v2sf) =	vpush v0, $0x1;
	s20 =	spop (v2sf);
	[sflag:s8] =	ssyncadd.s32 $0xFFFFFC00  }
0xc5: {  	(v2sf) =	vpush v0, $0xD;
	s16 =	spop (v2sf);
	v2 =	vld [tilespmem:s20+$0x5E10]  }
0xc6: {  	v3 =	vld [tilespmem:s16+$0x4A10]  }
0xc7: {  	(v2sf) =	vpush v0, $0x0;
	v1 =	vld [tilespmem:s12+$0x200]  }
0xc8: {  	v55 =	vld [tilespmem:s16+$0x4A00]  }
0xc9: {  	s15 =	spop (v2sf);
	v63 =	vld [tilespmem:s20+$0x5E00]  }
0xca: {  	v4 =	vld [tilespmem:s15+$0x3A00];
	s21 =	spop (v2sf)  }
0xcb: {  	v51 =	vld [tilespmem:s15+$0x3A10];
	s17 =	spop (v2sf)  }
0xcc: {  	v5 =	vld [tilespmem:s21+$0x2A00];
	s22 =	spop (v2sf)  }
0xcd: {  	v13 =	vld [tilespmem:s21+$0x2A10];
	s23 =	spop (v2sf)  }
0xce: {  	v6 =	vld [tilespmem:s17+$0x4610];
	s18 =	spop (v2sf)  }
0xcf: {  	v56 =	vld [tilespmem:s17+$0x4600];
	s19 =	spop (v2sf)  }
0xd0: {  	v7 =	vld [tilespmem:s22+$0x2E00];
	s24 =	spop (v2sf)  }
0xd1: {  	v19 =	vld [tilespmem:s22+$0x2E10];
	s25 =	spop (v2sf)  }
0xd2: {  	v8 =	vld [tilespmem:s23+$0x3E00];
	s29 =	spop (v2sf)  }
0xd3: {  	v52 =	vld [tilespmem:s23+$0x3E10];
	s26 =	spop (v2sf)  }
0xd4: {  	v9 =	vld [tilespmem:s18+$0x4E00];
	s30 =	spop (v2sf);
	(v2sf) =	vpush v0, $0xE  }
0xd5: {  	v15 =	vld [tilespmem:s26+$0x2600]  }
0xd6: {  	v16 =	vld [tilespmem:s26+$0x2610];
	s28 =	spop (v2sf)  }
0xd7: {  	v17 =	vld [tilespmem:s28+$0x2210]  }
0xd8: {  	v18 =	vld [tilespmem:s28+$0x2200]  }
0xd9: {  	v1 =	vshll.u32 v1, $0x7;
	v21 =	vld [tilespmem:s24+$0x3610]  }
0xda: {  	v20 =	vld [tilespmem:s25+$0x3210];
	(v2sf) =	vpush v1, $0x0  }
0xdb: {  	v12 =	vld [tilespmem:s25+$0x3200];
	(v2sf) =	vpush v1, $0x1  }
0xdc: {  	v11 =	vld [tilespmem:s24+$0x3600];
	v16 =	vmax.f32 v17, v16  }
0xdd: {  	v57 =	vld [tilespmem:s18+$0x4E10];
	(v2sf) =	vpush v1, $0x2;
	v15 =	vmax.f32 v18, v15;
	v13 =	vmax.f32 v16, v13  }
0xde: {  	s16 =	rddreg [dreg:$0x10];
	v53 =	vld [tilespmem:s29+$0x4210];
	v5 =	vmax.f32 v15, v5;
	v13 =	vmax.f32 v13, v19  }
0xdf: {  	s20 =	rddreg [dreg:$0x9];
	v14 =	vld [tilespmem:s29+$0x4200];
	(v2sf) =	vpush v1, $0x3;
	v5 =	vmax.f32 v5, v7;
	v54 =	vmax.f32 v13, v20  }
0xe0: {  	s21 =	rddreg [dreg:$0xc];
	v10 =	vld [tilespmem:s19+$0x5200];
	v5 =	vmax.f32 v5, v12;
	v7 =	vmax.f32 v54, v21  }
0xe1: {  	s17 =	rddreg [dreg:$0xf];
	v59 =	vld [tilespmem:s19+$0x5210];
	(v2sf) =	vpush v1, $0x4;
	v5 =	vmax.f32 v5, v11;
	v7 =	vmax.f32 v7, v51  }
0xe2: {  	s22 =	rddreg [dreg:$0xb];
	v0 =	vld [tilespmem:s30+$0x5600];
	v4 =	vmax.f32 v5, v4;
	v58 =	vmax.f32 v7, v52  }
0xe3: {  	s23 =	rddreg [dreg:$0xa];
	v60 =	vld [tilespmem:s30+$0x5610];
	v4 =	vmax.f32 v4, v8;
	v5 =	vmax.f32 v58, v53;
	s31 =	spop (v2sf);
	(v2sf) =	vpush v1, $0x5  }
0xe4: {  	s18 =	rddreg [dreg:$0xe];
	v4 =	vmax.f32 v4, v14;
	v5 =	vmax.f32 v5, v6;
	v61 =	vld [tilespmem:s31+$0x5A10]  }
0xe5: {  	s19 =	rddreg [dreg:$0xd];
	v4 =	vmax.f32 v4, v56;
	v3 =	vmax.f32 v5, v3;
	v62 =	vld [tilespmem:s31+$0x5A00];
	(v2sf) =	vpush v1, $0x6  }
0xe6: {  	s24 =	rddreg [dreg:$0x8];
	v4 =	vmax.f32 v4, v55;
	v3 =	vmax.f32 v3, v57  }
0xe7: {  	s25 =	rddreg [dreg:$0x5];
	v4 =	vmax.f32 v4, v9;
	(v2sf) =	vpush v1, $0x7;
	v3 =	vmax.f32 v3, v59  }
0xe8: {  	s29 =	rddreg [dreg:$0x7];
	v4 =	vmax.f32 v4, v10;
	v3 =	vmax.f32 v3, v60  }
0xe9: {  	s26 =	rddreg [dreg:$0x3];
	s30 =	spop (v2sf);
	(v2sf) =	vpush v1, $0x8;
	v0 =	vmax.f32 v4, v0;
	v3 =	vmax.f32 v3, v61  }
0xea: {  	s28 =	rddreg [dreg:$0x4];
	s31 =	spop (v2sf);
	v0 =	vmax.f32 v0, v62;
	v2 =	vmax.f32 v3, v2  }
0xeb: {  	s0 =	sand.u32 $0x1FFFFF80, s30;
	s30 =	rddreg [dreg:$0x6];
	s31 =	sand.u32 $0x1FFFFF80, s31;
	(v2sf) =	vpush v1, $0x9;
	v0 =	vmax.f32 v0, v63;
	[tilespmem:s11+$0x6210] =	vst v2  }
0xec: {  	v2 =	vld [tilespmem:s12+$0x1200];
	[tilespmem:s11+$0x6200] =	vst v0;
	s11 =	smov.u32 s12;
	s12 =	sadd.s32 s2, s0;
	s0 =	spop (v2sf)  }
0xed: {  	(v2sf) =	vpush v1, $0xA;
	[tilespmem:s26], [sflag:$0x1] =	stream.linear.gather [hbm4b:s12+s1], $0x400, $0x38;
	[tilespmem:$0x7200] =	vst v63  }
0xee: {  	s26 =	sadd.s32 s2, s31;
	s0 =	sand.u32 $0x1FFFFF80, s0;
	s31 =	spop (v2sf)  }
0xef: {  	(v2sf) =	vpush v1, $0xB;
	[tilespmem:s28], [sflag:$0x1] =	stream.linear.gather [hbm4b:s26+s1], $0x400, $0x38;
	[tilespmem:$0x7200] =	vst v63  }
0xf0: {  	s0 =	sadd.s32 s2, s0;
	s28 =	sand.u32 $0x1FFFFF80, s31;
	s31 =	spop (v2sf)  }
0xf1: {  	(v2sf) =	vpush v1, $0xC;
	[tilespmem:s25], [sflag:$0x1] =	stream.linear.gather [hbm4b:s0+s1], $0x400, $0x38;
	[tilespmem:$0x7200] =	vst v63  }
0xf2: {  	s25 =	sadd.s32 s2, s28;
	s28 =	sand.u32 $0x1FFFFF80, s31;
	s31 =	spop (v2sf)  }
0xf3: {  	(v2sf) =	vpush v1, $0xD;
	[tilespmem:s30], [sflag:$0x1] =	stream.linear.gather [hbm4b:s25+s1], $0x400, $0x38;
	[tilespmem:$0x7200] =	vst v63  }
0xf4: {  	s12 =	sadd.s32 s2, s28;
	s26 =	sand.u32 $0x1FFFFF80, s31;
	s28 =	spop (v2sf)  }
0xf5: {  	(v2sf) =	vpush v1, $0xE;
	[tilespmem:s29], [sflag:$0x1] =	stream.linear.gather [hbm4b:s12+s1], $0x400, $0x38;
	[tilespmem:$0x7200] =	vst v63  }
0xf6: {  	s30 =	sand.u32 $0x1FFFFF80, s28;
	s31 =	spop (v2sf);
	s29 =	sadd.s32 s2, s26  }
0xf7: {  	(v2sf) =	vpush v1, $0xF;
	[tilespmem:s24], [sflag:$0x1] =	stream.linear.gather [hbm4b:s29+s1], $0x400, $0x38;
	[tilespmem:$0x7200] =	vst v63  }
0xf8: {  	s26 =	sand.u32 $0x1FFFFF80, s31;
	s28 =	spop (v2sf);
	s24 =	sadd.s32 s2, s30  }
0xf9: {  	[tilespmem:s20], [sflag:$0x1] =	stream.linear.gather [hbm4b:s24+s1], $0x400, $0x38;
	[tilespmem:$0x7200] =	vst v63  }
0xfa: {  	s31 =	spop (v2sf);
	s29 =	sadd.s32 s2, s26;
	s30 =	sand.u32 $0x1FFFFF80, s28  }
0xfb: {  	[tilespmem:s23], [sflag:$0x1] =	stream.linear.gather [hbm4b:s29+s1], $0x400, $0x38;
	[tilespmem:$0x7200] =	vst v63  }
0xfc: {  	s12 =	sadd.s32 s2, s30;
	s23 =	sand.u32 $0x1FFFFF80, s31;
	s24 =	spop (v2sf)  }
0xfd: {  	[tilespmem:s22], [sflag:$0x1] =	stream.linear.gather [hbm4b:s12+s1], $0x400, $0x38;
	[tilespmem:$0x7200] =	vst v63  }
0xfe: {  	s25 =	sadd.s32 s2, s23;
	s26 =	sand.u32 $0x1FFFFF80, s24;
	s28 =	spop (v2sf)  }
0xff: {  	[tilespmem:s21], [sflag:$0x1] =	stream.linear.gather [hbm4b:s25+s1], $0x400, $0x38;
	[tilespmem:$0x7200] =	vst v63  }
0x100: {  	s29 =	sadd.s32 s2, s26;
	s30 =	sand.u32 $0x1FFFFF80, s28;
	s31 =	spop (v2sf)  }
0x101: {  	[tilespmem:s19], [sflag:$0x1] =	stream.linear.gather [hbm4b:s29+s1], $0x400, $0x38;
	[tilespmem:$0x7200] =	vst v63  }
0x102: {  	s12 =	sadd.s32 s2, s30;
	s19 =	sand.u32 $0x1FFFFF80, s31;
	s20 =	spop (v2sf)  }
0x103: {  	[tilespmem:s18], [sflag:$0x1] =	stream.linear.gather [hbm4b:s12+s1], $0x400, $0x38;
	[tilespmem:$0x7200] =	vst v63  }
0x104: {  	s21 =	sadd.s32 s2, s19;
	s22 =	sand.u32 $0x1FFFFF80, s20;
	s23 =	spop (v2sf)  }
0x105: {  	[tilespmem:s17], [sflag:$0x1] =	stream.linear.gather [hbm4b:s21+s1], $0x400, $0x38;
	[tilespmem:$0x7200] =	vst v63  }
0x106: {  	s24 =	sadd.s32 s2, s22;
	s25 =	sand.u32 $0x1FFFFF80, s23;
	s26 =	spop (v2sf)  }
0x107: {  	[tilespmem:s16], [sflag:$0x1] =	stream.linear.gather [hbm4b:s24+s1], $0x400, $0x38;
	[tilespmem:$0x7200] =	vst v63  }
0x108: {  	s15 =	rddreg [dreg:$0x11];
	s28 =	sadd.s32 s2, s25;
	s29 =	sand.u32 $0x1FFFFF80, s26  }
0x109: {  	[tilespmem:s15], [sflag:$0x1] =	stream.linear.gather [hbm4b:s28+s1], $0x400, $0x38;
	[tilespmem:$0x7200] =	vst v63  }
0x10a: {  	s30 =	rddreg [dreg:$0x12];
	s31 =	sadd.s32 s2, s29  }
0x10b: {  	[tilespmem:s30], [sflag:$0x1] =	stream.linear.gather [hbm4b:s31+s1], $0x400, $0x38;
	[tilespmem:$0x7200] =	vst v63  }
0x10c: {  	_ =	swait.ge [sflag:s8], $0x400  }
0x10d: {  	[sflag:s8] =	ssyncset.done $0x0  }
0x10e: {  	[sflag:s8] =	ssyncadd.s32 $0xFFFFFC00  }
0x10f: {  	_ =	swait.ge [sflag:s8], $0x400  }
0x110: {  	[sflag:s8] =	ssyncset.done $0x0  }
0x111: {  	[sflag:s8] =	ssyncadd.s32 $0xFFFFFC00  }
0x112: {  	_ =	swait.ge [sflag:s8], $0x400  }
0x113: {  	[sflag:s8] =	ssyncset.done $0x0  }
0x114: {  	[sflag:s8] =	ssyncadd.s32 $0xFFFFFC00  }
0x115: {  	_ =	swait.ge [sflag:s8], $0x400  }
0x116: {  	[sflag:s8] =	ssyncset.done $0x0  }
0x117: {  	[sflag:s8] =	ssyncadd.s32 $0xFFFFFC00  }
0x118: {  	_ =	swait.ge [sflag:s8], $0x400  }
0x119: {  	[sflag:s8] =	ssyncset.done $0x0  }
0x11a: {  	[sflag:s8] =	ssyncadd.s32 $0xFFFFFC00  }
0x11b: {  	_ =	swait.ge [sflag:s8], $0x400  }
0x11c: {  	[sflag:s8] =	ssyncset.done $0x0  }
0x11d: {  	[sflag:s8] =	ssyncadd.s32 $0xFFFFFC00  }
0x11e: {  	_ =	swait.ge [sflag:s8], $0x400  }
0x11f: {  	[sflag:s8] =	ssyncset.done $0x0  }
0x120: {  	[sflag:s8] =	ssyncadd.s32 $0xFFFFFC00  }
0x121: {  	p0 =	sne.s32 s13, $0x3E00;
	_ =	swait.ge [sflag:s8], $0x400  }
.Ltmp0:
0x122: {  	[sflag:s8] =	ssyncset.done $0x0;
	(pc) =	sbr.rel @p0 .LBB2_2-.Ltmp0, $4  }
0x123: {  	[sflag:s8] =	ssyncadd.s32 $0xFFFFFC00  }
0x124: {  	_ =	swait.ge [sflag:s8], $0x400  }
0x125: {  	s14 =	smov.u32 s13;
	v0 =	vshll.u32 v2, $0x9;
	[sflag:s8] =	ssyncset.done $0x0  }
0x126: {  	s13 =	sadd.s32 $0x200, s13;
	v0 =	vshra.s32 v0, $0x2;
	s12 =	sshra.s32 s14, $0x2;
	[sflag:s8] =	ssyncadd.s32 $0xFFFFFC00  }
0x127: {  	_ =	swait.ge [sflag:s8], $0x400  }
0x128: {  	[sflag:s8] =	ssyncset.done $0x0  }
0x129: {  	[sflag:s8] =	ssyncadd.s32 $0xFFFFFC00  }
0x12a: {  	_ =	swait.ge [sflag:s8], $0x400  }
0x12b: {  	[sflag:s8] =	ssyncset.done $0x0  }
0x12c: {  	(v2sf) =	vpush v0, $0xF;
	[sflag:s8] =	ssyncadd.s32 $0xFFFFFC00  }
0x12d: {  	_ =	swait.ge [sflag:s8], $0x400  }
0x12e: {  	(v2sf) =	vpush v0, $0xA  }
0x12f: {  	[sflag:s8] =	ssyncset.done $0x0;
	(v2sf) =	vpush v0, $0x6  }
0x130: {  	[sflag:s8] =	ssyncadd.s32 $0xFFFFFC00;
	(v2sf) =	vpush v0, $0x2  }
0x131: {  	_ =	swait.ge [sflag:s8], $0x400  }
0x132: {  	(v2sf) =	vpush v0, $0x9  }
0x133: {  	[sflag:s8] =	ssyncset.done $0x0;
	(v2sf) =	vpush v0, $0x3  }
0x134: {  	[sflag:s8] =	ssyncadd.s32 $0xFFFFFC00;
	(v2sf) =	vpush v0, $0x7  }
0x135: {  	_ =	swait.ge [sflag:s8], $0x400  }
0x136: {  	(v2sf) =	vpush v0, $0xB  }
0x137: {  	[sflag:s8] =	ssyncset.done $0x0;
	(v2sf) =	vpush v0, $0xC  }
0x138: {  	[sflag:s8] =	ssyncadd.s32 $0xFFFFFC00;
	(v2sf) =	vpush v0, $0x5  }
0x139: {  	_ =	swait.ge [sflag:s8], $0x400  }
0x13a: {  	(v2sf) =	vpush v0, $0x4;
	[sflag:s8] =	ssyncset.done $0x0  }
0x13b: {  	[sflag:s8] =	ssyncadd.s32 $0xFFFFFC00;
	(v2sf) =	vpush v0, $0x8  }
0x13c: {  	_ =	swait.ge [sflag:s8], $0x400  }
0x13d: {  	[sflag:s8] =	ssyncset.done $0x0  }
0x13e: {  	s17 =	spop (v2sf);
	[sflag:s8] =	ssyncadd.s32 $0xFFFFFC00  }
0x13f: {  	(v2sf) =	vpush v0, $0x1;
	s0 =	spop (v2sf);
	v7 =	vld [tilespmem:s17+$0x5E10]  }
0x140: {  	(v2sf) =	vpush v0, $0xD;
	v8 =	vld [tilespmem:s0+$0x4A10]  }
0x141: {  	(v2sf) =	vpush v0, $0x0;
	v15 =	vld [tilespmem:s12+$0x200]  }
0x142: {  	v22 =	vld [tilespmem:s0+$0x4A00]  }
0x143: {  	s13 =	spop (v2sf);
	v31 =	vld [tilespmem:s17+$0x5E00]  }
0x144: {  	v9 =	vld [tilespmem:s13+$0x3A00]  }
0x145: {  	s14 =	spop (v2sf);
	v62 =	vld [tilespmem:s13+$0x3A10]  }
0x146: {  	s15 =	spop (v2sf);
	v1 =	vld [tilespmem:s14+$0x2A00]  }
0x147: {  	v2 =	vld [tilespmem:s14+$0x2A10];
	s16 =	spop (v2sf)  }
0x148: {  	v10 =	vld [tilespmem:s15+$0x4610];
	s18 =	spop (v2sf)  }
0x149: {  	v23 =	vld [tilespmem:s15+$0x4600];
	s19 =	spop (v2sf)  }
0x14a: {  	v11 =	vld [tilespmem:s16+$0x2E00];
	s20 =	spop (v2sf)  }
0x14b: {  	v18 =	vld [tilespmem:s16+$0x2E10];
	s21 =	spop (v2sf)  }
0x14c: {  	v12 =	vld [tilespmem:s18+$0x3E00];
	s22 =	spop (v2sf)  }
0x14d: {  	v63 =	vld [tilespmem:s18+$0x3E10];
	s23 =	spop (v2sf)  }
0x14e: {  	(v2sf) =	vpush v0, $0xE;
	v13 =	vld [tilespmem:s19+$0x4E00];
	s28 =	spop (v2sf)  }
0x14f: {  	v3 =	vld [tilespmem:s28+$0x2600];
	s24 =	spop (v2sf)  }
0x150: {  	v4 =	vld [tilespmem:s28+$0x2610];
	s29 =	spop (v2sf)  }
0x151: {  	v5 =	vld [tilespmem:s29+$0x2210]  }
0x152: {  	v15 =	vshll.u32 v15, $0x7;
	v6 =	vld [tilespmem:s29+$0x2200]  }
0x153: {  	(v2sf) =	vpush v15, $0x0;
	v20 =	vld [tilespmem:s21+$0x3610]  }
0x154: {  	(v2sf) =	vpush v15, $0x1;
	v19 =	vld [tilespmem:s22+$0x3210]  }
0x155: {  	(v2sf) =	vpush v15, $0x2;
	v16 =	vld [tilespmem:s22+$0x3200]  }
0x156: {  	v61 =	vld [tilespmem:s21+$0x3600];
	(v2sf) =	vpush v15, $0x3;
	v4 =	vmax.f32 v5, v4  }
0x157: {  	v24 =	vld [tilespmem:s19+$0x4E10];
	(v2sf) =	vpush v15, $0x4;
	v3 =	vmax.f32 v6, v3;
	v2 =	vmax.f32 v4, v2  }
0x158: {  	v21 =	vld [tilespmem:s23+$0x4210];
	v1 =	vmax.f32 v3, v1;
	v2 =	vmax.f32 v2, v18  }
0x159: {  	v17 =	vld [tilespmem:s23+$0x4200];
	(v2sf) =	vpush v15, $0x5;
	v1 =	vmax.f32 v1, v11;
	v2 =	vmax.f32 v2, v19  }
0x15a: {  	v14 =	vld [tilespmem:s20+$0x5200];
	v1 =	vmax.f32 v1, v16;
	v2 =	vmax.f32 v2, v20  }
0x15b: {  	s31 =	rddreg [dreg:$0x3];
	v26 =	vld [tilespmem:s20+$0x5210];
	(v2sf) =	vpush v15, $0x6;
	v0 =	vmax.f32 v1, v61;
	v2 =	vmax.f32 v2, v62  }
0x15c: {  	s25 =	rddreg [dreg:$0x4];
	v27 =	vld [tilespmem:s24+$0x5610];
	v0 =	vmax.f32 v0, v9;
	v25 =	vmax.f32 v2, v63  }
0x15d: {  	s17 =	rddreg [dreg:$0xd];
	v29 =	vld [tilespmem:s24+$0x5600];
	(v2sf) =	vpush v15, $0x7;
	s30 =	spop (v2sf);
	v0 =	vmax.f32 v0, v12;
	v1 =	vmax.f32 v25, v21  }
0x15e: {  	s14 =	rddreg [dreg:$0x10];
	v28 =	vld [tilespmem:s30+$0x5A10];
	v0 =	vmax.f32 v0, v17;
	v1 =	vmax.f32 v1, v10  }
0x15f: {  	s15 =	rddreg [dreg:$0xf];
	(v2sf) =	vpush v15, $0x8;
	v30 =	vld [tilespmem:s30+$0x5A00];
	v0 =	vmax.f32 v0, v23;
	v1 =	vmax.f32 v1, v8  }
0x160: {  	s16 =	rddreg [dreg:$0xe];
	v0 =	vmax.f32 v0, v22;
	v1 =	vmax.f32 v1, v24  }
0x161: {  	s18 =	rddreg [dreg:$0xc];
	v0 =	vmax.f32 v0, v13;
	v1 =	vmax.f32 v1, v26  }
0x162: {  	s19 =	rddreg [dreg:$0xb];
	s23 =	spop (v2sf);
	v0 =	vmax.f32 v0, v14;
	v1 =	vmax.f32 v1, v27  }
0x163: {  	s21 =	rddreg [dreg:$0xa];
	s24 =	spop (v2sf);
	v0 =	vmax.f32 v0, v29;
	v1 =	vmax.f32 v1, v28  }
0x164: {  	s29 =	rddreg [dreg:$0x5];
	s20 =	sand.u32 $0x1FFFFF80, s23;
	s30 =	spop (v2sf);
	v0 =	vmax.f32 v0, v30;
	v1 =	vmax.f32 v1, v7  }
0x165: {  	(v2sf) =	vpush v15, $0x9;
	s26 =	sadd.s32 s2, s20;
	s28 =	sand.u32 $0x1FFFFF80, s24;
	s23 =	spop (v2sf);
	v0 =	vmax.f32 v0, v31;
	[tilespmem:s11+$0x6210] =	vst v1  }
0x166: {  	s20 =	sadd.s32 s2, s28;
	s22 =	sand.u32 $0x1FFFFF80, s23;
	s24 =	spop (v2sf);
	v1 =	vld [tilespmem:s12+$0x1200];
	[tilespmem:s11+$0x6200] =	vst v0  }
0x167: {  	(v2sf) =	vpush v15, $0xA;
	[tilespmem:s31], [sflag:$0x1] =	stream.linear.gather [hbm4b:s26+s1], $0x400, $0x38;
	[tilespmem:$0x7200] =	vst v63  }
0x168: {  	s28 =	sand.u32 $0x1FFFFF80, s24;
	s11 =	sand.u32 $0x1FFFFF80, s30;
	s30 =	spop (v2sf)  }
0x169: {  	(v2sf) =	vpush v15, $0xB;
	[tilespmem:s25], [sflag:$0x1] =	stream.linear.gather [hbm4b:s20+s1], $0x400, $0x38;
	[tilespmem:$0x7200] =	vst v63  }
0x16a: {  	s31 =	rddreg [dreg:$0x6];
	s11 =	sadd.s32 s2, s11;
	s23 =	spop (v2sf)  }
0x16b: {  	(v2sf) =	vpush v15, $0xC;
	[tilespmem:s29], [sflag:$0x1] =	stream.linear.gather [hbm4b:s11+s1], $0x400, $0x38;
	[tilespmem:$0x7200] =	vst v63  }
0x16c: {  	s26 =	sadd.s32 s2, s22;
	s22 =	sadd.s32 s2, s28;
	s24 =	spop (v2sf)  }
0x16d: {  	(v2sf) =	vpush v15, $0xD;
	[tilespmem:s31], [sflag:$0x1] =	stream.linear.gather [hbm4b:s26+s1], $0x400, $0x38;
	[tilespmem:$0x7200] =	vst v63  }
0x16e: {  	s25 =	rddreg [dreg:$0x7];
	s20 =	sand.u32 $0x1FFFFF80, s30;
	s28 =	spop (v2sf)  }
0x16f: {  	(v2sf) =	vpush v15, $0xE;
	[tilespmem:s25], [sflag:$0x1] =	stream.linear.gather [hbm4b:s22+s1], $0x400, $0x38;
	[tilespmem:$0x7200] =	vst v63  }
0x170: {  	s20 =	sadd.s32 s2, s20;
	s29 =	rddreg [dreg:$0x8];
	s22 =	sand.u32 $0x1FFFFF80, s23  }
0x171: {  	(v2sf) =	vpush v15, $0xF;
	[tilespmem:s29], [sflag:$0x1] =	stream.linear.gather [hbm4b:s20+s1], $0x400, $0x38;
	[tilespmem:$0x7200] =	vst v63  }
0x172: {  	s31 =	rddreg [dreg:$0x9];
	s26 =	sand.u32 $0x1FFFFF80, s24;
	s25 =	sadd.s32 s2, s22  }
0x173: {  	[tilespmem:s31], [sflag:$0x1] =	stream.linear.gather [hbm4b:s25+s1], $0x400, $0x38;
	[tilespmem:$0x7200] =	vst v63  }
0x174: {  	s30 =	sand.u32 $0x1FFFFF80, s28;
	s29 =	sadd.s32 s2, s26;
	s31 =	spop (v2sf)  }
0x175: {  	[tilespmem:s21], [sflag:$0x1] =	stream.linear.gather [hbm4b:s29+s1], $0x400, $0x38;
	[tilespmem:$0x7200] =	vst v63  }
0x176: {  	s22 =	sadd.s32 s2, s30;
	s23 =	sand.u32 $0x1FFFFF80, s31;
	s24 =	spop (v2sf)  }
0x177: {  	[tilespmem:s19], [sflag:$0x1] =	stream.linear.gather [hbm4b:s22+s1], $0x400, $0x38;
	[tilespmem:$0x7200] =	vst v63  }
0x178: {  	s25 =	sadd.s32 s2, s23;
	s26 =	sand.u32 $0x1FFFFF80, s24;
	s28 =	spop (v2sf)  }
0x179: {  	[tilespmem:s18], [sflag:$0x1] =	stream.linear.gather [hbm4b:s25+s1], $0x400, $0x38;
	[tilespmem:$0x7200] =	vst v63  }
0x17a: {  	s29 =	sadd.s32 s2, s26;
	s30 =	sand.u32 $0x1FFFFF80, s28;
	s31 =	spop (v2sf)  }
0x17b: {  	[tilespmem:s17], [sflag:$0x1] =	stream.linear.gather [hbm4b:s29+s1], $0x400, $0x38;
	[tilespmem:$0x7200] =	vst v63  }
0x17c: {  	s19 =	sadd.s32 s2, s30;
	s20 =	sand.u32 $0x1FFFFF80, s31;
	s21 =	spop (v2sf)  }
0x17d: {  	[tilespmem:s16], [sflag:$0x1] =	stream.linear.gather [hbm4b:s19+s1], $0x400, $0x38;
	[tilespmem:$0x7200] =	vst v63  }
0x17e: {  	s22 =	sadd.s32 s2, s20;
	s23 =	sand.u32 $0x1FFFFF80, s21;
	s24 =	spop (v2sf)  }
0x17f: {  	[tilespmem:s15], [sflag:$0x1] =	stream.linear.gather [hbm4b:s22+s1], $0x400, $0x38;
	[tilespmem:$0x7200] =	vst v63  }
0x180: {  	s25 =	sadd.s32 s2, s23;
	s26 =	sand.u32 $0x1FFFFF80, s24;
	s28 =	spop (v2sf)  }
0x181: {  	[tilespmem:s14], [sflag:$0x1] =	stream.linear.gather [hbm4b:s25+s1], $0x400, $0x38;
	[tilespmem:$0x7200] =	vst v63  }
0x182: {  	s13 =	rddreg [dreg:$0x11];
	s30 =	sand.u32 $0x1FFFFF80, s28;
	s29 =	sadd.s32 s2, s26  }
0x183: {  	[tilespmem:s13], [sflag:$0x1] =	stream.linear.gather [hbm4b:s29+s1], $0x400, $0x38;
	[tilespmem:$0x7200] =	vst v63  }
0x184: {  	s31 =	rddreg [dreg:$0x12];
	s13 =	sadd.s32 s2, s30  }
0x185: {  	[tilespmem:s31], [sflag:$0x1] =	stream.linear.gather [hbm4b:s13+s1], $0x400, $0x38;
	[tilespmem:$0x7200] =	vst v63  }
0x186: {  	_ =	swait.ge [sflag:s8], $0x400  }
0x187: {  	[sflag:s8] =	ssyncset.done $0x0  }
0x188: {  	[sflag:s8] =	ssyncadd.s32 $0xFFFFFC00  }
0x189: {  	_ =	swait.ge [sflag:s8], $0x400  }
0x18a: {  	[sflag:s8] =	ssyncset.done $0x0  }
0x18b: {  	[sflag:s8] =	ssyncadd.s32 $0xFFFFFC00  }
0x18c: {  	_ =	swait.ge [sflag:s8], $0x400  }
0x18d: {  	[sflag:s8] =	ssyncset.done $0x0  }
0x18e: {  	[sflag:s8] =	ssyncadd.s32 $0xFFFFFC00  }
0x18f: {  	_ =	swait.ge [sflag:s8], $0x400  }
0x190: {  	[sflag:s8] =	ssyncset.done $0x0  }
0x191: {  	[sflag:s8] =	ssyncadd.s32 $0xFFFFFC00  }
0x192: {  	_ =	swait.ge [sflag:s8], $0x400  }
0x193: {  	[sflag:s8] =	ssyncset.done $0x0  }
0x194: {  	[sflag:s8] =	ssyncadd.s32 $0xFFFFFC00  }
0x195: {  	_ =	swait.ge [sflag:s8], $0x400  }
0x196: {  	[sflag:s8] =	ssyncset.done $0x0  }
0x197: {  	[sflag:s8] =	ssyncadd.s32 $0xFFFFFC00  }
0x198: {  	_ =	swait.ge [sflag:s8], $0x400  }
0x199: {  	[sflag:s8] =	ssyncset.done $0x0  }
0x19a: {  	[sflag:s8] =	ssyncadd.s32 $0xFFFFFC00  }
0x19b: {  	_ =	swait.ge [sflag:s8], $0x400  }
0x19c: {  	[sflag:s8] =	ssyncset.done $0x0  }
0x19d: {  	[sflag:s8] =	ssyncadd.s32 $0xFFFFFC00  }
0x19e: {  	_ =	swait.ge [sflag:s8], $0x400  }
0x19f: {  	[sflag:s8] =	ssyncset.done $0x0  }
0x1a0: {  	[sflag:s8] =	ssyncadd.s32 $0xFFFFFC00  }
0x1a1: {  	_ =	swait.ge [sflag:s8], $0x400  }
0x1a2: {  	[sflag:s8] =	ssyncset.done $0x0  }
0x1a3: {  	[sflag:s8] =	ssyncadd.s32 $0xFFFFFC00  }
0x1a4: {  	v32 =	vshll.u32 v1, $0x9;
	_ =	swait.ge [sflag:s8], $0x400  }
0x1a5: {  	v0 =	vshra.s32 v32, $0x2;
	[sflag:s8] =	ssyncset.done $0x0  }
0x1a6: {  	(v2sf) =	vpush v0, $0xF;
	[sflag:s8] =	ssyncadd.s32 $0xFFFFFC00  }
0x1a7: {  	_ =	swait.ge [sflag:s8], $0x400  }
0x1a8: {  	(v2sf) =	vpush v0, $0xA  }
0x1a9: {  	[sflag:s8] =	ssyncset.done $0x0;
	(v2sf) =	vpush v0, $0x6  }
0x1aa: {  	[sflag:s8] =	ssyncadd.s32 $0xFFFFFC00;
	(v2sf) =	vpush v0, $0x2  }
0x1ab: {  	_ =	swait.ge [sflag:s8], $0x400  }
0x1ac: {  	(v2sf) =	vpush v0, $0x9  }
0x1ad: {  	[sflag:s8] =	ssyncset.done $0x0;
	(v2sf) =	vpush v0, $0x3  }
0x1ae: {  	[sflag:s8] =	ssyncadd.s32 $0xFFFFFC00;
	(v2sf) =	vpush v0, $0x7  }
0x1af: {  	_ =	swait.ge [sflag:s8], $0x400  }
0x1b0: {  	(v2sf) =	vpush v0, $0xB  }
0x1b1: {  	[sflag:s8] =	ssyncset.done $0x0;
	(v2sf) =	vpush v0, $0xC  }
0x1b2: {  	[sflag:s8] =	ssyncadd.s32 $0xFFFFFC00;
	(v2sf) =	vpush v0, $0x5  }
0x1b3: {  	_ =	swait.ge [sflag:s8], $0x400  }
0x1b4: {  	(v2sf) =	vpush v0, $0x4;
	[sflag:s8] =	ssyncset.done $0x0  }
0x1b5: {  	[sflag:s8] =	ssyncadd.s32 $0xFFFFFC00;
	(v2sf) =	vpush v0, $0x8  }
0x1b6: {  	_ =	swait.ge [sflag:s8], $0x400  }
0x1b7: {  	(v2sf) =	vpush v0, $0x1;
	s11 =	spop (v2sf);
	[sflag:s8] =	ssyncset.done $0x0  }
0x1b8: {  	(v2sf) =	vpush v0, $0xD;
	s15 =	spop (v2sf);
	[sflag:s8] =	ssyncadd.s32 $0xFFFFFC00  }
0x1b9: {  	(v2sf) =	vpush v0, $0x0;
	v51 =	vld [tilespmem:s15+$0x4A10]  }
0x1ba: {  	v52 =	vld [tilespmem:s15+$0x4A00]  }
0x1bb: {  	s22 =	spop (v2sf);
	v62 =	vld [tilespmem:s11+$0x5E10]  }
0x1bc: {  	v45 =	vld [tilespmem:s22+$0x3A00]  }
0x1bd: {  	s30 =	spop (v2sf);
	v46 =	vld [tilespmem:s22+$0x3A10]  }
0x1be: {  	s31 =	spop (v2sf);
	v33 =	vld [tilespmem:s30+$0x2A00]  }
0x1bf: {  	v34 =	vld [tilespmem:s30+$0x2A10];
	s17 =	spop (v2sf)  }
0x1c0: {  	v53 =	vld [tilespmem:s31+$0x4610];
	s18 =	spop (v2sf)  }
0x1c1: {  	v21 =	vld [tilespmem:s31+$0x4600];
	s19 =	spop (v2sf)  }
0x1c2: {  	v39 =	vld [tilespmem:s17+$0x2E00];
	s23 =	spop (v2sf)  }
0x1c3: {  	v40 =	vld [tilespmem:s17+$0x2E10];
	s24 =	spop (v2sf)  }
0x1c4: {  	v47 =	vld [tilespmem:s18+$0x3E00];
	s25 =	spop (v2sf)  }
0x1c5: {  	v48 =	vld [tilespmem:s18+$0x3E10];
	s26 =	spop (v2sf)  }
0x1c6: {  	(v2sf) =	vpush v0, $0xE;
	v54 =	vld [tilespmem:s19+$0x4E00];
	s28 =	spop (v2sf)  }
0x1c7: {  	v35 =	vld [tilespmem:s28+$0x2600];
	s29 =	spop (v2sf)  }
0x1c8: {  	v36 =	vld [tilespmem:s28+$0x2610];
	s30 =	spop (v2sf)  }
0x1c9: {  	v37 =	vld [tilespmem:s30+$0x2210]  }
0x1ca: {  	v38 =	vld [tilespmem:s30+$0x2200]  }
0x1cb: {  	v44 =	vld [tilespmem:s24+$0x3610]  }
0x1cc: {  	v42 =	vld [tilespmem:s25+$0x3210]  }
0x1cd: {  	v41 =	vld [tilespmem:s25+$0x3200]  }
0x1ce: {  	v43 =	vld [tilespmem:s24+$0x3600];
	v4 =	vmax.f32 v37, v36  }
0x1cf: {  	v55 =	vld [tilespmem:s19+$0x4E10];
	v3 =	vmax.f32 v38, v35;
	v2 =	vmax.f32 v4, v34  }
0x1d0: {  	v50 =	vld [tilespmem:s26+$0x4210];
	v1 =	vmax.f32 v3, v33;
	v2 =	vmax.f32 v2, v40  }
0x1d1: {  	v49 =	vld [tilespmem:s26+$0x4200];
	v1 =	vmax.f32 v1, v39;
	v2 =	vmax.f32 v2, v42  }
0x1d2: {  	v56 =	vld [tilespmem:s23+$0x5200];
	v1 =	vmax.f32 v1, v41;
	v2 =	vmax.f32 v2, v44  }
0x1d3: {  	v57 =	vld [tilespmem:s23+$0x5210];
	v1 =	vmax.f32 v1, v43;
	v0 =	vmax.f32 v2, v46  }
0x1d4: {  	v58 =	vld [tilespmem:s29+$0x5600];
	v1 =	vmax.f32 v1, v45;
	v0 =	vmax.f32 v0, v48  }
0x1d5: {  	v59 =	vld [tilespmem:s29+$0x5610];
	s31 =	spop (v2sf);
	v1 =	vmax.f32 v1, v47;
	v0 =	vmax.f32 v0, v50  }
0x1d6: {  	v60 =	vld [tilespmem:s31+$0x5A10];
	v1 =	vmax.f32 v1, v49;
	v0 =	vmax.f32 v0, v53  }
0x1d7: {  	v61 =	vld [tilespmem:s31+$0x5A00];
	v1 =	vmax.f32 v1, v21;
	v0 =	vmax.f32 v0, v51  }
0x1d8: {  	v63 =	vld [tilespmem:s11+$0x5E00];
	v1 =	vmax.f32 v1, v52;
	v0 =	vmax.f32 v0, v55  }
0x1d9: {  	v1 =	vmax.f32 v1, v54;
	v0 =	vmax.f32 v0, v57  }
0x1da: {  	v1 =	vmax.f32 v1, v56;
	v0 =	vmax.f32 v0, v59  }
0x1db: {  	v1 =	vmax.f32 v1, v58;
	v0 =	vmax.f32 v0, v60  }
0x1dc: {  	s10 =	sadd.s32 $0x1, s10;
	v1 =	vmax.f32 v1, v61;
	v0 =	vmax.f32 v0, v62  }
0x1dd: {  	p0 =	sne.s32 s10, s6;
	v1 =	vmax.f32 v1, v63;
	[tilespmem:s12+$0x6210] =	vst v0  }
.Ltmp1:
0x1de: {  	[tilespmem:s12+$0x6200] =	vst v1;
	(pc) =	sbr.rel @p0 .LBB2_1-.Ltmp1, $4  }
0x1df: {  	[hbm4b:s5+s1] =	stream.linear.scatter [tilespmem:s9], [sflag:$0x2], $0x1000, $0x38;
	[tilespmem:$0x7200] =	vst v63  }
0x1e0: {  	_ =	swait.ge [sflag:s7], $0x1000  }
0x1e1: {  	[sflag:s7] =	ssyncset.done $0x0  }
0x1e2: {  	[sflag:s7] =	ssyncadd.s32 $0xFFFFF000  }
0x1e3: {  	_ =	sfence.sel $0x180000  }
0x1e4: {  	[bflag:$0x0] =	sbarrier.arrive $0xFFFF  }
0x1e5: {  	_ =	strace $0x90000047  }
0x1e6: {  	[bflag:$0x2] =	sbarrier.arrive $0xFFFF  }
0x1e7: {  	p0 =	sne.s32 s3, $0x0;
	s0 =	rddreg [dreg:$0x2]  }
0x1e8: {  	s0 =	sadd.s32 @!p0 $0x100000, s0  }
0x1e9: {  	[sflag:s0] =	ssyncadd.tile.s32 @!p0 $0x1;
	_ =	shalt  }
.Lfunc_end2:
_tile_overlayer_lowered:
.L_overlay_start_2:
0x1ea: {  	(tag) =	ssettag $0x2  }
0x1eb: {  	s0 =	rddreg [dreg:$0x0];
	s2 =	stileid.u32  }
0x1ec: {  	s1 =	rddreg [dreg:$0x1];
	p0 =	sne.s32 s2, $0x0  }
0x1ed: {  	s3 =	rddreg [dreg:$0x2];
	[bflag:$0x3] =	sbarrier.arrive $0xFFFF;
	s2 =	simm.s32 @!p0 $0x1C02  }
0x1ee: {  	[timem:s3], [sflag:s2] =	dma.local @!p0 [hbm:s0], s1  }
0x1ef: {  	s0 =	simm.s32 @!p0 $0x2  }
0x1f0: {  	_ =	swait.ge @!p0 [sflag:s0], s1  }
0x1f1: {  	s1 =	ssub.s32 @!p0 $0x0, s1;
	[sflag:s0] =	ssyncset.done @!p0 $0x0  }
0x1f2: {  	[sflag:s0] =	ssyncadd.s32 @!p0 s1  }
0x1f3: {  	[bflag:$0x3] =	sbarrier.arrive $0xFFFF  }
0x1f4: {  	_ =	shalt  }

</sc_bundles>
